<compile_context>
chip_gen: v7x
topology: tpu7x:2x2x1
jax: 0.10.2.dev20260603
libtpu: 0.0.44.dev20260713+nightly
codegen_flags: <defaults>
</compile_context>

<pallas_src>
import functools

import jax
import jax.numpy as jnp
from jax import lax
from jax.experimental import pallas as pl
from jax.experimental.pallas import tpu as pltpu
from jax.experimental.pallas import tpu_sc as plsc

_N = 10000
_E = 320000
_D = 128
_NC = 2
_NS = 16
_NW = _NC * _NS
_EPW = _E // _NW
_L = 16

_mesh = plsc.VectorSubcoreMesh(core_axis_name="c", subcore_axis_name="s")


def _worker_id():
    return lax.axis_index("s") * _NC + lax.axis_index("c")


_UNROLL = 25


def _zero_vmem(ref, n):
    zeros = jnp.zeros((_L,), jnp.float32)
    step = _UNROLL * _L

    def body(i, carry):
        for j in range(_UNROLL):
            ref[pl.ds(i * step + j * _L, _L)] = zeros
        return carry

    lax.fori_loop(0, n // step, body, 0)


_BATCH = 5


@functools.partial(
    pl.kernel,
    out_type=jax.ShapeDtypeStruct((_NW, _N), jnp.float32),
    mesh=_mesh,
    scratch_types=[
        pltpu.VMEM((_EPW,), jnp.int32),
        pltpu.VMEM((_N,), jnp.float32),
        pltpu.SemaphoreType.DMA,
    ],
    compiler_params=pltpu.CompilerParams(needs_layout_passes=False, use_tc_tiling_on_sc=False),
)
def _sc_degree(ei_hbm, out_hbm, idx_v, acc_v, sem):
    wid = _worker_id()
    cp = pltpu.async_copy(ei_hbm.at[1, pl.ds(wid * _EPW, _EPW)], idx_v, sem)
    _zero_vmem(acc_v, _N)
    cp.wait()
    ones = jnp.ones((_L,), jnp.float32)
    step = _UNROLL * _L

    def body(i, carry):
        for j0 in range(0, _UNROLL, _BATCH):
            idxs = [idx_v[pl.ds(i * step + (j0 + k) * _L, _L)]
                    for k in range(_BATCH)]
            for k in range(_BATCH):
                plsc.addupdate_scatter(acc_v, [idxs[k]], ones)
        return carry

    lax.fori_loop(0, _EPW // step, body, 0)
    pltpu.sync_copy(acc_v, out_hbm.at[wid])


@functools.partial(
    pl.kernel,
    out_type=jax.ShapeDtypeStruct((_NW, _N), jnp.float32),
    mesh=_mesh,
    scratch_types=[
        pltpu.VMEM((_N,), jnp.float32),
        pltpu.VMEM((_EPW,), jnp.int32),
        pltpu.VMEM((_EPW,), jnp.int32),
        pltpu.VMEM((_N,), jnp.float32),
        pltpu.SemaphoreType.DMA,
        pltpu.SemaphoreType.DMA,
        pltpu.SemaphoreType.DMA,
    ],
    compiler_params=pltpu.CompilerParams(needs_layout_passes=False, use_tc_tiling_on_sc=False),
)
def _sc_scatter(g_hbm, ei_hbm, out_hbm, g_v, src_v, dst_v, acc_v,
                sem_g, sem_s, sem_d):
    wid = _worker_id()
    base = wid * _EPW
    cp_g = pltpu.async_copy(g_hbm.at[0], g_v, sem_g)
    cp_s = pltpu.async_copy(ei_hbm.at[0, pl.ds(base, _EPW)], src_v, sem_s)
    cp_d = pltpu.async_copy(ei_hbm.at[1, pl.ds(base, _EPW)], dst_v, sem_d)
    _zero_vmem(acc_v, _N)
    cp_g.wait()
    cp_s.wait()
    cp_d.wait()

    step = _UNROLL * _L

    def body(i, carry):
        for j0 in range(0, _UNROLL, _BATCH):
            ss = [src_v[pl.ds(i * step + (j0 + k) * _L, _L)]
                  for k in range(_BATCH)]
            vals = [plsc.load_gather(g_v, [s]) for s in ss]
            dd = [dst_v[pl.ds(i * step + (j0 + k) * _L, _L)]
                  for k in range(_BATCH)]
            for k in range(_BATCH):
                plsc.addupdate_scatter(acc_v, [dd[k]], vals[k])
        return carry

    lax.fori_loop(0, _EPW // step, body, 0)
    pltpu.sync_copy(acc_v, out_hbm.at[wid])


def _tc_matvec_body(x_ref, W1_ref, W2_ref, Wo_ref, b1_ref, b2_ref, bo_ref,
                    y0_ref, consts_ref):
    v = jnp.dot(W2_ref[...], Wo_ref[...])
    u = jnp.dot(W1_ref[...], v)
    y0_ref[...] = jnp.dot(x_ref[...], u).T
    beta = jnp.dot(b1_ref[...], v)
    c2 = jnp.dot(b2_ref[...], Wo_ref[...]) + bo_ref[...]
    consts_ref[...] = jnp.concatenate([beta, c2], axis=1)


_tc_matvec = pl.pallas_call(
    _tc_matvec_body,
    out_shape=(
        jax.ShapeDtypeStruct((1, _N), jnp.float32),
        jax.ShapeDtypeStruct((1, 2), jnp.float32),
    ),
)


def _tc_prep0_body(degp_ref, y0_ref, dinv_ref, g0_ref):
    deg = jnp.sum(degp_ref[...], axis=0, keepdims=True) + 1.0
    r = lax.rsqrt(deg)
    r = r * (1.5 - 0.5 * deg * r * r)
    dinv = r * (1.5 - 0.5 * deg * r * r)
    dinv_ref[...] = dinv
    g0_ref[...] = dinv * y0_ref[...]


_tc_prep0 = pl.pallas_call(
    _tc_prep0_body,
    out_shape=(
        jax.ShapeDtypeStruct((1, _N), jnp.float32),
        jax.ShapeDtypeStruct((1, _N), jnp.float32),
    ),
)


def _tc_step_body(sp_ref, g_ref, dinv_ref, consts_ref, gout_ref):
    s = jnp.sum(sp_ref[...], axis=0, keepdims=True)
    y = dinv_ref[...] * (s + g_ref[...]) + consts_ref[0, 0]
    gout_ref[...] = dinv_ref[...] * y


_tc_step = pl.pallas_call(
    _tc_step_body,
    out_shape=jax.ShapeDtypeStruct((1, _N), jnp.float32),
)


def _tc_final_body(sp_ref, g_ref, dinv_ref, consts_ref, out_ref):
    s = jnp.sum(sp_ref[...], axis=0, keepdims=True)
    y = dinv_ref[...] * (s + g_ref[...]) + consts_ref[0, 1]
    out_ref[...] = jnp.clip(y, -4.0, 4.0)


_tc_final = pl.pallas_call(
    _tc_final_body,
    out_shape=jax.ShapeDtypeStruct((1, _N), jnp.float32),
)


def kernel(x, edge_index, W1, b1, W2, b2, W_out, b_out):
    b1r = b1.reshape(1, _D)
    b2r = b2.reshape(1, _D)
    bor = b_out.reshape(1, 1)

    degp = _sc_degree(edge_index)
    y0, consts = _tc_matvec(x, W1, W2, W_out, b1r, b2r, bor)
    dinv, g0 = _tc_prep0(degp, y0)
    s0p = _sc_scatter(g0, edge_index)
    g1 = _tc_step(s0p, g0, dinv, consts)
    s1p = _sc_scatter(g1, edge_index)
    out = _tc_final(s1p, g1, dinv, consts)
    return out.reshape(_N, 1)

# --- scband reference (transcript-rebuilt; emitter-appended) ---
"""Pipeline reference for scband-base-gnn-65395172049088 (READ-ONLY COPY).

The authoritative reference and input builder live on the scoring server;
editing this copy changes nothing except your own understanding.
"""

import jax, jax.numpy as jnp
import numpy as np

N = 10000
E = 320000
D = 128


def gcn_conv(x, edge_index, W, b):
    n = x.shape[0]
    src = edge_index[0]
    dst = edge_index[1]
    # add self-loops (GCNConv default)
    loop = jnp.arange(n, dtype=src.dtype)
    src = jnp.concatenate([src, loop])
    dst = jnp.concatenate([dst, loop])
    deg = jnp.zeros((n,), dtype=x.dtype).at[dst].add(1.0)
    dinv = jax.lax.rsqrt(jnp.maximum(deg, 1.0))
    norm = dinv[src] * dinv[dst]
    h = x @ W
    msg = h[src] * norm[:, None]
    out = jax.ops.segment_sum(msg, dst, num_segments=n)
    return out + b


def setup_inputs(seed: int = 0) -> dict:
    key = jax.random.key(seed)
    ks = jax.random.split(key, 8)
    x = jax.random.normal(ks[0], (N, D), dtype=jnp.float32)
    edge_index = jax.random.randint(ks[1], (2, E), 0, N, dtype=jnp.int32)
    s = 1.0 / np.sqrt(D)
    W1 = jax.random.normal(ks[2], (D, D), dtype=jnp.float32) * s
    b1 = jnp.zeros((D,), dtype=jnp.float32)
    W2 = jax.random.normal(ks[3], (D, D), dtype=jnp.float32) * s
    b2 = jnp.zeros((D,), dtype=jnp.float32)
    W_out = jax.random.normal(ks[4], (D, 1), dtype=jnp.float32) * s
    b_out = jnp.zeros((1,), dtype=jnp.float32)
    return {"x": x, "edge_index": edge_index, "W1": W1, "b1": b1, "W2": W2, "b2": b2, "W_out": W_out, "b_out": b_out}


def reference(x, edge_index, W1, b1, W2, b2, W_out, b_out):
    h = gcn_conv(x, edge_index, W1, b1)
    h = gcn_conv(h, edge_index, W2, b2)
    out = h @ W_out + b_out
    return jnp.clip(out, -4.0, 4.0)

if __name__ == "__main__":
    import jax
    _d = setup_inputs()
    print(jax.jit(kernel)(*tuple(_d.values())))

</pallas_src>

<mosaic_0001>
#map = affine_map<(d0, d1) -> (0, 0)>
module attributes {stable_mosaic.version = 14 : i64} {
  func.func @_sc_scatter(%arg0: i32, %arg1: i32, %arg2: memref<1x10000xf32, #tpu.memory_space<hbm>>, %arg3: memref<2x320000xi32, #tpu.memory_space<hbm>>, %arg4: memref<32x10000xf32, #tpu.memory_space<hbm>>, %arg5: memref<10000xf32, #tpu.memory_space<vmem>>, %arg6: memref<10000xi32, #tpu.memory_space<vmem>>, %arg7: memref<10000xi32, #tpu.memory_space<vmem>>, %arg8: memref<10000xf32, #tpu.memory_space<vmem>>, %arg9: memref<!tpu.dma_semaphore, #tpu.memory_space<semaphore_mem>>, %arg10: memref<!tpu.dma_semaphore, #tpu.memory_space<semaphore_mem>>, %arg11: memref<!tpu.dma_semaphore, #tpu.memory_space<semaphore_mem>>) attributes {dimension_semantics = [#tpu.dimension_semantics<core_parallel>, #tpu.dimension_semantics<subcore_parallel>], iteration_bounds = array<i64: 2, 16>, scalar_prefetch = 0 : i64, scratch_operands = 7 : i64, tpu.core_type = #tpu.core_type<sc_vector_subcore>, window_params = [{transform_indices = #map}, {transform_indices = #map}, {transform_indices = #map}]} {
    %mul3A = arith.constant 2 : i32
    %mul3A_0 = arith.muli %arg1, %mul3A : i32
    %add3A = arith.addi %mul3A_0, %arg0 : i32
    %mul3A_1 = arith.constant 10000 : i32
    %mul3A_2 = arith.muli %add3A, %mul3A_1 : i32
    %dma_start3A = arith.constant 0 : i32
    %dma_start3A_3 = arith.constant 0 : i32
    %dma_start3A_4 = tpu.memref_slice %arg2[%dma_start3A, %dma_start3A_3] : memref<1x10000xf32, #tpu.memory_space<hbm>> -> memref<1x10000xf32, #tpu.memory_space<hbm>>
    %dma_start3A_5 = tpu.memref_squeeze %dma_start3A_4 : memref<1x10000xf32, #tpu.memory_space<hbm>> -> memref<10000xf32, #tpu.memory_space<hbm>>
    %dma_start3A_6 = arith.constant 0 : i32
    %dma_start3A_7 = tpu.memref_slice %arg2[%dma_start3A, %dma_start3A_6] : memref<1x10000xf32, #tpu.memory_space<hbm>> -> memref<1x10000xf32, #tpu.memory_space<hbm>>
    %dma_start3A_8 = tpu.memref_squeeze %dma_start3A_7 : memref<1x10000xf32, #tpu.memory_space<hbm>> -> memref<10000xf32, #tpu.memory_space<hbm>>
    tpu.enqueue_dma source(%dma_start3A_8 : memref<10000xf32, #tpu.memory_space<hbm>>) target(%arg5 : memref<10000xf32, #tpu.memory_space<vmem>>) target_semaphore(%arg9 : memref<!tpu.dma_semaphore, #tpu.memory_space<semaphore_mem>>)
    %dma_start3A_9 = arith.constant 0 : i32
    %dma_start3A_10 = tpu.memref_slice %arg3[%dma_start3A_9, %mul3A_2] : memref<2x320000xi32, #tpu.memory_space<hbm>> -> memref<1x10000xi32, #tpu.memory_space<hbm>>
    %dma_start3A_11 = tpu.memref_squeeze %dma_start3A_10 : memref<1x10000xi32, #tpu.memory_space<hbm>> -> memref<10000xi32, #tpu.memory_space<hbm>>
    %dma_start3A_12 = tpu.memref_slice %arg3[%dma_start3A_9, %mul3A_2] : memref<2x320000xi32, #tpu.memory_space<hbm>> -> memref<1x10000xi32, #tpu.memory_space<hbm>>
    %dma_start3A_13 = tpu.memref_squeeze %dma_start3A_12 : memref<1x10000xi32, #tpu.memory_space<hbm>> -> memref<10000xi32, #tpu.memory_space<hbm>>
    tpu.enqueue_dma source(%dma_start3A_13 : memref<10000xi32, #tpu.memory_space<hbm>>) target(%arg6 : memref<10000xi32, #tpu.memory_space<vmem>>) target_semaphore(%arg10 : memref<!tpu.dma_semaphore, #tpu.memory_space<semaphore_mem>>)
    %dma_start3A_14 = arith.constant 1 : i32
    %dma_start3A_15 = tpu.memref_slice %arg3[%dma_start3A_14, %mul3A_2] : memref<2x320000xi32, #tpu.memory_space<hbm>> -> memref<1x10000xi32, #tpu.memory_space<hbm>>
    %dma_start3A_16 = tpu.memref_squeeze %dma_start3A_15 : memref<1x10000xi32, #tpu.memory_space<hbm>> -> memref<10000xi32, #tpu.memory_space<hbm>>
    %dma_start3A_17 = tpu.memref_slice %arg3[%dma_start3A_14, %mul3A_2] : memref<2x320000xi32, #tpu.memory_space<hbm>> -> memref<1x10000xi32, #tpu.memory_space<hbm>>
    %dma_start3A_18 = tpu.memref_squeeze %dma_start3A_17 : memref<1x10000xi32, #tpu.memory_space<hbm>> -> memref<10000xi32, #tpu.memory_space<hbm>>
    tpu.enqueue_dma source(%dma_start3A_18 : memref<10000xi32, #tpu.memory_space<hbm>>) target(%arg7 : memref<10000xi32, #tpu.memory_space<vmem>>) target_semaphore(%arg11 : memref<!tpu.dma_semaphore, #tpu.memory_space<semaphore_mem>>)
    %broadcast_in_dim3A = arith.constant 0.000000e+00 : f32
    %broadcast_in_dim3A_19 = vector.broadcast %broadcast_in_dim3A : f32 to vector<16xf32>
    %scan3A = arith.constant 0 : i32
    %scan3A_20 = arith.constant 0 : i32
    %scan3A_21 = arith.constant 25 : i32
    %scan3A_22 = arith.addi %scan3A_20, %scan3A_21 : i32
    %scan3A_23 = arith.constant 1 : i32
    scf.for %scan3A_47 = %scan3A_20 to %scan3A_22 step %scan3A_23  : i32 {
      %mul3A_48 = arith.constant 400 : i32
      %mul3A_49 = arith.muli %scan3A_47, %mul3A_48 : i32
      %add3A_50 = arith.constant 0 : i32
      %add3A_51 = arith.addi %mul3A_49, %add3A_50 : i32
      %swap3A = arith.index_cast %add3A_51 : i32 to index
      %swap3A_52 = tpu.vector_load %arg8[%swap3A] {strides = array<i32>} : memref<10000xf32, #tpu.memory_space<vmem>>, vector<16xf32>,
      tpu.vector_store %arg8[%swap3A], %broadcast_in_dim3A_19 {strides = array<i32>} : memref<10000xf32, #tpu.memory_space<vmem>>, vector<16xf32>,
      %mul3A_53 = arith.constant 400 : i32
      %mul3A_54 = arith.muli %scan3A_47, %mul3A_53 : i32
      %add3A_55 = arith.constant 16 : i32
      %add3A_56 = arith.addi %mul3A_54, %add3A_55 : i32
      %swap3A_57 = arith.index_cast %add3A_56 : i32 to index
      %swap3A_58 = tpu.vector_load %arg8[%swap3A_57] {strides = array<i32>} : memref<10000xf32, #tpu.memory_space<vmem>>, vector<16xf32>,
      tpu.vector_store %arg8[%swap3A_57], %broadcast_in_dim3A_19 {strides = array<i32>} : memref<10000xf32, #tpu.memory_space<vmem>>, vector<16xf32>,
      %mul3A_59 = arith.constant 400 : i32
      %mul3A_60 = arith.muli %scan3A_47, %mul3A_59 : i32
      %add3A_61 = arith.constant 32 : i32
      %add3A_62 = arith.addi %mul3A_60, %add3A_61 : i32
      %swap3A_63 = arith.index_cast %add3A_62 : i32 to index
      %swap3A_64 = tpu.vector_load %arg8[%swap3A_63] {strides = array<i32>} : memref<10000xf32, #tpu.memory_space<vmem>>, vector<16xf32>,
      tpu.vector_store %arg8[%swap3A_63], %broadcast_in_dim3A_19 {strides = array<i32>} : memref<10000xf32, #tpu.memory_space<vmem>>, vector<16xf32>,
      %mul3A_65 = arith.constant 400 : i32
      %mul3A_66 = arith.muli %scan3A_47, %mul3A_65 : i32
      %add3A_67 = arith.constant 48 : i32
      %add3A_68 = arith.addi %mul3A_66, %add3A_67 : i32
      %swap3A_69 = arith.index_cast %add3A_68 : i32 to index
      %swap3A_70 = tpu.vector_load %arg8[%swap3A_69] {strides = array<i32>} : memref<10000xf32, #tpu.memory_space<vmem>>, vector<16xf32>,
      tpu.vector_store %arg8[%swap3A_69], %broadcast_in_dim3A_19 {strides = array<i32>} : memref<10000xf32, #tpu.memory_space<vmem>>, vector<16xf32>,
      %mul3A_71 = arith.constant 400 : i32
      %mul3A_72 = arith.muli %scan3A_47, %mul3A_71 : i32
      %add3A_73 = arith.constant 64 : i32
      %add3A_74 = arith.addi %mul3A_72, %add3A_73 : i32
      %swap3A_75 = arith.index_cast %add3A_74 : i32 to index
      %swap3A_76 = tpu.vector_load %arg8[%swap3A_75] {strides = array<i32>} : memref<10000xf32, #tpu.memory_space<vmem>>, vector<16xf32>,
      tpu.vector_store %arg8[%swap3A_75], %broadcast_in_dim3A_19 {strides = array<i32>} : memref<10000xf32, #tpu.memory_space<vmem>>, vector<16xf32>,
      %mul3A_77 = arith.constant 400 : i32
      %mul3A_78 = arith.muli %scan3A_47, %mul3A_77 : i32
      %add3A_79 = arith.constant 80 : i32
      %add3A_80 = arith.addi %mul3A_78, %add3A_79 : i32
      %swap3A_81 = arith.index_cast %add3A_80 : i32 to index
      %swap3A_82 = tpu.vector_load %arg8[%swap3A_81] {strides = array<i32>} : memref<10000xf32, #tpu.memory_space<vmem>>, vector<16xf32>,
      tpu.vector_store %arg8[%swap3A_81], %broadcast_in_dim3A_19 {strides = array<i32>} : memref<10000xf32, #tpu.memory_space<vmem>>, vector<16xf32>,
      %mul3A_83 = arith.constant 400 : i32
      %mul3A_84 = arith.muli %scan3A_47, %mul3A_83 : i32
      %add3A_85 = arith.constant 96 : i32
      %add3A_86 = arith.addi %mul3A_84, %add3A_85 : i32
      %swap3A_87 = arith.index_cast %add3A_86 : i32 to index
      %swap3A_88 = tpu.vector_load %arg8[%swap3A_87] {strides = array<i32>} : memref<10000xf32, #tpu.memory_space<vmem>>, vector<16xf32>,
      tpu.vector_store %arg8[%swap3A_87], %broadcast_in_dim3A_19 {strides = array<i32>} : memref<10000xf32, #tpu.memory_space<vmem>>, vector<16xf32>,
      %mul3A_89 = arith.constant 400 : i32
      %mul3A_90 = arith.muli %scan3A_47, %mul3A_89 : i32
      %add3A_91 = arith.constant 112 : i32
      %add3A_92 = arith.addi %mul3A_90, %add3A_91 : i32
      %swap3A_93 = arith.index_cast %add3A_92 : i32 to index
      %swap3A_94 = tpu.vector_load %arg8[%swap3A_93] {strides = array<i32>} : memref<10000xf32, #tpu.memory_space<vmem>>, vector<16xf32>,
      tpu.vector_store %arg8[%swap3A_93], %broadcast_in_dim3A_19 {strides = array<i32>} : memref<10000xf32, #tpu.memory_space<vmem>>, vector<16xf32>,
      %mul3A_95 = arith.constant 400 : i32
      %mul3A_96 = arith.muli %scan3A_47, %mul3A_95 : i32
      %add3A_97 = arith.constant 128 : i32
      %add3A_98 = arith.addi %mul3A_96, %add3A_97 : i32
      %swap3A_99 = arith.index_cast %add3A_98 : i32 to index
      %swap3A_100 = tpu.vector_load %arg8[%swap3A_99] {strides = array<i32>} : memref<10000xf32, #tpu.memory_space<vmem>>, vector<16xf32>,
      tpu.vector_store %arg8[%swap3A_99], %broadcast_in_dim3A_19 {strides = array<i32>} : memref<10000xf32, #tpu.memory_space<vmem>>, vector<16xf32>,
      %mul3A_101 = arith.constant 400 : i32
      %mul3A_102 = arith.muli %scan3A_47, %mul3A_101 : i32
      %add3A_103 = arith.constant 144 : i32
      %add3A_104 = arith.addi %mul3A_102, %add3A_103 : i32
      %swap3A_105 = arith.index_cast %add3A_104 : i32 to index
      %swap3A_106 = tpu.vector_load %arg8[%swap3A_105] {strides = array<i32>} : memref<10000xf32, #tpu.memory_space<vmem>>, vector<16xf32>,
      tpu.vector_store %arg8[%swap3A_105], %broadcast_in_dim3A_19 {strides = array<i32>} : memref<10000xf32, #tpu.memory_space<vmem>>, vector<16xf32>,
      %mul3A_107 = arith.constant 400 : i32
      %mul3A_108 = arith.muli %scan3A_47, %mul3A_107 : i32
      %add3A_109 = arith.constant 160 : i32
      %add3A_110 = arith.addi %mul3A_108, %add3A_109 : i32
      %swap3A_111 = arith.index_cast %add3A_110 : i32 to index
      %swap3A_112 = tpu.vector_load %arg8[%swap3A_111] {strides = array<i32>} : memref<10000xf32, #tpu.memory_space<vmem>>, vector<16xf32>,
      tpu.vector_store %arg8[%swap3A_111], %broadcast_in_dim3A_19 {strides = array<i32>} : memref<10000xf32, #tpu.memory_space<vmem>>, vector<16xf32>,
      %mul3A_113 = arith.constant 400 : i32
      %mul3A_114 = arith.muli %scan3A_47, %mul3A_113 : i32
      %add3A_115 = arith.constant 176 : i32
      %add3A_116 = arith.addi %mul3A_114, %add3A_115 : i32
      %swap3A_117 = arith.index_cast %add3A_116 : i32 to index
      %swap3A_118 = tpu.vector_load %arg8[%swap3A_117] {strides = array<i32>} : memref<10000xf32, #tpu.memory_space<vmem>>, vector<16xf32>,
      tpu.vector_store %arg8[%swap3A_117], %broadcast_in_dim3A_19 {strides = array<i32>} : memref<10000xf32, #tpu.memory_space<vmem>>, vector<16xf32>,
      %mul3A_119 = arith.constant 400 : i32
      %mul3A_120 = arith.muli %scan3A_47, %mul3A_119 : i32
      %add3A_121 = arith.constant 192 : i32
      %add3A_122 = arith.addi %mul3A_120, %add3A_121 : i32
      %swap3A_123 = arith.index_cast %add3A_122 : i32 to index
      %swap3A_124 = tpu.vector_load %arg8[%swap3A_123] {strides = array<i32>} : memref<10000xf32, #tpu.memory_space<vmem>>, vector<16xf32>,
      tpu.vector_store %arg8[%swap3A_123], %broadcast_in_dim3A_19 {strides = array<i32>} : memref<10000xf32, #tpu.memory_space<vmem>>, vector<16xf32>,
      %mul3A_125 = arith.constant 400 : i32
      %mul3A_126 = arith.muli %scan3A_47, %mul3A_125 : i32
      %add3A_127 = arith.constant 208 : i32
      %add3A_128 = arith.addi %mul3A_126, %add3A_127 : i32
      %swap3A_129 = arith.index_cast %add3A_128 : i32 to index
      %swap3A_130 = tpu.vector_load %arg8[%swap3A_129] {strides = array<i32>} : memref<10000xf32, #tpu.memory_space<vmem>>, vector<16xf32>,
      tpu.vector_store %arg8[%swap3A_129], %broadcast_in_dim3A_19 {strides = array<i32>} : memref<10000xf32, #tpu.memory_space<vmem>>, vector<16xf32>,
      %mul3A_131 = arith.constant 400 : i32
      %mul3A_132 = arith.muli %scan3A_47, %mul3A_131 : i32
      %add3A_133 = arith.constant 224 : i32
      %add3A_134 = arith.addi %mul3A_132, %add3A_133 : i32
      %swap3A_135 = arith.index_cast %add3A_134 : i32 to index
      %swap3A_136 = tpu.vector_load %arg8[%swap3A_135] {strides = array<i32>} : memref<10000xf32, #tpu.memory_space<vmem>>, vector<16xf32>,
      tpu.vector_store %arg8[%swap3A_135], %broadcast_in_dim3A_19 {strides = array<i32>} : memref<10000xf32, #tpu.memory_space<vmem>>, vector<16xf32>,
      %mul3A_137 = arith.constant 400 : i32
      %mul3A_138 = arith.muli %scan3A_47, %mul3A_137 : i32
      %add3A_139 = arith.constant 240 : i32
      %add3A_140 = arith.addi %mul3A_138, %add3A_139 : i32
      %swap3A_141 = arith.index_cast %add3A_140 : i32 to index
      %swap3A_142 = tpu.vector_load %arg8[%swap3A_141] {strides = array<i32>} : memref<10000xf32, #tpu.memory_space<vmem>>, vector<16xf32>,
      tpu.vector_store %arg8[%swap3A_141], %broadcast_in_dim3A_19 {strides = array<i32>} : memref<10000xf32, #tpu.memory_space<vmem>>, vector<16xf32>,
      %mul3A_143 = arith.constant 400 : i32
      %mul3A_144 = arith.muli %scan3A_47, %mul3A_143 : i32
      %add3A_145 = arith.constant 256 : i32
      %add3A_146 = arith.addi %mul3A_144, %add3A_145 : i32
      %swap3A_147 = arith.index_cast %add3A_146 : i32 to index
      %swap3A_148 = tpu.vector_load %arg8[%swap3A_147] {strides = array<i32>} : memref<10000xf32, #tpu.memory_space<vmem>>, vector<16xf32>,
      tpu.vector_store %arg8[%swap3A_147], %broadcast_in_dim3A_19 {strides = array<i32>} : memref<10000xf32, #tpu.memory_space<vmem>>, vector<16xf32>,
      %mul3A_149 = arith.constant 400 : i32
      %mul3A_150 = arith.muli %scan3A_47, %mul3A_149 : i32
      %add3A_151 = arith.constant 272 : i32
      %add3A_152 = arith.addi %mul3A_150, %add3A_151 : i32
      %swap3A_153 = arith.index_cast %add3A_152 : i32 to index
      %swap3A_154 = tpu.vector_load %arg8[%swap3A_153] {strides = array<i32>} : memref<10000xf32, #tpu.memory_space<vmem>>, vector<16xf32>,
      tpu.vector_store %arg8[%swap3A_153], %broadcast_in_dim3A_19 {strides = array<i32>} : memref<10000xf32, #tpu.memory_space<vmem>>, vector<16xf32>,
      %mul3A_155 = arith.constant 400 : i32
      %mul3A_156 = arith.muli %scan3A_47, %mul3A_155 : i32
      %add3A_157 = arith.constant 288 : i32
      %add3A_158 = arith.addi %mul3A_156, %add3A_157 : i32
      %swap3A_159 = arith.index_cast %add3A_158 : i32 to index
      %swap3A_160 = tpu.vector_load %arg8[%swap3A_159] {strides = array<i32>} : memref<10000xf32, #tpu.memory_space<vmem>>, vector<16xf32>,
      tpu.vector_store %arg8[%swap3A_159], %broadcast_in_dim3A_19 {strides = array<i32>} : memref<10000xf32, #tpu.memory_space<vmem>>, vector<16xf32>,
      %mul3A_161 = arith.constant 400 : i32
      %mul3A_162 = arith.muli %scan3A_47, %mul3A_161 : i32
      %add3A_163 = arith.constant 304 : i32
      %add3A_164 = arith.addi %mul3A_162, %add3A_163 : i32
      %swap3A_165 = arith.index_cast %add3A_164 : i32 to index
      %swap3A_166 = tpu.vector_load %arg8[%swap3A_165] {strides = array<i32>} : memref<10000xf32, #tpu.memory_space<vmem>>, vector<16xf32>,
      tpu.vector_store %arg8[%swap3A_165], %broadcast_in_dim3A_19 {strides = array<i32>} : memref<10000xf32, #tpu.memory_space<vmem>>, vector<16xf32>,
      %mul3A_167 = arith.constant 400 : i32
      %mul3A_168 = arith.muli %scan3A_47, %mul3A_167 : i32
      %add3A_169 = arith.constant 320 : i32
      %add3A_170 = arith.addi %mul3A_168, %add3A_169 : i32
      %swap3A_171 = arith.index_cast %add3A_170 : i32 to index
      %swap3A_172 = tpu.vector_load %arg8[%swap3A_171] {strides = array<i32>} : memref<10000xf32, #tpu.memory_space<vmem>>, vector<16xf32>,
      tpu.vector_store %arg8[%swap3A_171], %broadcast_in_dim3A_19 {strides = array<i32>} : memref<10000xf32, #tpu.memory_space<vmem>>, vector<16xf32>,
      %mul3A_173 = arith.constant 400 : i32
      %mul3A_174 = arith.muli %scan3A_47, %mul3A_173 : i32
      %add3A_175 = arith.constant 336 : i32
      %add3A_176 = arith.addi %mul3A_174, %add3A_175 : i32
      %swap3A_177 = arith.index_cast %add3A_176 : i32 to index
      %swap3A_178 = tpu.vector_load %arg8[%swap3A_177] {strides = array<i32>} : memref<10000xf32, #tpu.memory_space<vmem>>, vector<16xf32>,
      tpu.vector_store %arg8[%swap3A_177], %broadcast_in_dim3A_19 {strides = array<i32>} : memref<10000xf32, #tpu.memory_space<vmem>>, vector<16xf32>,
      %mul3A_179 = arith.constant 400 : i32
      %mul3A_180 = arith.muli %scan3A_47, %mul3A_179 : i32
      %add3A_181 = arith.constant 352 : i32
      %add3A_182 = arith.addi %mul3A_180, %add3A_181 : i32
      %swap3A_183 = arith.index_cast %add3A_182 : i32 to index
      %swap3A_184 = tpu.vector_load %arg8[%swap3A_183] {strides = array<i32>} : memref<10000xf32, #tpu.memory_space<vmem>>, vector<16xf32>,
      tpu.vector_store %arg8[%swap3A_183], %broadcast_in_dim3A_19 {strides = array<i32>} : memref<10000xf32, #tpu.memory_space<vmem>>, vector<16xf32>,
      %mul3A_185 = arith.constant 400 : i32
      %mul3A_186 = arith.muli %scan3A_47, %mul3A_185 : i32
      %add3A_187 = arith.constant 368 : i32
      %add3A_188 = arith.addi %mul3A_186, %add3A_187 : i32
      %swap3A_189 = arith.index_cast %add3A_188 : i32 to index
      %swap3A_190 = tpu.vector_load %arg8[%swap3A_189] {strides = array<i32>} : memref<10000xf32, #tpu.memory_space<vmem>>, vector<16xf32>,
      tpu.vector_store %arg8[%swap3A_189], %broadcast_in_dim3A_19 {strides = array<i32>} : memref<10000xf32, #tpu.memory_space<vmem>>, vector<16xf32>,
      %mul3A_191 = arith.constant 400 : i32
      %mul3A_192 = arith.muli %scan3A_47, %mul3A_191 : i32
      %add3A_193 = arith.constant 384 : i32
      %add3A_194 = arith.addi %mul3A_192, %add3A_193 : i32
      %swap3A_195 = arith.index_cast %add3A_194 : i32 to index
      %swap3A_196 = tpu.vector_load %arg8[%swap3A_195] {strides = array<i32>} : memref<10000xf32, #tpu.memory_space<vmem>>, vector<16xf32>,
      tpu.vector_store %arg8[%swap3A_195], %broadcast_in_dim3A_19 {strides = array<i32>} : memref<10000xf32, #tpu.memory_space<vmem>>, vector<16xf32>,
    }
    %scan3A_24 = arith.constant 25 : i32
    %dma_wait3A = arith.constant 0 : i32
    %dma_wait3A_25 = arith.constant 0 : i32
    %dma_wait3A_26 = tpu.memref_slice %arg2[%dma_wait3A, %dma_wait3A_25] : memref<1x10000xf32, #tpu.memory_space<hbm>> -> memref<1x10000xf32, #tpu.memory_space<hbm>>
    %dma_wait3A_27 = tpu.memref_squeeze %dma_wait3A_26 : memref<1x10000xf32, #tpu.memory_space<hbm>> -> memref<10000xf32, #tpu.memory_space<hbm>>
    %dma_wait3A_28 = arith.constant 0 : i32
    %dma_wait3A_29 = tpu.memref_slice %arg2[%dma_wait3A, %dma_wait3A_28] : memref<1x10000xf32, #tpu.memory_space<hbm>> -> memref<1x10000xf32, #tpu.memory_space<hbm>>
    %dma_wait3A_30 = tpu.memref_squeeze %dma_wait3A_29 : memref<1x10000xf32, #tpu.memory_space<hbm>> -> memref<10000xf32, #tpu.memory_space<hbm>>
    tpu.wait_dma2 semaphore(%arg9 : memref<!tpu.dma_semaphore, #tpu.memory_space<semaphore_mem>>) src(%dma_wait3A_30 : memref<10000xf32, #tpu.memory_space<hbm>>) dst(%arg5 : memref<10000xf32, #tpu.memory_space<vmem>>)
    %dma_wait3A_31 = arith.constant 0 : i32
    %dma_wait3A_32 = tpu.memref_slice %arg3[%dma_wait3A_31, %mul3A_2] : memref<2x320000xi32, #tpu.memory_space<hbm>> -> memref<1x10000xi32, #tpu.memory_space<hbm>>
    %dma_wait3A_33 = tpu.memref_squeeze %dma_wait3A_32 : memref<1x10000xi32, #tpu.memory_space<hbm>> -> memref<10000xi32, #tpu.memory_space<hbm>>
    %dma_wait3A_34 = tpu.memref_slice %arg3[%dma_wait3A_31, %mul3A_2] : memref<2x320000xi32, #tpu.memory_space<hbm>> -> memref<1x10000xi32, #tpu.memory_space<hbm>>
    %dma_wait3A_35 = tpu.memref_squeeze %dma_wait3A_34 : memref<1x10000xi32, #tpu.memory_space<hbm>> -> memref<10000xi32, #tpu.memory_space<hbm>>
    tpu.wait_dma2 semaphore(%arg10 : memref<!tpu.dma_semaphore, #tpu.memory_space<semaphore_mem>>) src(%dma_wait3A_35 : memref<10000xi32, #tpu.memory_space<hbm>>) dst(%arg6 : memref<10000xi32, #tpu.memory_space<vmem>>)
    %dma_wait3A_36 = arith.constant 1 : i32
    %dma_wait3A_37 = tpu.memref_slice %arg3[%dma_wait3A_36, %mul3A_2] : memref<2x320000xi32, #tpu.memory_space<hbm>> -> memref<1x10000xi32, #tpu.memory_space<hbm>>
    %dma_wait3A_38 = tpu.memref_squeeze %dma_wait3A_37 : memref<1x10000xi32, #tpu.memory_space<hbm>> -> memref<10000xi32, #tpu.memory_space<hbm>>
    %dma_wait3A_39 = tpu.memref_slice %arg3[%dma_wait3A_36, %mul3A_2] : memref<2x320000xi32, #tpu.memory_space<hbm>> -> memref<1x10000xi32, #tpu.memory_space<hbm>>
    %dma_wait3A_40 = tpu.memref_squeeze %dma_wait3A_39 : memref<1x10000xi32, #tpu.memory_space<hbm>> -> memref<10000xi32, #tpu.memory_space<hbm>>
    tpu.wait_dma2 semaphore(%arg11 : memref<!tpu.dma_semaphore, #tpu.memory_space<semaphore_mem>>) src(%dma_wait3A_40 : memref<10000xi32, #tpu.memory_space<hbm>>) dst(%arg7 : memref<10000xi32, #tpu.memory_space<vmem>>)
    %scan3A_41 = arith.constant 0 : i32
    %scan3A_42 = arith.constant 0 : i32
    %scan3A_43 = arith.constant 25 : i32
    %scan3A_44 = arith.addi %scan3A_42, %scan3A_43 : i32
    %scan3A_45 = arith.constant 1 : i32
    scf.for %scan3A_47 = %scan3A_42 to %scan3A_44 step %scan3A_45  : i32 {
      %mul3A_48 = arith.constant 400 : i32
      %mul3A_49 = arith.muli %scan3A_47, %mul3A_48 : i32
      %add3A_50 = arith.constant 0 : i32
      %add3A_51 = arith.addi %mul3A_49, %add3A_50 : i32
      %get3A = arith.index_cast %add3A_51 : i32 to index
      %get3A_52 = tpu.vector_load %arg6[%get3A] {strides = array<i32>} : memref<10000xi32, #tpu.memory_space<vmem>>, vector<16xi32>,
      %mul3A_53 = arith.constant 400 : i32
      %mul3A_54 = arith.muli %scan3A_47, %mul3A_53 : i32
      %add3A_55 = arith.constant 16 : i32
      %add3A_56 = arith.addi %mul3A_54, %add3A_55 : i32
      %get3A_57 = arith.index_cast %add3A_56 : i32 to index
      %get3A_58 = tpu.vector_load %arg6[%get3A_57] {strides = array<i32>} : memref<10000xi32, #tpu.memory_space<vmem>>, vector<16xi32>,
      %mul3A_59 = arith.constant 400 : i32
      %mul3A_60 = arith.muli %scan3A_47, %mul3A_59 : i32
      %add3A_61 = arith.constant 32 : i32
      %add3A_62 = arith.addi %mul3A_60, %add3A_61 : i32
      %get3A_63 = arith.index_cast %add3A_62 : i32 to index
      %get3A_64 = tpu.vector_load %arg6[%get3A_63] {strides = array<i32>} : memref<10000xi32, #tpu.memory_space<vmem>>, vector<16xi32>,
      %mul3A_65 = arith.constant 400 : i32
      %mul3A_66 = arith.muli %scan3A_47, %mul3A_65 : i32
      %add3A_67 = arith.constant 48 : i32
      %add3A_68 = arith.addi %mul3A_66, %add3A_67 : i32
      %get3A_69 = arith.index_cast %add3A_68 : i32 to index
      %get3A_70 = tpu.vector_load %arg6[%get3A_69] {strides = array<i32>} : memref<10000xi32, #tpu.memory_space<vmem>>, vector<16xi32>,
      %mul3A_71 = arith.constant 400 : i32
      %mul3A_72 = arith.muli %scan3A_47, %mul3A_71 : i32
      %add3A_73 = arith.constant 64 : i32
      %add3A_74 = arith.addi %mul3A_72, %add3A_73 : i32
      %get3A_75 = arith.index_cast %add3A_74 : i32 to index
      %get3A_76 = tpu.vector_load %arg6[%get3A_75] {strides = array<i32>} : memref<10000xi32, #tpu.memory_space<vmem>>, vector<16xi32>,
      %gather3A = tpu.vector_load_idx %arg5[%get3A_52] : memref<10000xf32, #tpu.memory_space<vmem>>[vector<16xi32>], vector<16xf32>,
      %gather3A_77 = tpu.vector_load_idx %arg5[%get3A_58] : memref<10000xf32, #tpu.memory_space<vmem>>[vector<16xi32>], vector<16xf32>,
      %gather3A_78 = tpu.vector_load_idx %arg5[%get3A_64] : memref<10000xf32, #tpu.memory_space<vmem>>[vector<16xi32>], vector<16xf32>,
      %gather3A_79 = tpu.vector_load_idx %arg5[%get3A_70] : memref<10000xf32, #tpu.memory_space<vmem>>[vector<16xi32>], vector<16xf32>,
      %gather3A_80 = tpu.vector_load_idx %arg5[%get3A_76] : memref<10000xf32, #tpu.memory_space<vmem>>[vector<16xi32>], vector<16xf32>,
      %mul3A_81 = arith.constant 400 : i32
      %mul3A_82 = arith.muli %scan3A_47, %mul3A_81 : i32
      %add3A_83 = arith.constant 0 : i32
      %add3A_84 = arith.addi %mul3A_82, %add3A_83 : i32
      %get3A_85 = arith.index_cast %add3A_84 : i32 to index
      %get3A_86 = tpu.vector_load %arg7[%get3A_85] {strides = array<i32>} : memref<10000xi32, #tpu.memory_space<vmem>>, vector<16xi32>,
      %mul3A_87 = arith.constant 400 : i32
      %mul3A_88 = arith.muli %scan3A_47, %mul3A_87 : i32
      %add3A_89 = arith.constant 16 : i32
      %add3A_90 = arith.addi %mul3A_88, %add3A_89 : i32
      %get3A_91 = arith.index_cast %add3A_90 : i32 to index
      %get3A_92 = tpu.vector_load %arg7[%get3A_91] {strides = array<i32>} : memref<10000xi32, #tpu.memory_space<vmem>>, vector<16xi32>,
      %mul3A_93 = arith.constant 400 : i32
      %mul3A_94 = arith.muli %scan3A_47, %mul3A_93 : i32
      %add3A_95 = arith.constant 32 : i32
      %add3A_96 = arith.addi %mul3A_94, %add3A_95 : i32
      %get3A_97 = arith.index_cast %add3A_96 : i32 to index
      %get3A_98 = tpu.vector_load %arg7[%get3A_97] {strides = array<i32>} : memref<10000xi32, #tpu.memory_space<vmem>>, vector<16xi32>,
      %mul3A_99 = arith.constant 400 : i32
      %mul3A_100 = arith.muli %scan3A_47, %mul3A_99 : i32
      %add3A_101 = arith.constant 48 : i32
      %add3A_102 = arith.addi %mul3A_100, %add3A_101 : i32
      %get3A_103 = arith.index_cast %add3A_102 : i32 to index
      %get3A_104 = tpu.vector_load %arg7[%get3A_103] {strides = array<i32>} : memref<10000xi32, #tpu.memory_space<vmem>>, vector<16xi32>,
      %mul3A_105 = arith.constant 400 : i32
      %mul3A_106 = arith.muli %scan3A_47, %mul3A_105 : i32
      %add3A_107 = arith.constant 64 : i32
      %add3A_108 = arith.addi %mul3A_106, %add3A_107 : i32
      %get3A_109 = arith.index_cast %add3A_108 : i32 to index
      %get3A_110 = tpu.vector_load %arg7[%get3A_109] {strides = array<i32>} : memref<10000xi32, #tpu.memory_space<vmem>>, vector<16xi32>,
      tpu.vector_store_idx %arg8[%get3A_86], %gather3A {add = true} : memref<10000xf32, #tpu.memory_space<vmem>>[vector<16xi32>], vector<16xf32>,
      tpu.vector_store_idx %arg8[%get3A_92], %gather3A_77 {add = true} : memref<10000xf32, #tpu.memory_space<vmem>>[vector<16xi32>], vector<16xf32>,
      tpu.vector_store_idx %arg8[%get3A_98], %gather3A_78 {add = true} : memref<10000xf32, #tpu.memory_space<vmem>>[vector<16xi32>], vector<16xf32>,
      tpu.vector_store_idx %arg8[%get3A_104], %gather3A_79 {add = true} : memref<10000xf32, #tpu.memory_space<vmem>>[vector<16xi32>], vector<16xf32>,
      tpu.vector_store_idx %arg8[%get3A_110], %gather3A_80 {add = true} : memref<10000xf32, #tpu.memory_space<vmem>>[vector<16xi32>], vector<16xf32>,
      %mul3A_111 = arith.constant 400 : i32
      %mul3A_112 = arith.muli %scan3A_47, %mul3A_111 : i32
      %add3A_113 = arith.constant 80 : i32
      %add3A_114 = arith.addi %mul3A_112, %add3A_113 : i32
      %get3A_115 = arith.index_cast %add3A_114 : i32 to index
      %get3A_116 = tpu.vector_load %arg6[%get3A_115] {strides = array<i32>} : memref<10000xi32, #tpu.memory_space<vmem>>, vector<16xi32>,
      %mul3A_117 = arith.constant 400 : i32
      %mul3A_118 = arith.muli %scan3A_47, %mul3A_117 : i32
      %add3A_119 = arith.constant 96 : i32
      %add3A_120 = arith.addi %mul3A_118, %add3A_119 : i32
      %get3A_121 = arith.index_cast %add3A_120 : i32 to index
      %get3A_122 = tpu.vector_load %arg6[%get3A_121] {strides = array<i32>} : memref<10000xi32, #tpu.memory_space<vmem>>, vector<16xi32>,
      %mul3A_123 = arith.constant 400 : i32
      %mul3A_124 = arith.muli %scan3A_47, %mul3A_123 : i32
      %add3A_125 = arith.constant 112 : i32
      %add3A_126 = arith.addi %mul3A_124, %add3A_125 : i32
      %get3A_127 = arith.index_cast %add3A_126 : i32 to index
      %get3A_128 = tpu.vector_load %arg6[%get3A_127] {strides = array<i32>} : memref<10000xi32, #tpu.memory_space<vmem>>, vector<16xi32>,
      %mul3A_129 = arith.constant 400 : i32
      %mul3A_130 = arith.muli %scan3A_47, %mul3A_129 : i32
      %add3A_131 = arith.constant 128 : i32
      %add3A_132 = arith.addi %mul3A_130, %add3A_131 : i32
      %get3A_133 = arith.index_cast %add3A_132 : i32 to index
      %get3A_134 = tpu.vector_load %arg6[%get3A_133] {strides = array<i32>} : memref<10000xi32, #tpu.memory_space<vmem>>, vector<16xi32>,
      %mul3A_135 = arith.constant 400 : i32
      %mul3A_136 = arith.muli %scan3A_47, %mul3A_135 : i32
      %add3A_137 = arith.constant 144 : i32
      %add3A_138 = arith.addi %mul3A_136, %add3A_137 : i32
      %get3A_139 = arith.index_cast %add3A_138 : i32 to index
      %get3A_140 = tpu.vector_load %arg6[%get3A_139] {strides = array<i32>} : memref<10000xi32, #tpu.memory_space<vmem>>, vector<16xi32>,
      %gather3A_141 = tpu.vector_load_idx %arg5[%get3A_116] : memref<10000xf32, #tpu.memory_space<vmem>>[vector<16xi32>], vector<16xf32>,
      %gather3A_142 = tpu.vector_load_idx %arg5[%get3A_122] : memref<10000xf32, #tpu.memory_space<vmem>>[vector<16xi32>], vector<16xf32>,
      %gather3A_143 = tpu.vector_load_idx %arg5[%get3A_128] : memref<10000xf32, #tpu.memory_space<vmem>>[vector<16xi32>], vector<16xf32>,
      %gather3A_144 = tpu.vector_load_idx %arg5[%get3A_134] : memref<10000xf32, #tpu.memory_space<vmem>>[vector<16xi32>], vector<16xf32>,
      %gather3A_145 = tpu.vector_load_idx %arg5[%get3A_140] : memref<10000xf32, #tpu.memory_space<vmem>>[vector<16xi32>], vector<16xf32>,
      %mul3A_146 = arith.constant 400 : i32
      %mul3A_147 = arith.muli %scan3A_47, %mul3A_146 : i32
      %add3A_148 = arith.constant 80 : i32
      %add3A_149 = arith.addi %mul3A_147, %add3A_148 : i32
      %get3A_150 = arith.index_cast %add3A_149 : i32 to index
      %get3A_151 = tpu.vector_load %arg7[%get3A_150] {strides = array<i32>} : memref<10000xi32, #tpu.memory_space<vmem>>, vector<16xi32>,
      %mul3A_152 = arith.constant 400 : i32
      %mul3A_153 = arith.muli %scan3A_47, %mul3A_152 : i32
      %add3A_154 = arith.constant 96 : i32
      %add3A_155 = arith.addi %mul3A_153, %add3A_154 : i32
      %get3A_156 = arith.index_cast %add3A_155 : i32 to index
      %get3A_157 = tpu.vector_load %arg7[%get3A_156] {strides = array<i32>} : memref<10000xi32, #tpu.memory_space<vmem>>, vector<16xi32>,
      %mul3A_158 = arith.constant 400 : i32
      %mul3A_159 = arith.muli %scan3A_47, %mul3A_158 : i32
      %add3A_160 = arith.constant 112 : i32
      %add3A_161 = arith.addi %mul3A_159, %add3A_160 : i32
      %get3A_162 = arith.index_cast %add3A_161 : i32 to index
      %get3A_163 = tpu.vector_load %arg7[%get3A_162] {strides = array<i32>} : memref<10000xi32, #tpu.memory_space<vmem>>, vector<16xi32>,
      %mul3A_164 = arith.constant 400 : i32
      %mul3A_165 = arith.muli %scan3A_47, %mul3A_164 : i32
      %add3A_166 = arith.constant 128 : i32
      %add3A_167 = arith.addi %mul3A_165, %add3A_166 : i32
      %get3A_168 = arith.index_cast %add3A_167 : i32 to index
      %get3A_169 = tpu.vector_load %arg7[%get3A_168] {strides = array<i32>} : memref<10000xi32, #tpu.memory_space<vmem>>, vector<16xi32>,
      %mul3A_170 = arith.constant 400 : i32
      %mul3A_171 = arith.muli %scan3A_47, %mul3A_170 : i32
      %add3A_172 = arith.constant 144 : i32
      %add3A_173 = arith.addi %mul3A_171, %add3A_172 : i32
      %get3A_174 = arith.index_cast %add3A_173 : i32 to index
      %get3A_175 = tpu.vector_load %arg7[%get3A_174] {strides = array<i32>} : memref<10000xi32, #tpu.memory_space<vmem>>, vector<16xi32>,
      tpu.vector_store_idx %arg8[%get3A_151], %gather3A_141 {add = true} : memref<10000xf32, #tpu.memory_space<vmem>>[vector<16xi32>], vector<16xf32>,
      tpu.vector_store_idx %arg8[%get3A_157], %gather3A_142 {add = true} : memref<10000xf32, #tpu.memory_space<vmem>>[vector<16xi32>], vector<16xf32>,
      tpu.vector_store_idx %arg8[%get3A_163], %gather3A_143 {add = true} : memref<10000xf32, #tpu.memory_space<vmem>>[vector<16xi32>], vector<16xf32>,
      tpu.vector_store_idx %arg8[%get3A_169], %gather3A_144 {add = true} : memref<10000xf32, #tpu.memory_space<vmem>>[vector<16xi32>], vector<16xf32>,
      tpu.vector_store_idx %arg8[%get3A_175], %gather3A_145 {add = true} : memref<10000xf32, #tpu.memory_space<vmem>>[vector<16xi32>], vector<16xf32>,
      %mul3A_176 = arith.constant 400 : i32
      %mul3A_177 = arith.muli %scan3A_47, %mul3A_176 : i32
      %add3A_178 = arith.constant 160 : i32
      %add3A_179 = arith.addi %mul3A_177, %add3A_178 : i32
      %get3A_180 = arith.index_cast %add3A_179 : i32 to index
      %get3A_181 = tpu.vector_load %arg6[%get3A_180] {strides = array<i32>} : memref<10000xi32, #tpu.memory_space<vmem>>, vector<16xi32>,
      %mul3A_182 = arith.constant 400 : i32
      %mul3A_183 = arith.muli %scan3A_47, %mul3A_182 : i32
      %add3A_184 = arith.constant 176 : i32
      %add3A_185 = arith.addi %mul3A_183, %add3A_184 : i32
      %get3A_186 = arith.index_cast %add3A_185 : i32 to index
      %get3A_187 = tpu.vector_load %arg6[%get3A_186] {strides = array<i32>} : memref<10000xi32, #tpu.memory_space<vmem>>, vector<16xi32>,
      %mul3A_188 = arith.constant 400 : i32
      %mul3A_189 = arith.muli %scan3A_47, %mul3A_188 : i32
      %add3A_190 = arith.constant 192 : i32
      %add3A_191 = arith.addi %mul3A_189, %add3A_190 : i32
      %get3A_192 = arith.index_cast %add3A_191 : i32 to index
      %get3A_193 = tpu.vector_load %arg6[%get3A_192] {strides = array<i32>} : memref<10000xi32, #tpu.memory_space<vmem>>, vector<16xi32>,
      %mul3A_194 = arith.constant 400 : i32
      %mul3A_195 = arith.muli %scan3A_47, %mul3A_194 : i32
      %add3A_196 = arith.constant 208 : i32
      %add3A_197 = arith.addi %mul3A_195, %add3A_196 : i32
      %get3A_198 = arith.index_cast %add3A_197 : i32 to index
      %get3A_199 = tpu.vector_load %arg6[%get3A_198] {strides = array<i32>} : memref<10000xi32, #tpu.memory_space<vmem>>, vector<16xi32>,
      %mul3A_200 = arith.constant 400 : i32
      %mul3A_201 = arith.muli %scan3A_47, %mul3A_200 : i32
      %add3A_202 = arith.constant 224 : i32
      %add3A_203 = arith.addi %mul3A_201, %add3A_202 : i32
      %get3A_204 = arith.index_cast %add3A_203 : i32 to index
      %get3A_205 = tpu.vector_load %arg6[%get3A_204] {strides = array<i32>} : memref<10000xi32, #tpu.memory_space<vmem>>, vector<16xi32>,
      %gather3A_206 = tpu.vector_load_idx %arg5[%get3A_181] : memref<10000xf32, #tpu.memory_space<vmem>>[vector<16xi32>], vector<16xf32>,
      %gather3A_207 = tpu.vector_load_idx %arg5[%get3A_187] : memref<10000xf32, #tpu.memory_space<vmem>>[vector<16xi32>], vector<16xf32>,
      %gather3A_208 = tpu.vector_load_idx %arg5[%get3A_193] : memref<10000xf32, #tpu.memory_space<vmem>>[vector<16xi32>], vector<16xf32>,
      %gather3A_209 = tpu.vector_load_idx %arg5[%get3A_199] : memref<10000xf32, #tpu.memory_space<vmem>>[vector<16xi32>], vector<16xf32>,
      %gather3A_210 = tpu.vector_load_idx %arg5[%get3A_205] : memref<10000xf32, #tpu.memory_space<vmem>>[vector<16xi32>], vector<16xf32>,
      %mul3A_211 = arith.constant 400 : i32
      %mul3A_212 = arith.muli %scan3A_47, %mul3A_211 : i32
      %add3A_213 = arith.constant 160 : i32
      %add3A_214 = arith.addi %mul3A_212, %add3A_213 : i32
      %get3A_215 = arith.index_cast %add3A_214 : i32 to index
      %get3A_216 = tpu.vector_load %arg7[%get3A_215] {strides = array<i32>} : memref<10000xi32, #tpu.memory_space<vmem>>, vector<16xi32>,
      %mul3A_217 = arith.constant 400 : i32
      %mul3A_218 = arith.muli %scan3A_47, %mul3A_217 : i32
      %add3A_219 = arith.constant 176 : i32
      %add3A_220 = arith.addi %mul3A_218, %add3A_219 : i32
      %get3A_221 = arith.index_cast %add3A_220 : i32 to index
      %get3A_222 = tpu.vector_load %arg7[%get3A_221] {strides = array<i32>} : memref<10000xi32, #tpu.memory_space<vmem>>, vector<16xi32>,
      %mul3A_223 = arith.constant 400 : i32
      %mul3A_224 = arith.muli %scan3A_47, %mul3A_223 : i32
      %add3A_225 = arith.constant 192 : i32
      %add3A_226 = arith.addi %mul3A_224, %add3A_225 : i32
      %get3A_227 = arith.index_cast %add3A_226 : i32 to index
      %get3A_228 = tpu.vector_load %arg7[%get3A_227] {strides = array<i32>} : memref<10000xi32, #tpu.memory_space<vmem>>, vector<16xi32>,
      %mul3A_229 = arith.constant 400 : i32
      %mul3A_230 = arith.muli %scan3A_47, %mul3A_229 : i32
      %add3A_231 = arith.constant 208 : i32
      %add3A_232 = arith.addi %mul3A_230, %add3A_231 : i32
      %get3A_233 = arith.index_cast %add3A_232 : i32 to index
      %get3A_234 = tpu.vector_load %arg7[%get3A_233] {strides = array<i32>} : memref<10000xi32, #tpu.memory_space<vmem>>, vector<16xi32>,
      %mul3A_235 = arith.constant 400 : i32
      %mul3A_236 = arith.muli %scan3A_47, %mul3A_235 : i32
      %add3A_237 = arith.constant 224 : i32
      %add3A_238 = arith.addi %mul3A_236, %add3A_237 : i32
      %get3A_239 = arith.index_cast %add3A_238 : i32 to index
      %get3A_240 = tpu.vector_load %arg7[%get3A_239] {strides = array<i32>} : memref<10000xi32, #tpu.memory_space<vmem>>, vector<16xi32>,
      tpu.vector_store_idx %arg8[%get3A_216], %gather3A_206 {add = true} : memref<10000xf32, #tpu.memory_space<vmem>>[vector<16xi32>], vector<16xf32>,
      tpu.vector_store_idx %arg8[%get3A_222], %gather3A_207 {add = true} : memref<10000xf32, #tpu.memory_space<vmem>>[vector<16xi32>], vector<16xf32>,
      tpu.vector_store_idx %arg8[%get3A_228], %gather3A_208 {add = true} : memref<10000xf32, #tpu.memory_space<vmem>>[vector<16xi32>], vector<16xf32>,
      tpu.vector_store_idx %arg8[%get3A_234], %gather3A_209 {add = true} : memref<10000xf32, #tpu.memory_space<vmem>>[vector<16xi32>], vector<16xf32>,
      tpu.vector_store_idx %arg8[%get3A_240], %gather3A_210 {add = true} : memref<10000xf32, #tpu.memory_space<vmem>>[vector<16xi32>], vector<16xf32>,
      %mul3A_241 = arith.constant 400 : i32
      %mul3A_242 = arith.muli %scan3A_47, %mul3A_241 : i32
      %add3A_243 = arith.constant 240 : i32
      %add3A_244 = arith.addi %mul3A_242, %add3A_243 : i32
      %get3A_245 = arith.index_cast %add3A_244 : i32 to index
      %get3A_246 = tpu.vector_load %arg6[%get3A_245] {strides = array<i32>} : memref<10000xi32, #tpu.memory_space<vmem>>, vector<16xi32>,
      %mul3A_247 = arith.constant 400 : i32
      %mul3A_248 = arith.muli %scan3A_47, %mul3A_247 : i32
      %add3A_249 = arith.constant 256 : i32
      %add3A_250 = arith.addi %mul3A_248, %add3A_249 : i32
      %get3A_251 = arith.index_cast %add3A_250 : i32 to index
      %get3A_252 = tpu.vector_load %arg6[%get3A_251] {strides = array<i32>} : memref<10000xi32, #tpu.memory_space<vmem>>, vector<16xi32>,
      %mul3A_253 = arith.constant 400 : i32
      %mul3A_254 = arith.muli %scan3A_47, %mul3A_253 : i32
      %add3A_255 = arith.constant 272 : i32
      %add3A_256 = arith.addi %mul3A_254, %add3A_255 : i32
      %get3A_257 = arith.index_cast %add3A_256 : i32 to index
      %get3A_258 = tpu.vector_load %arg6[%get3A_257] {strides = array<i32>} : memref<10000xi32, #tpu.memory_space<vmem>>, vector<16xi32>,
      %mul3A_259 = arith.constant 400 : i32
      %mul3A_260 = arith.muli %scan3A_47, %mul3A_259 : i32
      %add3A_261 = arith.constant 288 : i32
      %add3A_262 = arith.addi %mul3A_260, %add3A_261 : i32
      %get3A_263 = arith.index_cast %add3A_262 : i32 to index
      %get3A_264 = tpu.vector_load %arg6[%get3A_263] {strides = array<i32>} : memref<10000xi32, #tpu.memory_space<vmem>>, vector<16xi32>,
      %mul3A_265 = arith.constant 400 : i32
      %mul3A_266 = arith.muli %scan3A_47, %mul3A_265 : i32
      %add3A_267 = arith.constant 304 : i32
      %add3A_268 = arith.addi %mul3A_266, %add3A_267 : i32
      %get3A_269 = arith.index_cast %add3A_268 : i32 to index
      %get3A_270 = tpu.vector_load %arg6[%get3A_269] {strides = array<i32>} : memref<10000xi32, #tpu.memory_space<vmem>>, vector<16xi32>,
      %gather3A_271 = tpu.vector_load_idx %arg5[%get3A_246] : memref<10000xf32, #tpu.memory_space<vmem>>[vector<16xi32>], vector<16xf32>,
      %gather3A_272 = tpu.vector_load_idx %arg5[%get3A_252] : memref<10000xf32, #tpu.memory_space<vmem>>[vector<16xi32>], vector<16xf32>,
      %gather3A_273 = tpu.vector_load_idx %arg5[%get3A_258] : memref<10000xf32, #tpu.memory_space<vmem>>[vector<16xi32>], vector<16xf32>,
      %gather3A_274 = tpu.vector_load_idx %arg5[%get3A_264] : memref<10000xf32, #tpu.memory_space<vmem>>[vector<16xi32>], vector<16xf32>,
      %gather3A_275 = tpu.vector_load_idx %arg5[%get3A_270] : memref<10000xf32, #tpu.memory_space<vmem>>[vector<16xi32>], vector<16xf32>,
      %mul3A_276 = arith.constant 400 : i32
      %mul3A_277 = arith.muli %scan3A_47, %mul3A_276 : i32
      %add3A_278 = arith.constant 240 : i32
      %add3A_279 = arith.addi %mul3A_277, %add3A_278 : i32
      %get3A_280 = arith.index_cast %add3A_279 : i32 to index
      %get3A_281 = tpu.vector_load %arg7[%get3A_280] {strides = array<i32>} : memref<10000xi32, #tpu.memory_space<vmem>>, vector<16xi32>,
      %mul3A_282 = arith.constant 400 : i32
      %mul3A_283 = arith.muli %scan3A_47, %mul3A_282 : i32
      %add3A_284 = arith.constant 256 : i32
      %add3A_285 = arith.addi %mul3A_283, %add3A_284 : i32
      %get3A_286 = arith.index_cast %add3A_285 : i32 to index
      %get3A_287 = tpu.vector_load %arg7[%get3A_286] {strides = array<i32>} : memref<10000xi32, #tpu.memory_space<vmem>>, vector<16xi32>,
      %mul3A_288 = arith.constant 400 : i32
      %mul3A_289 = arith.muli %scan3A_47, %mul3A_288 : i32
      %add3A_290 = arith.constant 272 : i32
      %add3A_291 = arith.addi %mul3A_289, %add3A_290 : i32
      %get3A_292 = arith.index_cast %add3A_291 : i32 to index
      %get3A_293 = tpu.vector_load %arg7[%get3A_292] {strides = array<i32>} : memref<10000xi32, #tpu.memory_space<vmem>>, vector<16xi32>,
      %mul3A_294 = arith.constant 400 : i32
      %mul3A_295 = arith.muli %scan3A_47, %mul3A_294 : i32
      %add3A_296 = arith.constant 288 : i32
      %add3A_297 = arith.addi %mul3A_295, %add3A_296 : i32
      %get3A_298 = arith.index_cast %add3A_297 : i32 to index
      %get3A_299 = tpu.vector_load %arg7[%get3A_298] {strides = array<i32>} : memref<10000xi32, #tpu.memory_space<vmem>>, vector<16xi32>,
      %mul3A_300 = arith.constant 400 : i32
      %mul3A_301 = arith.muli %scan3A_47, %mul3A_300 : i32
      %add3A_302 = arith.constant 304 : i32
      %add3A_303 = arith.addi %mul3A_301, %add3A_302 : i32
      %get3A_304 = arith.index_cast %add3A_303 : i32 to index
      %get3A_305 = tpu.vector_load %arg7[%get3A_304] {strides = array<i32>} : memref<10000xi32, #tpu.memory_space<vmem>>, vector<16xi32>,
      tpu.vector_store_idx %arg8[%get3A_281], %gather3A_271 {add = true} : memref<10000xf32, #tpu.memory_space<vmem>>[vector<16xi32>], vector<16xf32>,
      tpu.vector_store_idx %arg8[%get3A_287], %gather3A_272 {add = true} : memref<10000xf32, #tpu.memory_space<vmem>>[vector<16xi32>], vector<16xf32>,
      tpu.vector_store_idx %arg8[%get3A_293], %gather3A_273 {add = true} : memref<10000xf32, #tpu.memory_space<vmem>>[vector<16xi32>], vector<16xf32>,
      tpu.vector_store_idx %arg8[%get3A_299], %gather3A_274 {add = true} : memref<10000xf32, #tpu.memory_space<vmem>>[vector<16xi32>], vector<16xf32>,
      tpu.vector_store_idx %arg8[%get3A_305], %gather3A_275 {add = true} : memref<10000xf32, #tpu.memory_space<vmem>>[vector<16xi32>], vector<16xf32>,
      %mul3A_306 = arith.constant 400 : i32
      %mul3A_307 = arith.muli %scan3A_47, %mul3A_306 : i32
      %add3A_308 = arith.constant 320 : i32
      %add3A_309 = arith.addi %mul3A_307, %add3A_308 : i32
      %get3A_310 = arith.index_cast %add3A_309 : i32 to index
      %get3A_311 = tpu.vector_load %arg6[%get3A_310] {strides = array<i32>} : memref<10000xi32, #tpu.memory_space<vmem>>, vector<16xi32>,
      %mul3A_312 = arith.constant 400 : i32
      %mul3A_313 = arith.muli %scan3A_47, %mul3A_312 : i32
      %add3A_314 = arith.constant 336 : i32
      %add3A_315 = arith.addi %mul3A_313, %add3A_314 : i32
      %get3A_316 = arith.index_cast %add3A_315 : i32 to index
      %get3A_317 = tpu.vector_load %arg6[%get3A_316] {strides = array<i32>} : memref<10000xi32, #tpu.memory_space<vmem>>, vector<16xi32>,
      %mul3A_318 = arith.constant 400 : i32
      %mul3A_319 = arith.muli %scan3A_47, %mul3A_318 : i32
      %add3A_320 = arith.constant 352 : i32
      %add3A_321 = arith.addi %mul3A_319, %add3A_320 : i32
      %get3A_322 = arith.index_cast %add3A_321 : i32 to index
      %get3A_323 = tpu.vector_load %arg6[%get3A_322] {strides = array<i32>} : memref<10000xi32, #tpu.memory_space<vmem>>, vector<16xi32>,
      %mul3A_324 = arith.constant 400 : i32
      %mul3A_325 = arith.muli %scan3A_47, %mul3A_324 : i32
      %add3A_326 = arith.constant 368 : i32
      %add3A_327 = arith.addi %mul3A_325, %add3A_326 : i32
      %get3A_328 = arith.index_cast %add3A_327 : i32 to index
      %get3A_329 = tpu.vector_load %arg6[%get3A_328] {strides = array<i32>} : memref<10000xi32, #tpu.memory_space<vmem>>, vector<16xi32>,
      %mul3A_330 = arith.constant 400 : i32
      %mul3A_331 = arith.muli %scan3A_47, %mul3A_330 : i32
      %add3A_332 = arith.constant 384 : i32
      %add3A_333 = arith.addi %mul3A_331, %add3A_332 : i32
      %get3A_334 = arith.index_cast %add3A_333 : i32 to index
      %get3A_335 = tpu.vector_load %arg6[%get3A_334] {strides = array<i32>} : memref<10000xi32, #tpu.memory_space<vmem>>, vector<16xi32>,
      %gather3A_336 = tpu.vector_load_idx %arg5[%get3A_311] : memref<10000xf32, #tpu.memory_space<vmem>>[vector<16xi32>], vector<16xf32>,
      %gather3A_337 = tpu.vector_load_idx %arg5[%get3A_317] : memref<10000xf32, #tpu.memory_space<vmem>>[vector<16xi32>], vector<16xf32>,
      %gather3A_338 = tpu.vector_load_idx %arg5[%get3A_323] : memref<10000xf32, #tpu.memory_space<vmem>>[vector<16xi32>], vector<16xf32>,
      %gather3A_339 = tpu.vector_load_idx %arg5[%get3A_329] : memref<10000xf32, #tpu.memory_space<vmem>>[vector<16xi32>], vector<16xf32>,
      %gather3A_340 = tpu.vector_load_idx %arg5[%get3A_335] : memref<10000xf32, #tpu.memory_space<vmem>>[vector<16xi32>], vector<16xf32>,
      %mul3A_341 = arith.constant 400 : i32
      %mul3A_342 = arith.muli %scan3A_47, %mul3A_341 : i32
      %add3A_343 = arith.constant 320 : i32
      %add3A_344 = arith.addi %mul3A_342, %add3A_343 : i32
      %get3A_345 = arith.index_cast %add3A_344 : i32 to index
      %get3A_346 = tpu.vector_load %arg7[%get3A_345] {strides = array<i32>} : memref<10000xi32, #tpu.memory_space<vmem>>, vector<16xi32>,
      %mul3A_347 = arith.constant 400 : i32
      %mul3A_348 = arith.muli %scan3A_47, %mul3A_347 : i32
      %add3A_349 = arith.constant 336 : i32
      %add3A_350 = arith.addi %mul3A_348, %add3A_349 : i32
      %get3A_351 = arith.index_cast %add3A_350 : i32 to index
      %get3A_352 = tpu.vector_load %arg7[%get3A_351] {strides = array<i32>} : memref<10000xi32, #tpu.memory_space<vmem>>, vector<16xi32>,
      %mul3A_353 = arith.constant 400 : i32
      %mul3A_354 = arith.muli %scan3A_47, %mul3A_353 : i32
      %add3A_355 = arith.constant 352 : i32
      %add3A_356 = arith.addi %mul3A_354, %add3A_355 : i32
      %get3A_357 = arith.index_cast %add3A_356 : i32 to index
      %get3A_358 = tpu.vector_load %arg7[%get3A_357] {strides = array<i32>} : memref<10000xi32, #tpu.memory_space<vmem>>, vector<16xi32>,
      %mul3A_359 = arith.constant 400 : i32
      %mul3A_360 = arith.muli %scan3A_47, %mul3A_359 : i32
      %add3A_361 = arith.constant 368 : i32
      %add3A_362 = arith.addi %mul3A_360, %add3A_361 : i32
      %get3A_363 = arith.index_cast %add3A_362 : i32 to index
      %get3A_364 = tpu.vector_load %arg7[%get3A_363] {strides = array<i32>} : memref<10000xi32, #tpu.memory_space<vmem>>, vector<16xi32>,
      %mul3A_365 = arith.constant 400 : i32
      %mul3A_366 = arith.muli %scan3A_47, %mul3A_365 : i32
      %add3A_367 = arith.constant 384 : i32
      %add3A_368 = arith.addi %mul3A_366, %add3A_367 : i32
      %get3A_369 = arith.index_cast %add3A_368 : i32 to index
      %get3A_370 = tpu.vector_load %arg7[%get3A_369] {strides = array<i32>} : memref<10000xi32, #tpu.memory_space<vmem>>, vector<16xi32>,
      tpu.vector_store_idx %arg8[%get3A_346], %gather3A_336 {add = true} : memref<10000xf32, #tpu.memory_space<vmem>>[vector<16xi32>], vector<16xf32>,
      tpu.vector_store_idx %arg8[%get3A_352], %gather3A_337 {add = true} : memref<10000xf32, #tpu.memory_space<vmem>>[vector<16xi32>], vector<16xf32>,
      tpu.vector_store_idx %arg8[%get3A_358], %gather3A_338 {add = true} : memref<10000xf32, #tpu.memory_space<vmem>>[vector<16xi32>], vector<16xf32>,
      tpu.vector_store_idx %arg8[%get3A_364], %gather3A_339 {add = true} : memref<10000xf32, #tpu.memory_space<vmem>>[vector<16xi32>], vector<16xf32>,
      tpu.vector_store_idx %arg8[%get3A_370], %gather3A_340 {add = true} : memref<10000xf32, #tpu.memory_space<vmem>>[vector<16xi32>], vector<16xf32>,
    }
    %scan3A_46 = arith.constant 25 : i32
    "tpu.region"() ({
      %run_scoped3A = tpu.sem_alloc : memref<!tpu.dma_semaphore, #tpu.memory_space<semaphore_mem>>
      %dma_start3A_47 = arith.constant 0 : i32
      %dma_start3A_48 = tpu.memref_slice %arg4[%add3A, %dma_start3A_47] : memref<32x10000xf32, #tpu.memory_space<hbm>> -> memref<1x10000xf32, #tpu.memory_space<hbm>>
      %dma_start3A_49 = tpu.memref_squeeze %dma_start3A_48 : memref<1x10000xf32, #tpu.memory_space<hbm>> -> memref<10000xf32, #tpu.memory_space<hbm>>
      %dma_start3A_50 = arith.constant 0 : i32
      %dma_start3A_51 = tpu.memref_slice %arg4[%add3A, %dma_start3A_50] : memref<32x10000xf32, #tpu.memory_space<hbm>> -> memref<1x10000xf32, #tpu.memory_space<hbm>>
      %dma_start3A_52 = tpu.memref_squeeze %dma_start3A_51 : memref<1x10000xf32, #tpu.memory_space<hbm>> -> memref<10000xf32, #tpu.memory_space<hbm>>
      tpu.enqueue_dma source(%arg8 : memref<10000xf32, #tpu.memory_space<vmem>>) target(%dma_start3A_52 : memref<10000xf32, #tpu.memory_space<hbm>>) target_semaphore(%run_scoped3A : memref<!tpu.dma_semaphore, #tpu.memory_space<semaphore_mem>>)
      %dma_wait3A_53 = arith.constant 0 : i32
      %dma_wait3A_54 = tpu.memref_slice %arg4[%add3A, %dma_wait3A_53] : memref<32x10000xf32, #tpu.memory_space<hbm>> -> memref<1x10000xf32, #tpu.memory_space<hbm>>
      %dma_wait3A_55 = tpu.memref_squeeze %dma_wait3A_54 : memref<1x10000xf32, #tpu.memory_space<hbm>> -> memref<10000xf32, #tpu.memory_space<hbm>>
      %dma_wait3A_56 = arith.constant 0 : i32
      %dma_wait3A_57 = tpu.memref_slice %arg4[%add3A, %dma_wait3A_56] : memref<32x10000xf32, #tpu.memory_space<hbm>> -> memref<1x10000xf32, #tpu.memory_space<hbm>>
      %dma_wait3A_58 = tpu.memref_squeeze %dma_wait3A_57 : memref<1x10000xf32, #tpu.memory_space<hbm>> -> memref<10000xf32, #tpu.memory_space<hbm>>
      tpu.wait_dma2 semaphore(%run_scoped3A : memref<!tpu.dma_semaphore, #tpu.memory_space<semaphore_mem>>) src(%arg8 : memref<10000xf32, #tpu.memory_space<vmem>>) dst(%dma_wait3A_58 : memref<10000xf32, #tpu.memory_space<hbm>>)
      tpu.yield
    }) : () -> ()
    return
  }
}

#map = affine_map<(d0, d1) -> (0, 0)>
module attributes {stable_mosaic.version = 14 : i64} {
  func.func @_sc_degree(%arg0: i32, %arg1: i32, %arg2: memref<2x320000xi32, #tpu.memory_space<hbm>>, %arg3: memref<32x10000xf32, #tpu.memory_space<hbm>>, %arg4: memref<10000xi32, #tpu.memory_space<vmem>>, %arg5: memref<10000xf32, #tpu.memory_space<vmem>>, %arg6: memref<!tpu.dma_semaphore, #tpu.memory_space<semaphore_mem>>) attributes {dimension_semantics = [#tpu.dimension_semantics<core_parallel>, #tpu.dimension_semantics<subcore_parallel>], iteration_bounds = array<i64: 2, 16>, scalar_prefetch = 0 : i64, scratch_operands = 3 : i64, tpu.core_type = #tpu.core_type<sc_vector_subcore>, window_params = [{transform_indices = #map}, {transform_indices = #map}]} {
    %mul3A = arith.constant 2 : i32
    %mul3A_0 = arith.muli %arg1, %mul3A : i32
    %add3A = arith.addi %mul3A_0, %arg0 : i32
    %mul3A_1 = arith.constant 10000 : i32
    %mul3A_2 = arith.muli %add3A, %mul3A_1 : i32
    %dma_start3A = arith.constant 1 : i32
    %dma_start3A_3 = tpu.memref_slice %arg2[%dma_start3A, %mul3A_2] : memref<2x320000xi32, #tpu.memory_space<hbm>> -> memref<1x10000xi32, #tpu.memory_space<hbm>>
    %dma_start3A_4 = tpu.memref_squeeze %dma_start3A_3 : memref<1x10000xi32, #tpu.memory_space<hbm>> -> memref<10000xi32, #tpu.memory_space<hbm>>
    %dma_start3A_5 = tpu.memref_slice %arg2[%dma_start3A, %mul3A_2] : memref<2x320000xi32, #tpu.memory_space<hbm>> -> memref<1x10000xi32, #tpu.memory_space<hbm>>
    %dma_start3A_6 = tpu.memref_squeeze %dma_start3A_5 : memref<1x10000xi32, #tpu.memory_space<hbm>> -> memref<10000xi32, #tpu.memory_space<hbm>>
    tpu.enqueue_dma source(%dma_start3A_6 : memref<10000xi32, #tpu.memory_space<hbm>>) target(%arg4 : memref<10000xi32, #tpu.memory_space<vmem>>) target_semaphore(%arg6 : memref<!tpu.dma_semaphore, #tpu.memory_space<semaphore_mem>>)
    %broadcast_in_dim3A = arith.constant 0.000000e+00 : f32
    %broadcast_in_dim3A_7 = vector.broadcast %broadcast_in_dim3A : f32 to vector<16xf32>
    %scan3A = arith.constant 0 : i32
    %scan3A_8 = arith.constant 0 : i32
    %scan3A_9 = arith.constant 25 : i32
    %scan3A_10 = arith.addi %scan3A_8, %scan3A_9 : i32
    %scan3A_11 = arith.constant 1 : i32
    scf.for %scan3A_25 = %scan3A_8 to %scan3A_10 step %scan3A_11  : i32 {
      %mul3A_26 = arith.constant 400 : i32
      %mul3A_27 = arith.muli %scan3A_25, %mul3A_26 : i32
      %add3A_28 = arith.constant 0 : i32
      %add3A_29 = arith.addi %mul3A_27, %add3A_28 : i32
      %swap3A = arith.index_cast %add3A_29 : i32 to index
      %swap3A_30 = tpu.vector_load %arg5[%swap3A] {strides = array<i32>} : memref<10000xf32, #tpu.memory_space<vmem>>, vector<16xf32>,
      tpu.vector_store %arg5[%swap3A], %broadcast_in_dim3A_7 {strides = array<i32>} : memref<10000xf32, #tpu.memory_space<vmem>>, vector<16xf32>,
      %mul3A_31 = arith.constant 400 : i32
      %mul3A_32 = arith.muli %scan3A_25, %mul3A_31 : i32
      %add3A_33 = arith.constant 16 : i32
      %add3A_34 = arith.addi %mul3A_32, %add3A_33 : i32
      %swap3A_35 = arith.index_cast %add3A_34 : i32 to index
      %swap3A_36 = tpu.vector_load %arg5[%swap3A_35] {strides = array<i32>} : memref<10000xf32, #tpu.memory_space<vmem>>, vector<16xf32>,
      tpu.vector_store %arg5[%swap3A_35], %broadcast_in_dim3A_7 {strides = array<i32>} : memref<10000xf32, #tpu.memory_space<vmem>>, vector<16xf32>,
      %mul3A_37 = arith.constant 400 : i32
      %mul3A_38 = arith.muli %scan3A_25, %mul3A_37 : i32
      %add3A_39 = arith.constant 32 : i32
      %add3A_40 = arith.addi %mul3A_38, %add3A_39 : i32
      %swap3A_41 = arith.index_cast %add3A_40 : i32 to index
      %swap3A_42 = tpu.vector_load %arg5[%swap3A_41] {strides = array<i32>} : memref<10000xf32, #tpu.memory_space<vmem>>, vector<16xf32>,
      tpu.vector_store %arg5[%swap3A_41], %broadcast_in_dim3A_7 {strides = array<i32>} : memref<10000xf32, #tpu.memory_space<vmem>>, vector<16xf32>,
      %mul3A_43 = arith.constant 400 : i32
      %mul3A_44 = arith.muli %scan3A_25, %mul3A_43 : i32
      %add3A_45 = arith.constant 48 : i32
      %add3A_46 = arith.addi %mul3A_44, %add3A_45 : i32
      %swap3A_47 = arith.index_cast %add3A_46 : i32 to index
      %swap3A_48 = tpu.vector_load %arg5[%swap3A_47] {strides = array<i32>} : memref<10000xf32, #tpu.memory_space<vmem>>, vector<16xf32>,
      tpu.vector_store %arg5[%swap3A_47], %broadcast_in_dim3A_7 {strides = array<i32>} : memref<10000xf32, #tpu.memory_space<vmem>>, vector<16xf32>,
      %mul3A_49 = arith.constant 400 : i32
      %mul3A_50 = arith.muli %scan3A_25, %mul3A_49 : i32
      %add3A_51 = arith.constant 64 : i32
      %add3A_52 = arith.addi %mul3A_50, %add3A_51 : i32
      %swap3A_53 = arith.index_cast %add3A_52 : i32 to index
      %swap3A_54 = tpu.vector_load %arg5[%swap3A_53] {strides = array<i32>} : memref<10000xf32, #tpu.memory_space<vmem>>, vector<16xf32>,
      tpu.vector_store %arg5[%swap3A_53], %broadcast_in_dim3A_7 {strides = array<i32>} : memref<10000xf32, #tpu.memory_space<vmem>>, vector<16xf32>,
      %mul3A_55 = arith.constant 400 : i32
      %mul3A_56 = arith.muli %scan3A_25, %mul3A_55 : i32
      %add3A_57 = arith.constant 80 : i32
      %add3A_58 = arith.addi %mul3A_56, %add3A_57 : i32
      %swap3A_59 = arith.index_cast %add3A_58 : i32 to index
      %swap3A_60 = tpu.vector_load %arg5[%swap3A_59] {strides = array<i32>} : memref<10000xf32, #tpu.memory_space<vmem>>, vector<16xf32>,
      tpu.vector_store %arg5[%swap3A_59], %broadcast_in_dim3A_7 {strides = array<i32>} : memref<10000xf32, #tpu.memory_space<vmem>>, vector<16xf32>,
      %mul3A_61 = arith.constant 400 : i32
      %mul3A_62 = arith.muli %scan3A_25, %mul3A_61 : i32
      %add3A_63 = arith.constant 96 : i32
      %add3A_64 = arith.addi %mul3A_62, %add3A_63 : i32
      %swap3A_65 = arith.index_cast %add3A_64 : i32 to index
      %swap3A_66 = tpu.vector_load %arg5[%swap3A_65] {strides = array<i32>} : memref<10000xf32, #tpu.memory_space<vmem>>, vector<16xf32>,
      tpu.vector_store %arg5[%swap3A_65], %broadcast_in_dim3A_7 {strides = array<i32>} : memref<10000xf32, #tpu.memory_space<vmem>>, vector<16xf32>,
      %mul3A_67 = arith.constant 400 : i32
      %mul3A_68 = arith.muli %scan3A_25, %mul3A_67 : i32
      %add3A_69 = arith.constant 112 : i32
      %add3A_70 = arith.addi %mul3A_68, %add3A_69 : i32
      %swap3A_71 = arith.index_cast %add3A_70 : i32 to index
      %swap3A_72 = tpu.vector_load %arg5[%swap3A_71] {strides = array<i32>} : memref<10000xf32, #tpu.memory_space<vmem>>, vector<16xf32>,
      tpu.vector_store %arg5[%swap3A_71], %broadcast_in_dim3A_7 {strides = array<i32>} : memref<10000xf32, #tpu.memory_space<vmem>>, vector<16xf32>,
      %mul3A_73 = arith.constant 400 : i32
      %mul3A_74 = arith.muli %scan3A_25, %mul3A_73 : i32
      %add3A_75 = arith.constant 128 : i32
      %add3A_76 = arith.addi %mul3A_74, %add3A_75 : i32
      %swap3A_77 = arith.index_cast %add3A_76 : i32 to index
      %swap3A_78 = tpu.vector_load %arg5[%swap3A_77] {strides = array<i32>} : memref<10000xf32, #tpu.memory_space<vmem>>, vector<16xf32>,
      tpu.vector_store %arg5[%swap3A_77], %broadcast_in_dim3A_7 {strides = array<i32>} : memref<10000xf32, #tpu.memory_space<vmem>>, vector<16xf32>,
      %mul3A_79 = arith.constant 400 : i32
      %mul3A_80 = arith.muli %scan3A_25, %mul3A_79 : i32
      %add3A_81 = arith.constant 144 : i32
      %add3A_82 = arith.addi %mul3A_80, %add3A_81 : i32
      %swap3A_83 = arith.index_cast %add3A_82 : i32 to index
      %swap3A_84 = tpu.vector_load %arg5[%swap3A_83] {strides = array<i32>} : memref<10000xf32, #tpu.memory_space<vmem>>, vector<16xf32>,
      tpu.vector_store %arg5[%swap3A_83], %broadcast_in_dim3A_7 {strides = array<i32>} : memref<10000xf32, #tpu.memory_space<vmem>>, vector<16xf32>,
      %mul3A_85 = arith.constant 400 : i32
      %mul3A_86 = arith.muli %scan3A_25, %mul3A_85 : i32
      %add3A_87 = arith.constant 160 : i32
      %add3A_88 = arith.addi %mul3A_86, %add3A_87 : i32
      %swap3A_89 = arith.index_cast %add3A_88 : i32 to index
      %swap3A_90 = tpu.vector_load %arg5[%swap3A_89] {strides = array<i32>} : memref<10000xf32, #tpu.memory_space<vmem>>, vector<16xf32>,
      tpu.vector_store %arg5[%swap3A_89], %broadcast_in_dim3A_7 {strides = array<i32>} : memref<10000xf32, #tpu.memory_space<vmem>>, vector<16xf32>,
      %mul3A_91 = arith.constant 400 : i32
      %mul3A_92 = arith.muli %scan3A_25, %mul3A_91 : i32
      %add3A_93 = arith.constant 176 : i32
      %add3A_94 = arith.addi %mul3A_92, %add3A_93 : i32
      %swap3A_95 = arith.index_cast %add3A_94 : i32 to index
      %swap3A_96 = tpu.vector_load %arg5[%swap3A_95] {strides = array<i32>} : memref<10000xf32, #tpu.memory_space<vmem>>, vector<16xf32>,
      tpu.vector_store %arg5[%swap3A_95], %broadcast_in_dim3A_7 {strides = array<i32>} : memref<10000xf32, #tpu.memory_space<vmem>>, vector<16xf32>,
      %mul3A_97 = arith.constant 400 : i32
      %mul3A_98 = arith.muli %scan3A_25, %mul3A_97 : i32
      %add3A_99 = arith.constant 192 : i32
      %add3A_100 = arith.addi %mul3A_98, %add3A_99 : i32
      %swap3A_101 = arith.index_cast %add3A_100 : i32 to index
      %swap3A_102 = tpu.vector_load %arg5[%swap3A_101] {strides = array<i32>} : memref<10000xf32, #tpu.memory_space<vmem>>, vector<16xf32>,
      tpu.vector_store %arg5[%swap3A_101], %broadcast_in_dim3A_7 {strides = array<i32>} : memref<10000xf32, #tpu.memory_space<vmem>>, vector<16xf32>,
      %mul3A_103 = arith.constant 400 : i32
      %mul3A_104 = arith.muli %scan3A_25, %mul3A_103 : i32
      %add3A_105 = arith.constant 208 : i32
      %add3A_106 = arith.addi %mul3A_104, %add3A_105 : i32
      %swap3A_107 = arith.index_cast %add3A_106 : i32 to index
      %swap3A_108 = tpu.vector_load %arg5[%swap3A_107] {strides = array<i32>} : memref<10000xf32, #tpu.memory_space<vmem>>, vector<16xf32>,
      tpu.vector_store %arg5[%swap3A_107], %broadcast_in_dim3A_7 {strides = array<i32>} : memref<10000xf32, #tpu.memory_space<vmem>>, vector<16xf32>,
      %mul3A_109 = arith.constant 400 : i32
      %mul3A_110 = arith.muli %scan3A_25, %mul3A_109 : i32
      %add3A_111 = arith.constant 224 : i32
      %add3A_112 = arith.addi %mul3A_110, %add3A_111 : i32
      %swap3A_113 = arith.index_cast %add3A_112 : i32 to index
      %swap3A_114 = tpu.vector_load %arg5[%swap3A_113] {strides = array<i32>} : memref<10000xf32, #tpu.memory_space<vmem>>, vector<16xf32>,
      tpu.vector_store %arg5[%swap3A_113], %broadcast_in_dim3A_7 {strides = array<i32>} : memref<10000xf32, #tpu.memory_space<vmem>>, vector<16xf32>,
      %mul3A_115 = arith.constant 400 : i32
      %mul3A_116 = arith.muli %scan3A_25, %mul3A_115 : i32
      %add3A_117 = arith.constant 240 : i32
      %add3A_118 = arith.addi %mul3A_116, %add3A_117 : i32
      %swap3A_119 = arith.index_cast %add3A_118 : i32 to index
      %swap3A_120 = tpu.vector_load %arg5[%swap3A_119] {strides = array<i32>} : memref<10000xf32, #tpu.memory_space<vmem>>, vector<16xf32>,
      tpu.vector_store %arg5[%swap3A_119], %broadcast_in_dim3A_7 {strides = array<i32>} : memref<10000xf32, #tpu.memory_space<vmem>>, vector<16xf32>,
      %mul3A_121 = arith.constant 400 : i32
      %mul3A_122 = arith.muli %scan3A_25, %mul3A_121 : i32
      %add3A_123 = arith.constant 256 : i32
      %add3A_124 = arith.addi %mul3A_122, %add3A_123 : i32
      %swap3A_125 = arith.index_cast %add3A_124 : i32 to index
      %swap3A_126 = tpu.vector_load %arg5[%swap3A_125] {strides = array<i32>} : memref<10000xf32, #tpu.memory_space<vmem>>, vector<16xf32>,
      tpu.vector_store %arg5[%swap3A_125], %broadcast_in_dim3A_7 {strides = array<i32>} : memref<10000xf32, #tpu.memory_space<vmem>>, vector<16xf32>,
      %mul3A_127 = arith.constant 400 : i32
      %mul3A_128 = arith.muli %scan3A_25, %mul3A_127 : i32
      %add3A_129 = arith.constant 272 : i32
      %add3A_130 = arith.addi %mul3A_128, %add3A_129 : i32
      %swap3A_131 = arith.index_cast %add3A_130 : i32 to index
      %swap3A_132 = tpu.vector_load %arg5[%swap3A_131] {strides = array<i32>} : memref<10000xf32, #tpu.memory_space<vmem>>, vector<16xf32>,
      tpu.vector_store %arg5[%swap3A_131], %broadcast_in_dim3A_7 {strides = array<i32>} : memref<10000xf32, #tpu.memory_space<vmem>>, vector<16xf32>,
      %mul3A_133 = arith.constant 400 : i32
      %mul3A_134 = arith.muli %scan3A_25, %mul3A_133 : i32
      %add3A_135 = arith.constant 288 : i32
      %add3A_136 = arith.addi %mul3A_134, %add3A_135 : i32
      %swap3A_137 = arith.index_cast %add3A_136 : i32 to index
      %swap3A_138 = tpu.vector_load %arg5[%swap3A_137] {strides = array<i32>} : memref<10000xf32, #tpu.memory_space<vmem>>, vector<16xf32>,
      tpu.vector_store %arg5[%swap3A_137], %broadcast_in_dim3A_7 {strides = array<i32>} : memref<10000xf32, #tpu.memory_space<vmem>>, vector<16xf32>,
      %mul3A_139 = arith.constant 400 : i32
      %mul3A_140 = arith.muli %scan3A_25, %mul3A_139 : i32
      %add3A_141 = arith.constant 304 : i32
      %add3A_142 = arith.addi %mul3A_140, %add3A_141 : i32
      %swap3A_143 = arith.index_cast %add3A_142 : i32 to index
      %swap3A_144 = tpu.vector_load %arg5[%swap3A_143] {strides = array<i32>} : memref<10000xf32, #tpu.memory_space<vmem>>, vector<16xf32>,
      tpu.vector_store %arg5[%swap3A_143], %broadcast_in_dim3A_7 {strides = array<i32>} : memref<10000xf32, #tpu.memory_space<vmem>>, vector<16xf32>,
      %mul3A_145 = arith.constant 400 : i32
      %mul3A_146 = arith.muli %scan3A_25, %mul3A_145 : i32
      %add3A_147 = arith.constant 320 : i32
      %add3A_148 = arith.addi %mul3A_146, %add3A_147 : i32
      %swap3A_149 = arith.index_cast %add3A_148 : i32 to index
      %swap3A_150 = tpu.vector_load %arg5[%swap3A_149] {strides = array<i32>} : memref<10000xf32, #tpu.memory_space<vmem>>, vector<16xf32>,
      tpu.vector_store %arg5[%swap3A_149], %broadcast_in_dim3A_7 {strides = array<i32>} : memref<10000xf32, #tpu.memory_space<vmem>>, vector<16xf32>,
      %mul3A_151 = arith.constant 400 : i32
      %mul3A_152 = arith.muli %scan3A_25, %mul3A_151 : i32
      %add3A_153 = arith.constant 336 : i32
      %add3A_154 = arith.addi %mul3A_152, %add3A_153 : i32
      %swap3A_155 = arith.index_cast %add3A_154 : i32 to index
      %swap3A_156 = tpu.vector_load %arg5[%swap3A_155] {strides = array<i32>} : memref<10000xf32, #tpu.memory_space<vmem>>, vector<16xf32>,
      tpu.vector_store %arg5[%swap3A_155], %broadcast_in_dim3A_7 {strides = array<i32>} : memref<10000xf32, #tpu.memory_space<vmem>>, vector<16xf32>,
      %mul3A_157 = arith.constant 400 : i32
      %mul3A_158 = arith.muli %scan3A_25, %mul3A_157 : i32
      %add3A_159 = arith.constant 352 : i32
      %add3A_160 = arith.addi %mul3A_158, %add3A_159 : i32
      %swap3A_161 = arith.index_cast %add3A_160 : i32 to index
      %swap3A_162 = tpu.vector_load %arg5[%swap3A_161] {strides = array<i32>} : memref<10000xf32, #tpu.memory_space<vmem>>, vector<16xf32>,
      tpu.vector_store %arg5[%swap3A_161], %broadcast_in_dim3A_7 {strides = array<i32>} : memref<10000xf32, #tpu.memory_space<vmem>>, vector<16xf32>,
      %mul3A_163 = arith.constant 400 : i32
      %mul3A_164 = arith.muli %scan3A_25, %mul3A_163 : i32
      %add3A_165 = arith.constant 368 : i32
      %add3A_166 = arith.addi %mul3A_164, %add3A_165 : i32
      %swap3A_167 = arith.index_cast %add3A_166 : i32 to index
      %swap3A_168 = tpu.vector_load %arg5[%swap3A_167] {strides = array<i32>} : memref<10000xf32, #tpu.memory_space<vmem>>, vector<16xf32>,
      tpu.vector_store %arg5[%swap3A_167], %broadcast_in_dim3A_7 {strides = array<i32>} : memref<10000xf32, #tpu.memory_space<vmem>>, vector<16xf32>,
      %mul3A_169 = arith.constant 400 : i32
      %mul3A_170 = arith.muli %scan3A_25, %mul3A_169 : i32
      %add3A_171 = arith.constant 384 : i32
      %add3A_172 = arith.addi %mul3A_170, %add3A_171 : i32
      %swap3A_173 = arith.index_cast %add3A_172 : i32 to index
      %swap3A_174 = tpu.vector_load %arg5[%swap3A_173] {strides = array<i32>} : memref<10000xf32, #tpu.memory_space<vmem>>, vector<16xf32>,
      tpu.vector_store %arg5[%swap3A_173], %broadcast_in_dim3A_7 {strides = array<i32>} : memref<10000xf32, #tpu.memory_space<vmem>>, vector<16xf32>,
    }
    %scan3A_12 = arith.constant 25 : i32
    %dma_wait3A = arith.constant 1 : i32
    %dma_wait3A_13 = tpu.memref_slice %arg2[%dma_wait3A, %mul3A_2] : memref<2x320000xi32, #tpu.memory_space<hbm>> -> memref<1x10000xi32, #tpu.memory_space<hbm>>
    %dma_wait3A_14 = tpu.memref_squeeze %dma_wait3A_13 : memref<1x10000xi32, #tpu.memory_space<hbm>> -> memref<10000xi32, #tpu.memory_space<hbm>>
    %dma_wait3A_15 = tpu.memref_slice %arg2[%dma_wait3A, %mul3A_2] : memref<2x320000xi32, #tpu.memory_space<hbm>> -> memref<1x10000xi32, #tpu.memory_space<hbm>>
    %dma_wait3A_16 = tpu.memref_squeeze %dma_wait3A_15 : memref<1x10000xi32, #tpu.memory_space<hbm>> -> memref<10000xi32, #tpu.memory_space<hbm>>
    tpu.wait_dma2 semaphore(%arg6 : memref<!tpu.dma_semaphore, #tpu.memory_space<semaphore_mem>>) src(%dma_wait3A_16 : memref<10000xi32, #tpu.memory_space<hbm>>) dst(%arg4 : memref<10000xi32, #tpu.memory_space<vmem>>)
    %broadcast_in_dim3A_17 = arith.constant 1.000000e+00 : f32
    %broadcast_in_dim3A_18 = vector.broadcast %broadcast_in_dim3A_17 : f32 to vector<16xf32>
    %scan3A_19 = arith.constant 0 : i32
    %scan3A_20 = arith.constant 0 : i32
    %scan3A_21 = arith.constant 25 : i32
    %scan3A_22 = arith.addi %scan3A_20, %scan3A_21 : i32
    %scan3A_23 = arith.constant 1 : i32
    scf.for %scan3A_25 = %scan3A_20 to %scan3A_22 step %scan3A_23  : i32 {
      %mul3A_26 = arith.constant 400 : i32
      %mul3A_27 = arith.muli %scan3A_25, %mul3A_26 : i32
      %add3A_28 = arith.constant 0 : i32
      %add3A_29 = arith.addi %mul3A_27, %add3A_28 : i32
      %get3A = arith.index_cast %add3A_29 : i32 to index
      %get3A_30 = tpu.vector_load %arg4[%get3A] {strides = array<i32>} : memref<10000xi32, #tpu.memory_space<vmem>>, vector<16xi32>,
      %mul3A_31 = arith.constant 400 : i32
      %mul3A_32 = arith.muli %scan3A_25, %mul3A_31 : i32
      %add3A_33 = arith.constant 16 : i32
      %add3A_34 = arith.addi %mul3A_32, %add3A_33 : i32
      %get3A_35 = arith.index_cast %add3A_34 : i32 to index
      %get3A_36 = tpu.vector_load %arg4[%get3A_35] {strides = array<i32>} : memref<10000xi32, #tpu.memory_space<vmem>>, vector<16xi32>,
      %mul3A_37 = arith.constant 400 : i32
      %mul3A_38 = arith.muli %scan3A_25, %mul3A_37 : i32
      %add3A_39 = arith.constant 32 : i32
      %add3A_40 = arith.addi %mul3A_38, %add3A_39 : i32
      %get3A_41 = arith.index_cast %add3A_40 : i32 to index
      %get3A_42 = tpu.vector_load %arg4[%get3A_41] {strides = array<i32>} : memref<10000xi32, #tpu.memory_space<vmem>>, vector<16xi32>,
      %mul3A_43 = arith.constant 400 : i32
      %mul3A_44 = arith.muli %scan3A_25, %mul3A_43 : i32
      %add3A_45 = arith.constant 48 : i32
      %add3A_46 = arith.addi %mul3A_44, %add3A_45 : i32
      %get3A_47 = arith.index_cast %add3A_46 : i32 to index
      %get3A_48 = tpu.vector_load %arg4[%get3A_47] {strides = array<i32>} : memref<10000xi32, #tpu.memory_space<vmem>>, vector<16xi32>,
      %mul3A_49 = arith.constant 400 : i32
      %mul3A_50 = arith.muli %scan3A_25, %mul3A_49 : i32
      %add3A_51 = arith.constant 64 : i32
      %add3A_52 = arith.addi %mul3A_50, %add3A_51 : i32
      %get3A_53 = arith.index_cast %add3A_52 : i32 to index
      %get3A_54 = tpu.vector_load %arg4[%get3A_53] {strides = array<i32>} : memref<10000xi32, #tpu.memory_space<vmem>>, vector<16xi32>,
      tpu.vector_store_idx %arg5[%get3A_30], %broadcast_in_dim3A_18 {add = true} : memref<10000xf32, #tpu.memory_space<vmem>>[vector<16xi32>], vector<16xf32>,
      tpu.vector_store_idx %arg5[%get3A_36], %broadcast_in_dim3A_18 {add = true} : memref<10000xf32, #tpu.memory_space<vmem>>[vector<16xi32>], vector<16xf32>,
      tpu.vector_store_idx %arg5[%get3A_42], %broadcast_in_dim3A_18 {add = true} : memref<10000xf32, #tpu.memory_space<vmem>>[vector<16xi32>], vector<16xf32>,
      tpu.vector_store_idx %arg5[%get3A_48], %broadcast_in_dim3A_18 {add = true} : memref<10000xf32, #tpu.memory_space<vmem>>[vector<16xi32>], vector<16xf32>,
      tpu.vector_store_idx %arg5[%get3A_54], %broadcast_in_dim3A_18 {add = true} : memref<10000xf32, #tpu.memory_space<vmem>>[vector<16xi32>], vector<16xf32>,
      %mul3A_55 = arith.constant 400 : i32
      %mul3A_56 = arith.muli %scan3A_25, %mul3A_55 : i32
      %add3A_57 = arith.constant 80 : i32
      %add3A_58 = arith.addi %mul3A_56, %add3A_57 : i32
      %get3A_59 = arith.index_cast %add3A_58 : i32 to index
      %get3A_60 = tpu.vector_load %arg4[%get3A_59] {strides = array<i32>} : memref<10000xi32, #tpu.memory_space<vmem>>, vector<16xi32>,
      %mul3A_61 = arith.constant 400 : i32
      %mul3A_62 = arith.muli %scan3A_25, %mul3A_61 : i32
      %add3A_63 = arith.constant 96 : i32
      %add3A_64 = arith.addi %mul3A_62, %add3A_63 : i32
      %get3A_65 = arith.index_cast %add3A_64 : i32 to index
      %get3A_66 = tpu.vector_load %arg4[%get3A_65] {strides = array<i32>} : memref<10000xi32, #tpu.memory_space<vmem>>, vector<16xi32>,
      %mul3A_67 = arith.constant 400 : i32
      %mul3A_68 = arith.muli %scan3A_25, %mul3A_67 : i32
      %add3A_69 = arith.constant 112 : i32
      %add3A_70 = arith.addi %mul3A_68, %add3A_69 : i32
      %get3A_71 = arith.index_cast %add3A_70 : i32 to index
      %get3A_72 = tpu.vector_load %arg4[%get3A_71] {strides = array<i32>} : memref<10000xi32, #tpu.memory_space<vmem>>, vector<16xi32>,
      %mul3A_73 = arith.constant 400 : i32
      %mul3A_74 = arith.muli %scan3A_25, %mul3A_73 : i32
      %add3A_75 = arith.constant 128 : i32
      %add3A_76 = arith.addi %mul3A_74, %add3A_75 : i32
      %get3A_77 = arith.index_cast %add3A_76 : i32 to index
      %get3A_78 = tpu.vector_load %arg4[%get3A_77] {strides = array<i32>} : memref<10000xi32, #tpu.memory_space<vmem>>, vector<16xi32>,
      %mul3A_79 = arith.constant 400 : i32
      %mul3A_80 = arith.muli %scan3A_25, %mul3A_79 : i32
      %add3A_81 = arith.constant 144 : i32
      %add3A_82 = arith.addi %mul3A_80, %add3A_81 : i32
      %get3A_83 = arith.index_cast %add3A_82 : i32 to index
      %get3A_84 = tpu.vector_load %arg4[%get3A_83] {strides = array<i32>} : memref<10000xi32, #tpu.memory_space<vmem>>, vector<16xi32>,
      tpu.vector_store_idx %arg5[%get3A_60], %broadcast_in_dim3A_18 {add = true} : memref<10000xf32, #tpu.memory_space<vmem>>[vector<16xi32>], vector<16xf32>,
      tpu.vector_store_idx %arg5[%get3A_66], %broadcast_in_dim3A_18 {add = true} : memref<10000xf32, #tpu.memory_space<vmem>>[vector<16xi32>], vector<16xf32>,
      tpu.vector_store_idx %arg5[%get3A_72], %broadcast_in_dim3A_18 {add = true} : memref<10000xf32, #tpu.memory_space<vmem>>[vector<16xi32>], vector<16xf32>,
      tpu.vector_store_idx %arg5[%get3A_78], %broadcast_in_dim3A_18 {add = true} : memref<10000xf32, #tpu.memory_space<vmem>>[vector<16xi32>], vector<16xf32>,
      tpu.vector_store_idx %arg5[%get3A_84], %broadcast_in_dim3A_18 {add = true} : memref<10000xf32, #tpu.memory_space<vmem>>[vector<16xi32>], vector<16xf32>,
      %mul3A_85 = arith.constant 400 : i32
      %mul3A_86 = arith.muli %scan3A_25, %mul3A_85 : i32
      %add3A_87 = arith.constant 160 : i32
      %add3A_88 = arith.addi %mul3A_86, %add3A_87 : i32
      %get3A_89 = arith.index_cast %add3A_88 : i32 to index
      %get3A_90 = tpu.vector_load %arg4[%get3A_89] {strides = array<i32>} : memref<10000xi32, #tpu.memory_space<vmem>>, vector<16xi32>,
      %mul3A_91 = arith.constant 400 : i32
      %mul3A_92 = arith.muli %scan3A_25, %mul3A_91 : i32
      %add3A_93 = arith.constant 176 : i32
      %add3A_94 = arith.addi %mul3A_92, %add3A_93 : i32
      %get3A_95 = arith.index_cast %add3A_94 : i32 to index
      %get3A_96 = tpu.vector_load %arg4[%get3A_95] {strides = array<i32>} : memref<10000xi32, #tpu.memory_space<vmem>>, vector<16xi32>,
      %mul3A_97 = arith.constant 400 : i32
      %mul3A_98 = arith.muli %scan3A_25, %mul3A_97 : i32
      %add3A_99 = arith.constant 192 : i32
      %add3A_100 = arith.addi %mul3A_98, %add3A_99 : i32
      %get3A_101 = arith.index_cast %add3A_100 : i32 to index
      %get3A_102 = tpu.vector_load %arg4[%get3A_101] {strides = array<i32>} : memref<10000xi32, #tpu.memory_space<vmem>>, vector<16xi32>,
      %mul3A_103 = arith.constant 400 : i32
      %mul3A_104 = arith.muli %scan3A_25, %mul3A_103 : i32
      %add3A_105 = arith.constant 208 : i32
      %add3A_106 = arith.addi %mul3A_104, %add3A_105 : i32
      %get3A_107 = arith.index_cast %add3A_106 : i32 to index
      %get3A_108 = tpu.vector_load %arg4[%get3A_107] {strides = array<i32>} : memref<10000xi32, #tpu.memory_space<vmem>>, vector<16xi32>,
      %mul3A_109 = arith.constant 400 : i32
      %mul3A_110 = arith.muli %scan3A_25, %mul3A_109 : i32
      %add3A_111 = arith.constant 224 : i32
      %add3A_112 = arith.addi %mul3A_110, %add3A_111 : i32
      %get3A_113 = arith.index_cast %add3A_112 : i32 to index
      %get3A_114 = tpu.vector_load %arg4[%get3A_113] {strides = array<i32>} : memref<10000xi32, #tpu.memory_space<vmem>>, vector<16xi32>,
      tpu.vector_store_idx %arg5[%get3A_90], %broadcast_in_dim3A_18 {add = true} : memref<10000xf32, #tpu.memory_space<vmem>>[vector<16xi32>], vector<16xf32>,
      tpu.vector_store_idx %arg5[%get3A_96], %broadcast_in_dim3A_18 {add = true} : memref<10000xf32, #tpu.memory_space<vmem>>[vector<16xi32>], vector<16xf32>,
      tpu.vector_store_idx %arg5[%get3A_102], %broadcast_in_dim3A_18 {add = true} : memref<10000xf32, #tpu.memory_space<vmem>>[vector<16xi32>], vector<16xf32>,
      tpu.vector_store_idx %arg5[%get3A_108], %broadcast_in_dim3A_18 {add = true} : memref<10000xf32, #tpu.memory_space<vmem>>[vector<16xi32>], vector<16xf32>,
      tpu.vector_store_idx %arg5[%get3A_114], %broadcast_in_dim3A_18 {add = true} : memref<10000xf32, #tpu.memory_space<vmem>>[vector<16xi32>], vector<16xf32>,
      %mul3A_115 = arith.constant 400 : i32
      %mul3A_116 = arith.muli %scan3A_25, %mul3A_115 : i32
      %add3A_117 = arith.constant 240 : i32
      %add3A_118 = arith.addi %mul3A_116, %add3A_117 : i32
      %get3A_119 = arith.index_cast %add3A_118 : i32 to index
      %get3A_120 = tpu.vector_load %arg4[%get3A_119] {strides = array<i32>} : memref<10000xi32, #tpu.memory_space<vmem>>, vector<16xi32>,
      %mul3A_121 = arith.constant 400 : i32
      %mul3A_122 = arith.muli %scan3A_25, %mul3A_121 : i32
      %add3A_123 = arith.constant 256 : i32
      %add3A_124 = arith.addi %mul3A_122, %add3A_123 : i32
      %get3A_125 = arith.index_cast %add3A_124 : i32 to index
      %get3A_126 = tpu.vector_load %arg4[%get3A_125] {strides = array<i32>} : memref<10000xi32, #tpu.memory_space<vmem>>, vector<16xi32>,
      %mul3A_127 = arith.constant 400 : i32
      %mul3A_128 = arith.muli %scan3A_25, %mul3A_127 : i32
      %add3A_129 = arith.constant 272 : i32
      %add3A_130 = arith.addi %mul3A_128, %add3A_129 : i32
      %get3A_131 = arith.index_cast %add3A_130 : i32 to index
      %get3A_132 = tpu.vector_load %arg4[%get3A_131] {strides = array<i32>} : memref<10000xi32, #tpu.memory_space<vmem>>, vector<16xi32>,
      %mul3A_133 = arith.constant 400 : i32
      %mul3A_134 = arith.muli %scan3A_25, %mul3A_133 : i32
      %add3A_135 = arith.constant 288 : i32
      %add3A_136 = arith.addi %mul3A_134, %add3A_135 : i32
      %get3A_137 = arith.index_cast %add3A_136 : i32 to index
      %get3A_138 = tpu.vector_load %arg4[%get3A_137] {strides = array<i32>} : memref<10000xi32, #tpu.memory_space<vmem>>, vector<16xi32>,
      %mul3A_139 = arith.constant 400 : i32
      %mul3A_140 = arith.muli %scan3A_25, %mul3A_139 : i32
      %add3A_141 = arith.constant 304 : i32
      %add3A_142 = arith.addi %mul3A_140, %add3A_141 : i32
      %get3A_143 = arith.index_cast %add3A_142 : i32 to index
      %get3A_144 = tpu.vector_load %arg4[%get3A_143] {strides = array<i32>} : memref<10000xi32, #tpu.memory_space<vmem>>, vector<16xi32>,
      tpu.vector_store_idx %arg5[%get3A_120], %broadcast_in_dim3A_18 {add = true} : memref<10000xf32, #tpu.memory_space<vmem>>[vector<16xi32>], vector<16xf32>,
      tpu.vector_store_idx %arg5[%get3A_126], %broadcast_in_dim3A_18 {add = true} : memref<10000xf32, #tpu.memory_space<vmem>>[vector<16xi32>], vector<16xf32>,
      tpu.vector_store_idx %arg5[%get3A_132], %broadcast_in_dim3A_18 {add = true} : memref<10000xf32, #tpu.memory_space<vmem>>[vector<16xi32>], vector<16xf32>,
      tpu.vector_store_idx %arg5[%get3A_138], %broadcast_in_dim3A_18 {add = true} : memref<10000xf32, #tpu.memory_space<vmem>>[vector<16xi32>], vector<16xf32>,
      tpu.vector_store_idx %arg5[%get3A_144], %broadcast_in_dim3A_18 {add = true} : memref<10000xf32, #tpu.memory_space<vmem>>[vector<16xi32>], vector<16xf32>,
      %mul3A_145 = arith.constant 400 : i32
      %mul3A_146 = arith.muli %scan3A_25, %mul3A_145 : i32
      %add3A_147 = arith.constant 320 : i32
      %add3A_148 = arith.addi %mul3A_146, %add3A_147 : i32
      %get3A_149 = arith.index_cast %add3A_148 : i32 to index
      %get3A_150 = tpu.vector_load %arg4[%get3A_149] {strides = array<i32>} : memref<10000xi32, #tpu.memory_space<vmem>>, vector<16xi32>,
      %mul3A_151 = arith.constant 400 : i32
      %mul3A_152 = arith.muli %scan3A_25, %mul3A_151 : i32
      %add3A_153 = arith.constant 336 : i32
      %add3A_154 = arith.addi %mul3A_152, %add3A_153 : i32
      %get3A_155 = arith.index_cast %add3A_154 : i32 to index
      %get3A_156 = tpu.vector_load %arg4[%get3A_155] {strides = array<i32>} : memref<10000xi32, #tpu.memory_space<vmem>>, vector<16xi32>,
      %mul3A_157 = arith.constant 400 : i32
      %mul3A_158 = arith.muli %scan3A_25, %mul3A_157 : i32
      %add3A_159 = arith.constant 352 : i32
      %add3A_160 = arith.addi %mul3A_158, %add3A_159 : i32
      %get3A_161 = arith.index_cast %add3A_160 : i32 to index
      %get3A_162 = tpu.vector_load %arg4[%get3A_161] {strides = array<i32>} : memref<10000xi32, #tpu.memory_space<vmem>>, vector<16xi32>,
      %mul3A_163 = arith.constant 400 : i32
      %mul3A_164 = arith.muli %scan3A_25, %mul3A_163 : i32
      %add3A_165 = arith.constant 368 : i32
      %add3A_166 = arith.addi %mul3A_164, %add3A_165 : i32
      %get3A_167 = arith.index_cast %add3A_166 : i32 to index
      %get3A_168 = tpu.vector_load %arg4[%get3A_167] {strides = array<i32>} : memref<10000xi32, #tpu.memory_space<vmem>>, vector<16xi32>,
      %mul3A_169 = arith.constant 400 : i32
      %mul3A_170 = arith.muli %scan3A_25, %mul3A_169 : i32
      %add3A_171 = arith.constant 384 : i32
      %add3A_172 = arith.addi %mul3A_170, %add3A_171 : i32
      %get3A_173 = arith.index_cast %add3A_172 : i32 to index
      %get3A_174 = tpu.vector_load %arg4[%get3A_173] {strides = array<i32>} : memref<10000xi32, #tpu.memory_space<vmem>>, vector<16xi32>,
      tpu.vector_store_idx %arg5[%get3A_150], %broadcast_in_dim3A_18 {add = true} : memref<10000xf32, #tpu.memory_space<vmem>>[vector<16xi32>], vector<16xf32>,
      tpu.vector_store_idx %arg5[%get3A_156], %broadcast_in_dim3A_18 {add = true} : memref<10000xf32, #tpu.memory_space<vmem>>[vector<16xi32>], vector<16xf32>,
      tpu.vector_store_idx %arg5[%get3A_162], %broadcast_in_dim3A_18 {add = true} : memref<10000xf32, #tpu.memory_space<vmem>>[vector<16xi32>], vector<16xf32>,
      tpu.vector_store_idx %arg5[%get3A_168], %broadcast_in_dim3A_18 {add = true} : memref<10000xf32, #tpu.memory_space<vmem>>[vector<16xi32>], vector<16xf32>,
      tpu.vector_store_idx %arg5[%get3A_174], %broadcast_in_dim3A_18 {add = true} : memref<10000xf32, #tpu.memory_space<vmem>>[vector<16xi32>], vector<16xf32>,
    }
    %scan3A_24 = arith.constant 25 : i32
    "tpu.region"() ({
      %run_scoped3A = tpu.sem_alloc : memref<!tpu.dma_semaphore, #tpu.memory_space<semaphore_mem>>
      %dma_start3A_25 = arith.constant 0 : i32
      %dma_start3A_26 = tpu.memref_slice %arg3[%add3A, %dma_start3A_25] : memref<32x10000xf32, #tpu.memory_space<hbm>> -> memref<1x10000xf32, #tpu.memory_space<hbm>>
      %dma_start3A_27 = tpu.memref_squeeze %dma_start3A_26 : memref<1x10000xf32, #tpu.memory_space<hbm>> -> memref<10000xf32, #tpu.memory_space<hbm>>
      %dma_start3A_28 = arith.constant 0 : i32
      %dma_start3A_29 = tpu.memref_slice %arg3[%add3A, %dma_start3A_28] : memref<32x10000xf32, #tpu.memory_space<hbm>> -> memref<1x10000xf32, #tpu.memory_space<hbm>>
      %dma_start3A_30 = tpu.memref_squeeze %dma_start3A_29 : memref<1x10000xf32, #tpu.memory_space<hbm>> -> memref<10000xf32, #tpu.memory_space<hbm>>
      tpu.enqueue_dma source(%arg5 : memref<10000xf32, #tpu.memory_space<vmem>>) target(%dma_start3A_30 : memref<10000xf32, #tpu.memory_space<hbm>>) target_semaphore(%run_scoped3A : memref<!tpu.dma_semaphore, #tpu.memory_space<semaphore_mem>>)
      %dma_wait3A_31 = arith.constant 0 : i32
      %dma_wait3A_32 = tpu.memref_slice %arg3[%add3A, %dma_wait3A_31] : memref<32x10000xf32, #tpu.memory_space<hbm>> -> memref<1x10000xf32, #tpu.memory_space<hbm>>
      %dma_wait3A_33 = tpu.memref_squeeze %dma_wait3A_32 : memref<1x10000xf32, #tpu.memory_space<hbm>> -> memref<10000xf32, #tpu.memory_space<hbm>>
      %dma_wait3A_34 = arith.constant 0 : i32
      %dma_wait3A_35 = tpu.memref_slice %arg3[%add3A, %dma_wait3A_34] : memref<32x10000xf32, #tpu.memory_space<hbm>> -> memref<1x10000xf32, #tpu.memory_space<hbm>>
      %dma_wait3A_36 = tpu.memref_squeeze %dma_wait3A_35 : memref<1x10000xf32, #tpu.memory_space<hbm>> -> memref<10000xf32, #tpu.memory_space<hbm>>
      tpu.wait_dma2 semaphore(%run_scoped3A : memref<!tpu.dma_semaphore, #tpu.memory_space<semaphore_mem>>) src(%arg5 : memref<10000xf32, #tpu.memory_space<vmem>>) dst(%dma_wait3A_36 : memref<10000xf32, #tpu.memory_space<hbm>>)
      tpu.yield
    }) : () -> ()
    return
  }
}

#map = affine_map<(d0, d1) -> (0, 0)>
module attributes {stable_mosaic.version = 14 : i64} {
  func.func @_sc_scatter(%arg0: i32, %arg1: i32, %arg2: memref<1x10000xf32, #tpu.memory_space<hbm>>, %arg3: memref<2x320000xi32, #tpu.memory_space<hbm>>, %arg4: memref<32x10000xf32, #tpu.memory_space<hbm>>, %arg5: memref<10000xf32, #tpu.memory_space<vmem>>, %arg6: memref<10000xi32, #tpu.memory_space<vmem>>, %arg7: memref<10000xi32, #tpu.memory_space<vmem>>, %arg8: memref<10000xf32, #tpu.memory_space<vmem>>, %arg9: memref<!tpu.dma_semaphore, #tpu.memory_space<semaphore_mem>>, %arg10: memref<!tpu.dma_semaphore, #tpu.memory_space<semaphore_mem>>, %arg11: memref<!tpu.dma_semaphore, #tpu.memory_space<semaphore_mem>>) attributes {dimension_semantics = [#tpu.dimension_semantics<core_parallel>, #tpu.dimension_semantics<subcore_parallel>], iteration_bounds = array<i64: 2, 16>, scalar_prefetch = 0 : i64, scratch_operands = 7 : i64, tpu.core_type = #tpu.core_type<sc_vector_subcore>, window_params = [{transform_indices = #map}, {transform_indices = #map}, {transform_indices = #map}]} {
    %mul3A = arith.constant 2 : i32
    %mul3A_0 = arith.muli %arg1, %mul3A : i32
    %add3A = arith.addi %mul3A_0, %arg0 : i32
    %mul3A_1 = arith.constant 10000 : i32
    %mul3A_2 = arith.muli %add3A, %mul3A_1 : i32
    %dma_start3A = arith.constant 0 : i32
    %dma_start3A_3 = arith.constant 0 : i32
    %dma_start3A_4 = tpu.memref_slice %arg2[%dma_start3A, %dma_start3A_3] : memref<1x10000xf32, #tpu.memory_space<hbm>> -> memref<1x10000xf32, #tpu.memory_space<hbm>>
    %dma_start3A_5 = tpu.memref_squeeze %dma_start3A_4 : memref<1x10000xf32, #tpu.memory_space<hbm>> -> memref<10000xf32, #tpu.memory_space<hbm>>
    %dma_start3A_6 = arith.constant 0 : i32
    %dma_start3A_7 = tpu.memref_slice %arg2[%dma_start3A, %dma_start3A_6] : memref<1x10000xf32, #tpu.memory_space<hbm>> -> memref<1x10000xf32, #tpu.memory_space<hbm>>
    %dma_start3A_8 = tpu.memref_squeeze %dma_start3A_7 : memref<1x10000xf32, #tpu.memory_space<hbm>> -> memref<10000xf32, #tpu.memory_space<hbm>>
    tpu.enqueue_dma source(%dma_start3A_8 : memref<10000xf32, #tpu.memory_space<hbm>>) target(%arg5 : memref<10000xf32, #tpu.memory_space<vmem>>) target_semaphore(%arg9 : memref<!tpu.dma_semaphore, #tpu.memory_space<semaphore_mem>>)
    %dma_start3A_9 = arith.constant 0 : i32
    %dma_start3A_10 = tpu.memref_slice %arg3[%dma_start3A_9, %mul3A_2] : memref<2x320000xi32, #tpu.memory_space<hbm>> -> memref<1x10000xi32, #tpu.memory_space<hbm>>
    %dma_start3A_11 = tpu.memref_squeeze %dma_start3A_10 : memref<1x10000xi32, #tpu.memory_space<hbm>> -> memref<10000xi32, #tpu.memory_space<hbm>>
    %dma_start3A_12 = tpu.memref_slice %arg3[%dma_start3A_9, %mul3A_2] : memref<2x320000xi32, #tpu.memory_space<hbm>> -> memref<1x10000xi32, #tpu.memory_space<hbm>>
    %dma_start3A_13 = tpu.memref_squeeze %dma_start3A_12 : memref<1x10000xi32, #tpu.memory_space<hbm>> -> memref<10000xi32, #tpu.memory_space<hbm>>
    tpu.enqueue_dma source(%dma_start3A_13 : memref<10000xi32, #tpu.memory_space<hbm>>) target(%arg6 : memref<10000xi32, #tpu.memory_space<vmem>>) target_semaphore(%arg10 : memref<!tpu.dma_semaphore, #tpu.memory_space<semaphore_mem>>)
    %dma_start3A_14 = arith.constant 1 : i32
    %dma_start3A_15 = tpu.memref_slice %arg3[%dma_start3A_14, %mul3A_2] : memref<2x320000xi32, #tpu.memory_space<hbm>> -> memref<1x10000xi32, #tpu.memory_space<hbm>>
    %dma_start3A_16 = tpu.memref_squeeze %dma_start3A_15 : memref<1x10000xi32, #tpu.memory_space<hbm>> -> memref<10000xi32, #tpu.memory_space<hbm>>
    %dma_start3A_17 = tpu.memref_slice %arg3[%dma_start3A_14, %mul3A_2] : memref<2x320000xi32, #tpu.memory_space<hbm>> -> memref<1x10000xi32, #tpu.memory_space<hbm>>
    %dma_start3A_18 = tpu.memref_squeeze %dma_start3A_17 : memref<1x10000xi32, #tpu.memory_space<hbm>> -> memref<10000xi32, #tpu.memory_space<hbm>>
    tpu.enqueue_dma source(%dma_start3A_18 : memref<10000xi32, #tpu.memory_space<hbm>>) target(%arg7 : memref<10000xi32, #tpu.memory_space<vmem>>) target_semaphore(%arg11 : memref<!tpu.dma_semaphore, #tpu.memory_space<semaphore_mem>>)
    %broadcast_in_dim3A = arith.constant 0.000000e+00 : f32
    %broadcast_in_dim3A_19 = vector.broadcast %broadcast_in_dim3A : f32 to vector<16xf32>
    %scan3A = arith.constant 0 : i32
    %scan3A_20 = arith.constant 0 : i32
    %scan3A_21 = arith.constant 25 : i32
    %scan3A_22 = arith.addi %scan3A_20, %scan3A_21 : i32
    %scan3A_23 = arith.constant 1 : i32
    scf.for %scan3A_47 = %scan3A_20 to %scan3A_22 step %scan3A_23  : i32 {
      %mul3A_48 = arith.constant 400 : i32
      %mul3A_49 = arith.muli %scan3A_47, %mul3A_48 : i32
      %add3A_50 = arith.constant 0 : i32
      %add3A_51 = arith.addi %mul3A_49, %add3A_50 : i32
      %swap3A = arith.index_cast %add3A_51 : i32 to index
      %swap3A_52 = tpu.vector_load %arg8[%swap3A] {strides = array<i32>} : memref<10000xf32, #tpu.memory_space<vmem>>, vector<16xf32>,
      tpu.vector_store %arg8[%swap3A], %broadcast_in_dim3A_19 {strides = array<i32>} : memref<10000xf32, #tpu.memory_space<vmem>>, vector<16xf32>,
      %mul3A_53 = arith.constant 400 : i32
      %mul3A_54 = arith.muli %scan3A_47, %mul3A_53 : i32
      %add3A_55 = arith.constant 16 : i32
      %add3A_56 = arith.addi %mul3A_54, %add3A_55 : i32
      %swap3A_57 = arith.index_cast %add3A_56 : i32 to index
      %swap3A_58 = tpu.vector_load %arg8[%swap3A_57] {strides = array<i32>} : memref<10000xf32, #tpu.memory_space<vmem>>, vector<16xf32>,
      tpu.vector_store %arg8[%swap3A_57], %broadcast_in_dim3A_19 {strides = array<i32>} : memref<10000xf32, #tpu.memory_space<vmem>>, vector<16xf32>,
      %mul3A_59 = arith.constant 400 : i32
      %mul3A_60 = arith.muli %scan3A_47, %mul3A_59 : i32
      %add3A_61 = arith.constant 32 : i32
      %add3A_62 = arith.addi %mul3A_60, %add3A_61 : i32
      %swap3A_63 = arith.index_cast %add3A_62 : i32 to index
      %swap3A_64 = tpu.vector_load %arg8[%swap3A_63] {strides = array<i32>} : memref<10000xf32, #tpu.memory_space<vmem>>, vector<16xf32>,
      tpu.vector_store %arg8[%swap3A_63], %broadcast_in_dim3A_19 {strides = array<i32>} : memref<10000xf32, #tpu.memory_space<vmem>>, vector<16xf32>,
      %mul3A_65 = arith.constant 400 : i32
      %mul3A_66 = arith.muli %scan3A_47, %mul3A_65 : i32
      %add3A_67 = arith.constant 48 : i32
      %add3A_68 = arith.addi %mul3A_66, %add3A_67 : i32
      %swap3A_69 = arith.index_cast %add3A_68 : i32 to index
      %swap3A_70 = tpu.vector_load %arg8[%swap3A_69] {strides = array<i32>} : memref<10000xf32, #tpu.memory_space<vmem>>, vector<16xf32>,
      tpu.vector_store %arg8[%swap3A_69], %broadcast_in_dim3A_19 {strides = array<i32>} : memref<10000xf32, #tpu.memory_space<vmem>>, vector<16xf32>,
      %mul3A_71 = arith.constant 400 : i32
      %mul3A_72 = arith.muli %scan3A_47, %mul3A_71 : i32
      %add3A_73 = arith.constant 64 : i32
      %add3A_74 = arith.addi %mul3A_72, %add3A_73 : i32
      %swap3A_75 = arith.index_cast %add3A_74 : i32 to index
      %swap3A_76 = tpu.vector_load %arg8[%swap3A_75] {strides = array<i32>} : memref<10000xf32, #tpu.memory_space<vmem>>, vector<16xf32>,
      tpu.vector_store %arg8[%swap3A_75], %broadcast_in_dim3A_19 {strides = array<i32>} : memref<10000xf32, #tpu.memory_space<vmem>>, vector<16xf32>,
      %mul3A_77 = arith.constant 400 : i32
      %mul3A_78 = arith.muli %scan3A_47, %mul3A_77 : i32
      %add3A_79 = arith.constant 80 : i32
      %add3A_80 = arith.addi %mul3A_78, %add3A_79 : i32
      %swap3A_81 = arith.index_cast %add3A_80 : i32 to index
      %swap3A_82 = tpu.vector_load %arg8[%swap3A_81] {strides = array<i32>} : memref<10000xf32, #tpu.memory_space<vmem>>, vector<16xf32>,
      tpu.vector_store %arg8[%swap3A_81], %broadcast_in_dim3A_19 {strides = array<i32>} : memref<10000xf32, #tpu.memory_space<vmem>>, vector<16xf32>,
      %mul3A_83 = arith.constant 400 : i32
      %mul3A_84 = arith.muli %scan3A_47, %mul3A_83 : i32
      %add3A_85 = arith.constant 96 : i32
      %add3A_86 = arith.addi %mul3A_84, %add3A_85 : i32
      %swap3A_87 = arith.index_cast %add3A_86 : i32 to index
      %swap3A_88 = tpu.vector_load %arg8[%swap3A_87] {strides = array<i32>} : memref<10000xf32, #tpu.memory_space<vmem>>, vector<16xf32>,
      tpu.vector_store %arg8[%swap3A_87], %broadcast_in_dim3A_19 {strides = array<i32>} : memref<10000xf32, #tpu.memory_space<vmem>>, vector<16xf32>,
      %mul3A_89 = arith.constant 400 : i32
      %mul3A_90 = arith.muli %scan3A_47, %mul3A_89 : i32
      %add3A_91 = arith.constant 112 : i32
      %add3A_92 = arith.addi %mul3A_90, %add3A_91 : i32
      %swap3A_93 = arith.index_cast %add3A_92 : i32 to index
      %swap3A_94 = tpu.vector_load %arg8[%swap3A_93] {strides = array<i32>} : memref<10000xf32, #tpu.memory_space<vmem>>, vector<16xf32>,
      tpu.vector_store %arg8[%swap3A_93], %broadcast_in_dim3A_19 {strides = array<i32>} : memref<10000xf32, #tpu.memory_space<vmem>>, vector<16xf32>,
      %mul3A_95 = arith.constant 400 : i32
      %mul3A_96 = arith.muli %scan3A_47, %mul3A_95 : i32
      %add3A_97 = arith.constant 128 : i32
      %add3A_98 = arith.addi %mul3A_96, %add3A_97 : i32
      %swap3A_99 = arith.index_cast %add3A_98 : i32 to index
      %swap3A_100 = tpu.vector_load %arg8[%swap3A_99] {strides = array<i32>} : memref<10000xf32, #tpu.memory_space<vmem>>, vector<16xf32>,
      tpu.vector_store %arg8[%swap3A_99], %broadcast_in_dim3A_19 {strides = array<i32>} : memref<10000xf32, #tpu.memory_space<vmem>>, vector<16xf32>,
      %mul3A_101 = arith.constant 400 : i32
      %mul3A_102 = arith.muli %scan3A_47, %mul3A_101 : i32
      %add3A_103 = arith.constant 144 : i32
      %add3A_104 = arith.addi %mul3A_102, %add3A_103 : i32
      %swap3A_105 = arith.index_cast %add3A_104 : i32 to index
      %swap3A_106 = tpu.vector_load %arg8[%swap3A_105] {strides = array<i32>} : memref<10000xf32, #tpu.memory_space<vmem>>, vector<16xf32>,
      tpu.vector_store %arg8[%swap3A_105], %broadcast_in_dim3A_19 {strides = array<i32>} : memref<10000xf32, #tpu.memory_space<vmem>>, vector<16xf32>,
      %mul3A_107 = arith.constant 400 : i32
      %mul3A_108 = arith.muli %scan3A_47, %mul3A_107 : i32
      %add3A_109 = arith.constant 160 : i32
      %add3A_110 = arith.addi %mul3A_108, %add3A_109 : i32
      %swap3A_111 = arith.index_cast %add3A_110 : i32 to index
      %swap3A_112 = tpu.vector_load %arg8[%swap3A_111] {strides = array<i32>} : memref<10000xf32, #tpu.memory_space<vmem>>, vector<16xf32>,
      tpu.vector_store %arg8[%swap3A_111], %broadcast_in_dim3A_19 {strides = array<i32>} : memref<10000xf32, #tpu.memory_space<vmem>>, vector<16xf32>,
      %mul3A_113 = arith.constant 400 : i32
      %mul3A_114 = arith.muli %scan3A_47, %mul3A_113 : i32
      %add3A_115 = arith.constant 176 : i32
      %add3A_116 = arith.addi %mul3A_114, %add3A_115 : i32
      %swap3A_117 = arith.index_cast %add3A_116 : i32 to index
      %swap3A_118 = tpu.vector_load %arg8[%swap3A_117] {strides = array<i32>} : memref<10000xf32, #tpu.memory_space<vmem>>, vector<16xf32>,
      tpu.vector_store %arg8[%swap3A_117], %broadcast_in_dim3A_19 {strides = array<i32>} : memref<10000xf32, #tpu.memory_space<vmem>>, vector<16xf32>,
      %mul3A_119 = arith.constant 400 : i32
      %mul3A_120 = arith.muli %scan3A_47, %mul3A_119 : i32
      %add3A_121 = arith.constant 192 : i32
      %add3A_122 = arith.addi %mul3A_120, %add3A_121 : i32
      %swap3A_123 = arith.index_cast %add3A_122 : i32 to index
      %swap3A_124 = tpu.vector_load %arg8[%swap3A_123] {strides = array<i32>} : memref<10000xf32, #tpu.memory_space<vmem>>, vector<16xf32>,
      tpu.vector_store %arg8[%swap3A_123], %broadcast_in_dim3A_19 {strides = array<i32>} : memref<10000xf32, #tpu.memory_space<vmem>>, vector<16xf32>,
      %mul3A_125 = arith.constant 400 : i32
      %mul3A_126 = arith.muli %scan3A_47, %mul3A_125 : i32
      %add3A_127 = arith.constant 208 : i32
      %add3A_128 = arith.addi %mul3A_126, %add3A_127 : i32
      %swap3A_129 = arith.index_cast %add3A_128 : i32 to index
      %swap3A_130 = tpu.vector_load %arg8[%swap3A_129] {strides = array<i32>} : memref<10000xf32, #tpu.memory_space<vmem>>, vector<16xf32>,
      tpu.vector_store %arg8[%swap3A_129], %broadcast_in_dim3A_19 {strides = array<i32>} : memref<10000xf32, #tpu.memory_space<vmem>>, vector<16xf32>,
      %mul3A_131 = arith.constant 400 : i32
      %mul3A_132 = arith.muli %scan3A_47, %mul3A_131 : i32
      %add3A_133 = arith.constant 224 : i32
      %add3A_134 = arith.addi %mul3A_132, %add3A_133 : i32
      %swap3A_135 = arith.index_cast %add3A_134 : i32 to index
      %swap3A_136 = tpu.vector_load %arg8[%swap3A_135] {strides = array<i32>} : memref<10000xf32, #tpu.memory_space<vmem>>, vector<16xf32>,
      tpu.vector_store %arg8[%swap3A_135], %broadcast_in_dim3A_19 {strides = array<i32>} : memref<10000xf32, #tpu.memory_space<vmem>>, vector<16xf32>,
      %mul3A_137 = arith.constant 400 : i32
      %mul3A_138 = arith.muli %scan3A_47, %mul3A_137 : i32
      %add3A_139 = arith.constant 240 : i32
      %add3A_140 = arith.addi %mul3A_138, %add3A_139 : i32
      %swap3A_141 = arith.index_cast %add3A_140 : i32 to index
      %swap3A_142 = tpu.vector_load %arg8[%swap3A_141] {strides = array<i32>} : memref<10000xf32, #tpu.memory_space<vmem>>, vector<16xf32>,
      tpu.vector_store %arg8[%swap3A_141], %broadcast_in_dim3A_19 {strides = array<i32>} : memref<10000xf32, #tpu.memory_space<vmem>>, vector<16xf32>,
      %mul3A_143 = arith.constant 400 : i32
      %mul3A_144 = arith.muli %scan3A_47, %mul3A_143 : i32
      %add3A_145 = arith.constant 256 : i32
      %add3A_146 = arith.addi %mul3A_144, %add3A_145 : i32
      %swap3A_147 = arith.index_cast %add3A_146 : i32 to index
      %swap3A_148 = tpu.vector_load %arg8[%swap3A_147] {strides = array<i32>} : memref<10000xf32, #tpu.memory_space<vmem>>, vector<16xf32>,
      tpu.vector_store %arg8[%swap3A_147], %broadcast_in_dim3A_19 {strides = array<i32>} : memref<10000xf32, #tpu.memory_space<vmem>>, vector<16xf32>,
      %mul3A_149 = arith.constant 400 : i32
      %mul3A_150 = arith.muli %scan3A_47, %mul3A_149 : i32
      %add3A_151 = arith.constant 272 : i32
      %add3A_152 = arith.addi %mul3A_150, %add3A_151 : i32
      %swap3A_153 = arith.index_cast %add3A_152 : i32 to index
      %swap3A_154 = tpu.vector_load %arg8[%swap3A_153] {strides = array<i32>} : memref<10000xf32, #tpu.memory_space<vmem>>, vector<16xf32>,
      tpu.vector_store %arg8[%swap3A_153], %broadcast_in_dim3A_19 {strides = array<i32>} : memref<10000xf32, #tpu.memory_space<vmem>>, vector<16xf32>,
      %mul3A_155 = arith.constant 400 : i32
      %mul3A_156 = arith.muli %scan3A_47, %mul3A_155 : i32
      %add3A_157 = arith.constant 288 : i32
      %add3A_158 = arith.addi %mul3A_156, %add3A_157 : i32
      %swap3A_159 = arith.index_cast %add3A_158 : i32 to index
      %swap3A_160 = tpu.vector_load %arg8[%swap3A_159] {strides = array<i32>} : memref<10000xf32, #tpu.memory_space<vmem>>, vector<16xf32>,
      tpu.vector_store %arg8[%swap3A_159], %broadcast_in_dim3A_19 {strides = array<i32>} : memref<10000xf32, #tpu.memory_space<vmem>>, vector<16xf32>,
      %mul3A_161 = arith.constant 400 : i32
      %mul3A_162 = arith.muli %scan3A_47, %mul3A_161 : i32
      %add3A_163 = arith.constant 304 : i32
      %add3A_164 = arith.addi %mul3A_162, %add3A_163 : i32
      %swap3A_165 = arith.index_cast %add3A_164 : i32 to index
      %swap3A_166 = tpu.vector_load %arg8[%swap3A_165] {strides = array<i32>} : memref<10000xf32, #tpu.memory_space<vmem>>, vector<16xf32>,
      tpu.vector_store %arg8[%swap3A_165], %broadcast_in_dim3A_19 {strides = array<i32>} : memref<10000xf32, #tpu.memory_space<vmem>>, vector<16xf32>,
      %mul3A_167 = arith.constant 400 : i32
      %mul3A_168 = arith.muli %scan3A_47, %mul3A_167 : i32
      %add3A_169 = arith.constant 320 : i32
      %add3A_170 = arith.addi %mul3A_168, %add3A_169 : i32
      %swap3A_171 = arith.index_cast %add3A_170 : i32 to index
      %swap3A_172 = tpu.vector_load %arg8[%swap3A_171] {strides = array<i32>} : memref<10000xf32, #tpu.memory_space<vmem>>, vector<16xf32>,
      tpu.vector_store %arg8[%swap3A_171], %broadcast_in_dim3A_19 {strides = array<i32>} : memref<10000xf32, #tpu.memory_space<vmem>>, vector<16xf32>,
      %mul3A_173 = arith.constant 400 : i32
      %mul3A_174 = arith.muli %scan3A_47, %mul3A_173 : i32
      %add3A_175 = arith.constant 336 : i32
      %add3A_176 = arith.addi %mul3A_174, %add3A_175 : i32
      %swap3A_177 = arith.index_cast %add3A_176 : i32 to index
      %swap3A_178 = tpu.vector_load %arg8[%swap3A_177] {strides = array<i32>} : memref<10000xf32, #tpu.memory_space<vmem>>, vector<16xf32>,
      tpu.vector_store %arg8[%swap3A_177], %broadcast_in_dim3A_19 {strides = array<i32>} : memref<10000xf32, #tpu.memory_space<vmem>>, vector<16xf32>,
      %mul3A_179 = arith.constant 400 : i32
      %mul3A_180 = arith.muli %scan3A_47, %mul3A_179 : i32
      %add3A_181 = arith.constant 352 : i32
      %add3A_182 = arith.addi %mul3A_180, %add3A_181 : i32
      %swap3A_183 = arith.index_cast %add3A_182 : i32 to index
      %swap3A_184 = tpu.vector_load %arg8[%swap3A_183] {strides = array<i32>} : memref<10000xf32, #tpu.memory_space<vmem>>, vector<16xf32>,
      tpu.vector_store %arg8[%swap3A_183], %broadcast_in_dim3A_19 {strides = array<i32>} : memref<10000xf32, #tpu.memory_space<vmem>>, vector<16xf32>,
      %mul3A_185 = arith.constant 400 : i32
      %mul3A_186 = arith.muli %scan3A_47, %mul3A_185 : i32
      %add3A_187 = arith.constant 368 : i32
      %add3A_188 = arith.addi %mul3A_186, %add3A_187 : i32
      %swap3A_189 = arith.index_cast %add3A_188 : i32 to index
      %swap3A_190 = tpu.vector_load %arg8[%swap3A_189] {strides = array<i32>} : memref<10000xf32, #tpu.memory_space<vmem>>, vector<16xf32>,
      tpu.vector_store %arg8[%swap3A_189], %broadcast_in_dim3A_19 {strides = array<i32>} : memref<10000xf32, #tpu.memory_space<vmem>>, vector<16xf32>,
      %mul3A_191 = arith.constant 400 : i32
      %mul3A_192 = arith.muli %scan3A_47, %mul3A_191 : i32
      %add3A_193 = arith.constant 384 : i32
      %add3A_194 = arith.addi %mul3A_192, %add3A_193 : i32
      %swap3A_195 = arith.index_cast %add3A_194 : i32 to index
      %swap3A_196 = tpu.vector_load %arg8[%swap3A_195] {strides = array<i32>} : memref<10000xf32, #tpu.memory_space<vmem>>, vector<16xf32>,
      tpu.vector_store %arg8[%swap3A_195], %broadcast_in_dim3A_19 {strides = array<i32>} : memref<10000xf32, #tpu.memory_space<vmem>>, vector<16xf32>,
    }
    %scan3A_24 = arith.constant 25 : i32
    %dma_wait3A = arith.constant 0 : i32
    %dma_wait3A_25 = arith.constant 0 : i32
    %dma_wait3A_26 = tpu.memref_slice %arg2[%dma_wait3A, %dma_wait3A_25] : memref<1x10000xf32, #tpu.memory_space<hbm>> -> memref<1x10000xf32, #tpu.memory_space<hbm>>
    %dma_wait3A_27 = tpu.memref_squeeze %dma_wait3A_26 : memref<1x10000xf32, #tpu.memory_space<hbm>> -> memref<10000xf32, #tpu.memory_space<hbm>>
    %dma_wait3A_28 = arith.constant 0 : i32
    %dma_wait3A_29 = tpu.memref_slice %arg2[%dma_wait3A, %dma_wait3A_28] : memref<1x10000xf32, #tpu.memory_space<hbm>> -> memref<1x10000xf32, #tpu.memory_space<hbm>>
    %dma_wait3A_30 = tpu.memref_squeeze %dma_wait3A_29 : memref<1x10000xf32, #tpu.memory_space<hbm>> -> memref<10000xf32, #tpu.memory_space<hbm>>
    tpu.wait_dma2 semaphore(%arg9 : memref<!tpu.dma_semaphore, #tpu.memory_space<semaphore_mem>>) src(%dma_wait3A_30 : memref<10000xf32, #tpu.memory_space<hbm>>) dst(%arg5 : memref<10000xf32, #tpu.memory_space<vmem>>)
    %dma_wait3A_31 = arith.constant 0 : i32
    %dma_wait3A_32 = tpu.memref_slice %arg3[%dma_wait3A_31, %mul3A_2] : memref<2x320000xi32, #tpu.memory_space<hbm>> -> memref<1x10000xi32, #tpu.memory_space<hbm>>
    %dma_wait3A_33 = tpu.memref_squeeze %dma_wait3A_32 : memref<1x10000xi32, #tpu.memory_space<hbm>> -> memref<10000xi32, #tpu.memory_space<hbm>>
    %dma_wait3A_34 = tpu.memref_slice %arg3[%dma_wait3A_31, %mul3A_2] : memref<2x320000xi32, #tpu.memory_space<hbm>> -> memref<1x10000xi32, #tpu.memory_space<hbm>>
    %dma_wait3A_35 = tpu.memref_squeeze %dma_wait3A_34 : memref<1x10000xi32, #tpu.memory_space<hbm>> -> memref<10000xi32, #tpu.memory_space<hbm>>
    tpu.wait_dma2 semaphore(%arg10 : memref<!tpu.dma_semaphore, #tpu.memory_space<semaphore_mem>>) src(%dma_wait3A_35 : memref<10000xi32, #tpu.memory_space<hbm>>) dst(%arg6 : memref<10000xi32, #tpu.memory_space<vmem>>)
    %dma_wait3A_36 = arith.constant 1 : i32
    %dma_wait3A_37 = tpu.memref_slice %arg3[%dma_wait3A_36, %mul3A_2] : memref<2x320000xi32, #tpu.memory_space<hbm>> -> memref<1x10000xi32, #tpu.memory_space<hbm>>
    %dma_wait3A_38 = tpu.memref_squeeze %dma_wait3A_37 : memref<1x10000xi32, #tpu.memory_space<hbm>> -> memref<10000xi32, #tpu.memory_space<hbm>>
    %dma_wait3A_39 = tpu.memref_slice %arg3[%dma_wait3A_36, %mul3A_2] : memref<2x320000xi32, #tpu.memory_space<hbm>> -> memref<1x10000xi32, #tpu.memory_space<hbm>>
    %dma_wait3A_40 = tpu.memref_squeeze %dma_wait3A_39 : memref<1x10000xi32, #tpu.memory_space<hbm>> -> memref<10000xi32, #tpu.memory_space<hbm>>
    tpu.wait_dma2 semaphore(%arg11 : memref<!tpu.dma_semaphore, #tpu.memory_space<semaphore_mem>>) src(%dma_wait3A_40 : memref<10000xi32, #tpu.memory_space<hbm>>) dst(%arg7 : memref<10000xi32, #tpu.memory_space<vmem>>)
    %scan3A_41 = arith.constant 0 : i32
    %scan3A_42 = arith.constant 0 : i32
    %scan3A_43 = arith.constant 25 : i32
    %scan3A_44 = arith.addi %scan3A_42, %scan3A_43 : i32
    %scan3A_45 = arith.constant 1 : i32
    scf.for %scan3A_47 = %scan3A_42 to %scan3A_44 step %scan3A_45  : i32 {
      %mul3A_48 = arith.constant 400 : i32
      %mul3A_49 = arith.muli %scan3A_47, %mul3A_48 : i32
      %add3A_50 = arith.constant 0 : i32
      %add3A_51 = arith.addi %mul3A_49, %add3A_50 : i32
      %get3A = arith.index_cast %add3A_51 : i32 to index
      %get3A_52 = tpu.vector_load %arg6[%get3A] {strides = array<i32>} : memref<10000xi32, #tpu.memory_space<vmem>>, vector<16xi32>,
      %mul3A_53 = arith.constant 400 : i32
      %mul3A_54 = arith.muli %scan3A_47, %mul3A_53 : i32
      %add3A_55 = arith.constant 16 : i32
      %add3A_56 = arith.addi %mul3A_54, %add3A_55 : i32
      %get3A_57 = arith.index_cast %add3A_56 : i32 to index
      %get3A_58 = tpu.vector_load %arg6[%get3A_57] {strides = array<i32>} : memref<10000xi32, #tpu.memory_space<vmem>>, vector<16xi32>,
      %mul3A_59 = arith.constant 400 : i32
      %mul3A_60 = arith.muli %scan3A_47, %mul3A_59 : i32
      %add3A_61 = arith.constant 32 : i32
      %add3A_62 = arith.addi %mul3A_60, %add3A_61 : i32
      %get3A_63 = arith.index_cast %add3A_62 : i32 to index
      %get3A_64 = tpu.vector_load %arg6[%get3A_63] {strides = array<i32>} : memref<10000xi32, #tpu.memory_space<vmem>>, vector<16xi32>,
      %mul3A_65 = arith.constant 400 : i32
      %mul3A_66 = arith.muli %scan3A_47, %mul3A_65 : i32
      %add3A_67 = arith.constant 48 : i32
      %add3A_68 = arith.addi %mul3A_66, %add3A_67 : i32
      %get3A_69 = arith.index_cast %add3A_68 : i32 to index
      %get3A_70 = tpu.vector_load %arg6[%get3A_69] {strides = array<i32>} : memref<10000xi32, #tpu.memory_space<vmem>>, vector<16xi32>,
      %mul3A_71 = arith.constant 400 : i32
      %mul3A_72 = arith.muli %scan3A_47, %mul3A_71 : i32
      %add3A_73 = arith.constant 64 : i32
      %add3A_74 = arith.addi %mul3A_72, %add3A_73 : i32
      %get3A_75 = arith.index_cast %add3A_74 : i32 to index
      %get3A_76 = tpu.vector_load %arg6[%get3A_75] {strides = array<i32>} : memref<10000xi32, #tpu.memory_space<vmem>>, vector<16xi32>,
      %gather3A = tpu.vector_load_idx %arg5[%get3A_52] : memref<10000xf32, #tpu.memory_space<vmem>>[vector<16xi32>], vector<16xf32>,
      %gather3A_77 = tpu.vector_load_idx %arg5[%get3A_58] : memref<10000xf32, #tpu.memory_space<vmem>>[vector<16xi32>], vector<16xf32>,
      %gather3A_78 = tpu.vector_load_idx %arg5[%get3A_64] : memref<10000xf32, #tpu.memory_space<vmem>>[vector<16xi32>], vector<16xf32>,
      %gather3A_79 = tpu.vector_load_idx %arg5[%get3A_70] : memref<10000xf32, #tpu.memory_space<vmem>>[vector<16xi32>], vector<16xf32>,
      %gather3A_80 = tpu.vector_load_idx %arg5[%get3A_76] : memref<10000xf32, #tpu.memory_space<vmem>>[vector<16xi32>], vector<16xf32>,
      %mul3A_81 = arith.constant 400 : i32
      %mul3A_82 = arith.muli %scan3A_47, %mul3A_81 : i32
      %add3A_83 = arith.constant 0 : i32
      %add3A_84 = arith.addi %mul3A_82, %add3A_83 : i32
      %get3A_85 = arith.index_cast %add3A_84 : i32 to index
      %get3A_86 = tpu.vector_load %arg7[%get3A_85] {strides = array<i32>} : memref<10000xi32, #tpu.memory_space<vmem>>, vector<16xi32>,
      %mul3A_87 = arith.constant 400 : i32
      %mul3A_88 = arith.muli %scan3A_47, %mul3A_87 : i32
      %add3A_89 = arith.constant 16 : i32
      %add3A_90 = arith.addi %mul3A_88, %add3A_89 : i32
      %get3A_91 = arith.index_cast %add3A_90 : i32 to index
      %get3A_92 = tpu.vector_load %arg7[%get3A_91] {strides = array<i32>} : memref<10000xi32, #tpu.memory_space<vmem>>, vector<16xi32>,
      %mul3A_93 = arith.constant 400 : i32
      %mul3A_94 = arith.muli %scan3A_47, %mul3A_93 : i32
      %add3A_95 = arith.constant 32 : i32
      %add3A_96 = arith.addi %mul3A_94, %add3A_95 : i32
      %get3A_97 = arith.index_cast %add3A_96 : i32 to index
      %get3A_98 = tpu.vector_load %arg7[%get3A_97] {strides = array<i32>} : memref<10000xi32, #tpu.memory_space<vmem>>, vector<16xi32>,
      %mul3A_99 = arith.constant 400 : i32
      %mul3A_100 = arith.muli %scan3A_47, %mul3A_99 : i32
      %add3A_101 = arith.constant 48 : i32
      %add3A_102 = arith.addi %mul3A_100, %add3A_101 : i32
      %get3A_103 = arith.index_cast %add3A_102 : i32 to index
      %get3A_104 = tpu.vector_load %arg7[%get3A_103] {strides = array<i32>} : memref<10000xi32, #tpu.memory_space<vmem>>, vector<16xi32>,
      %mul3A_105 = arith.constant 400 : i32
      %mul3A_106 = arith.muli %scan3A_47, %mul3A_105 : i32
      %add3A_107 = arith.constant 64 : i32
      %add3A_108 = arith.addi %mul3A_106, %add3A_107 : i32
      %get3A_109 = arith.index_cast %add3A_108 : i32 to index
      %get3A_110 = tpu.vector_load %arg7[%get3A_109] {strides = array<i32>} : memref<10000xi32, #tpu.memory_space<vmem>>, vector<16xi32>,
      tpu.vector_store_idx %arg8[%get3A_86], %gather3A {add = true} : memref<10000xf32, #tpu.memory_space<vmem>>[vector<16xi32>], vector<16xf32>,
      tpu.vector_store_idx %arg8[%get3A_92], %gather3A_77 {add = true} : memref<10000xf32, #tpu.memory_space<vmem>>[vector<16xi32>], vector<16xf32>,
      tpu.vector_store_idx %arg8[%get3A_98], %gather3A_78 {add = true} : memref<10000xf32, #tpu.memory_space<vmem>>[vector<16xi32>], vector<16xf32>,
      tpu.vector_store_idx %arg8[%get3A_104], %gather3A_79 {add = true} : memref<10000xf32, #tpu.memory_space<vmem>>[vector<16xi32>], vector<16xf32>,
      tpu.vector_store_idx %arg8[%get3A_110], %gather3A_80 {add = true} : memref<10000xf32, #tpu.memory_space<vmem>>[vector<16xi32>], vector<16xf32>,
      %mul3A_111 = arith.constant 400 : i32
      %mul3A_112 = arith.muli %scan3A_47, %mul3A_111 : i32
      %add3A_113 = arith.constant 80 : i32
      %add3A_114 = arith.addi %mul3A_112, %add3A_113 : i32
      %get3A_115 = arith.index_cast %add3A_114 : i32 to index
      %get3A_116 = tpu.vector_load %arg6[%get3A_115] {strides = array<i32>} : memref<10000xi32, #tpu.memory_space<vmem>>, vector<16xi32>,
      %mul3A_117 = arith.constant 400 : i32
      %mul3A_118 = arith.muli %scan3A_47, %mul3A_117 : i32
      %add3A_119 = arith.constant 96 : i32
      %add3A_120 = arith.addi %mul3A_118, %add3A_119 : i32
      %get3A_121 = arith.index_cast %add3A_120 : i32 to index
      %get3A_122 = tpu.vector_load %arg6[%get3A_121] {strides = array<i32>} : memref<10000xi32, #tpu.memory_space<vmem>>, vector<16xi32>,
      %mul3A_123 = arith.constant 400 : i32
      %mul3A_124 = arith.muli %scan3A_47, %mul3A_123 : i32
      %add3A_125 = arith.constant 112 : i32
      %add3A_126 = arith.addi %mul3A_124, %add3A_125 : i32
      %get3A_127 = arith.index_cast %add3A_126 : i32 to index
      %get3A_128 = tpu.vector_load %arg6[%get3A_127] {strides = array<i32>} : memref<10000xi32, #tpu.memory_space<vmem>>, vector<16xi32>,
      %mul3A_129 = arith.constant 400 : i32
      %mul3A_130 = arith.muli %scan3A_47, %mul3A_129 : i32
      %add3A_131 = arith.constant 128 : i32
      %add3A_132 = arith.addi %mul3A_130, %add3A_131 : i32
      %get3A_133 = arith.index_cast %add3A_132 : i32 to index
      %get3A_134 = tpu.vector_load %arg6[%get3A_133] {strides = array<i32>} : memref<10000xi32, #tpu.memory_space<vmem>>, vector<16xi32>,
      %mul3A_135 = arith.constant 400 : i32
      %mul3A_136 = arith.muli %scan3A_47, %mul3A_135 : i32
      %add3A_137 = arith.constant 144 : i32
      %add3A_138 = arith.addi %mul3A_136, %add3A_137 : i32
      %get3A_139 = arith.index_cast %add3A_138 : i32 to index
      %get3A_140 = tpu.vector_load %arg6[%get3A_139] {strides = array<i32>} : memref<10000xi32, #tpu.memory_space<vmem>>, vector<16xi32>,
      %gather3A_141 = tpu.vector_load_idx %arg5[%get3A_116] : memref<10000xf32, #tpu.memory_space<vmem>>[vector<16xi32>], vector<16xf32>,
      %gather3A_142 = tpu.vector_load_idx %arg5[%get3A_122] : memref<10000xf32, #tpu.memory_space<vmem>>[vector<16xi32>], vector<16xf32>,
      %gather3A_143 = tpu.vector_load_idx %arg5[%get3A_128] : memref<10000xf32, #tpu.memory_space<vmem>>[vector<16xi32>], vector<16xf32>,
      %gather3A_144 = tpu.vector_load_idx %arg5[%get3A_134] : memref<10000xf32, #tpu.memory_space<vmem>>[vector<16xi32>], vector<16xf32>,
      %gather3A_145 = tpu.vector_load_idx %arg5[%get3A_140] : memref<10000xf32, #tpu.memory_space<vmem>>[vector<16xi32>], vector<16xf32>,
      %mul3A_146 = arith.constant 400 : i32
      %mul3A_147 = arith.muli %scan3A_47, %mul3A_146 : i32
      %add3A_148 = arith.constant 80 : i32
      %add3A_149 = arith.addi %mul3A_147, %add3A_148 : i32
      %get3A_150 = arith.index_cast %add3A_149 : i32 to index
      %get3A_151 = tpu.vector_load %arg7[%get3A_150] {strides = array<i32>} : memref<10000xi32, #tpu.memory_space<vmem>>, vector<16xi32>,
      %mul3A_152 = arith.constant 400 : i32
      %mul3A_153 = arith.muli %scan3A_47, %mul3A_152 : i32
      %add3A_154 = arith.constant 96 : i32
      %add3A_155 = arith.addi %mul3A_153, %add3A_154 : i32
      %get3A_156 = arith.index_cast %add3A_155 : i32 to index
      %get3A_157 = tpu.vector_load %arg7[%get3A_156] {strides = array<i32>} : memref<10000xi32, #tpu.memory_space<vmem>>, vector<16xi32>,
      %mul3A_158 = arith.constant 400 : i32
      %mul3A_159 = arith.muli %scan3A_47, %mul3A_158 : i32
      %add3A_160 = arith.constant 112 : i32
      %add3A_161 = arith.addi %mul3A_159, %add3A_160 : i32
      %get3A_162 = arith.index_cast %add3A_161 : i32 to index
      %get3A_163 = tpu.vector_load %arg7[%get3A_162] {strides = array<i32>} : memref<10000xi32, #tpu.memory_space<vmem>>, vector<16xi32>,
      %mul3A_164 = arith.constant 400 : i32
      %mul3A_165 = arith.muli %scan3A_47, %mul3A_164 : i32
      %add3A_166 = arith.constant 128 : i32
      %add3A_167 = arith.addi %mul3A_165, %add3A_166 : i32
      %get3A_168 = arith.index_cast %add3A_167 : i32 to index
      %get3A_169 = tpu.vector_load %arg7[%get3A_168] {strides = array<i32>} : memref<10000xi32, #tpu.memory_space<vmem>>, vector<16xi32>,
      %mul3A_170 = arith.constant 400 : i32
      %mul3A_171 = arith.muli %scan3A_47, %mul3A_170 : i32
      %add3A_172 = arith.constant 144 : i32
      %add3A_173 = arith.addi %mul3A_171, %add3A_172 : i32
      %get3A_174 = arith.index_cast %add3A_173 : i32 to index
      %get3A_175 = tpu.vector_load %arg7[%get3A_174] {strides = array<i32>} : memref<10000xi32, #tpu.memory_space<vmem>>, vector<16xi32>,
      tpu.vector_store_idx %arg8[%get3A_151], %gather3A_141 {add = true} : memref<10000xf32, #tpu.memory_space<vmem>>[vector<16xi32>], vector<16xf32>,
      tpu.vector_store_idx %arg8[%get3A_157], %gather3A_142 {add = true} : memref<10000xf32, #tpu.memory_space<vmem>>[vector<16xi32>], vector<16xf32>,
      tpu.vector_store_idx %arg8[%get3A_163], %gather3A_143 {add = true} : memref<10000xf32, #tpu.memory_space<vmem>>[vector<16xi32>], vector<16xf32>,
      tpu.vector_store_idx %arg8[%get3A_169], %gather3A_144 {add = true} : memref<10000xf32, #tpu.memory_space<vmem>>[vector<16xi32>], vector<16xf32>,
      tpu.vector_store_idx %arg8[%get3A_175], %gather3A_145 {add = true} : memref<10000xf32, #tpu.memory_space<vmem>>[vector<16xi32>], vector<16xf32>,
      %mul3A_176 = arith.constant 400 : i32
      %mul3A_177 = arith.muli %scan3A_47, %mul3A_176 : i32
      %add3A_178 = arith.constant 160 : i32
      %add3A_179 = arith.addi %mul3A_177, %add3A_178 : i32
      %get3A_180 = arith.index_cast %add3A_179 : i32 to index
      %get3A_181 = tpu.vector_load %arg6[%get3A_180] {strides = array<i32>} : memref<10000xi32, #tpu.memory_space<vmem>>, vector<16xi32>,
      %mul3A_182 = arith.constant 400 : i32
      %mul3A_183 = arith.muli %scan3A_47, %mul3A_182 : i32
      %add3A_184 = arith.constant 176 : i32
      %add3A_185 = arith.addi %mul3A_183, %add3A_184 : i32
      %get3A_186 = arith.index_cast %add3A_185 : i32 to index
      %get3A_187 = tpu.vector_load %arg6[%get3A_186] {strides = array<i32>} : memref<10000xi32, #tpu.memory_space<vmem>>, vector<16xi32>,
      %mul3A_188 = arith.constant 400 : i32
      %mul3A_189 = arith.muli %scan3A_47, %mul3A_188 : i32
      %add3A_190 = arith.constant 192 : i32
      %add3A_191 = arith.addi %mul3A_189, %add3A_190 : i32
      %get3A_192 = arith.index_cast %add3A_191 : i32 to index
      %get3A_193 = tpu.vector_load %arg6[%get3A_192] {strides = array<i32>} : memref<10000xi32, #tpu.memory_space<vmem>>, vector<16xi32>,
      %mul3A_194 = arith.constant 400 : i32
      %mul3A_195 = arith.muli %scan3A_47, %mul3A_194 : i32
      %add3A_196 = arith.constant 208 : i32
      %add3A_197 = arith.addi %mul3A_195, %add3A_196 : i32
      %get3A_198 = arith.index_cast %add3A_197 : i32 to index
      %get3A_199 = tpu.vector_load %arg6[%get3A_198] {strides = array<i32>} : memref<10000xi32, #tpu.memory_space<vmem>>, vector<16xi32>,
      %mul3A_200 = arith.constant 400 : i32
      %mul3A_201 = arith.muli %scan3A_47, %mul3A_200 : i32
      %add3A_202 = arith.constant 224 : i32
      %add3A_203 = arith.addi %mul3A_201, %add3A_202 : i32
      %get3A_204 = arith.index_cast %add3A_203 : i32 to index
      %get3A_205 = tpu.vector_load %arg6[%get3A_204] {strides = array<i32>} : memref<10000xi32, #tpu.memory_space<vmem>>, vector<16xi32>,
      %gather3A_206 = tpu.vector_load_idx %arg5[%get3A_181] : memref<10000xf32, #tpu.memory_space<vmem>>[vector<16xi32>], vector<16xf32>,
      %gather3A_207 = tpu.vector_load_idx %arg5[%get3A_187] : memref<10000xf32, #tpu.memory_space<vmem>>[vector<16xi32>], vector<16xf32>,
      %gather3A_208 = tpu.vector_load_idx %arg5[%get3A_193] : memref<10000xf32, #tpu.memory_space<vmem>>[vector<16xi32>], vector<16xf32>,
      %gather3A_209 = tpu.vector_load_idx %arg5[%get3A_199] : memref<10000xf32, #tpu.memory_space<vmem>>[vector<16xi32>], vector<16xf32>,
      %gather3A_210 = tpu.vector_load_idx %arg5[%get3A_205] : memref<10000xf32, #tpu.memory_space<vmem>>[vector<16xi32>], vector<16xf32>,
      %mul3A_211 = arith.constant 400 : i32
      %mul3A_212 = arith.muli %scan3A_47, %mul3A_211 : i32
      %add3A_213 = arith.constant 160 : i32
      %add3A_214 = arith.addi %mul3A_212, %add3A_213 : i32
      %get3A_215 = arith.index_cast %add3A_214 : i32 to index
      %get3A_216 = tpu.vector_load %arg7[%get3A_215] {strides = array<i32>} : memref<10000xi32, #tpu.memory_space<vmem>>, vector<16xi32>,
      %mul3A_217 = arith.constant 400 : i32
      %mul3A_218 = arith.muli %scan3A_47, %mul3A_217 : i32
      %add3A_219 = arith.constant 176 : i32
      %add3A_220 = arith.addi %mul3A_218, %add3A_219 : i32
      %get3A_221 = arith.index_cast %add3A_220 : i32 to index
      %get3A_222 = tpu.vector_load %arg7[%get3A_221] {strides = array<i32>} : memref<10000xi32, #tpu.memory_space<vmem>>, vector<16xi32>,
      %mul3A_223 = arith.constant 400 : i32
      %mul3A_224 = arith.muli %scan3A_47, %mul3A_223 : i32
      %add3A_225 = arith.constant 192 : i32
      %add3A_226 = arith.addi %mul3A_224, %add3A_225 : i32
      %get3A_227 = arith.index_cast %add3A_226 : i32 to index
      %get3A_228 = tpu.vector_load %arg7[%get3A_227] {strides = array<i32>} : memref<10000xi32, #tpu.memory_space<vmem>>, vector<16xi32>,
      %mul3A_229 = arith.constant 400 : i32
      %mul3A_230 = arith.muli %scan3A_47, %mul3A_229 : i32
      %add3A_231 = arith.constant 208 : i32
      %add3A_232 = arith.addi %mul3A_230, %add3A_231 : i32
      %get3A_233 = arith.index_cast %add3A_232 : i32 to index
      %get3A_234 = tpu.vector_load %arg7[%get3A_233] {strides = array<i32>} : memref<10000xi32, #tpu.memory_space<vmem>>, vector<16xi32>,
      %mul3A_235 = arith.constant 400 : i32
      %mul3A_236 = arith.muli %scan3A_47, %mul3A_235 : i32
      %add3A_237 = arith.constant 224 : i32
      %add3A_238 = arith.addi %mul3A_236, %add3A_237 : i32
      %get3A_239 = arith.index_cast %add3A_238 : i32 to index
      %get3A_240 = tpu.vector_load %arg7[%get3A_239] {strides = array<i32>} : memref<10000xi32, #tpu.memory_space<vmem>>, vector<16xi32>,
      tpu.vector_store_idx %arg8[%get3A_216], %gather3A_206 {add = true} : memref<10000xf32, #tpu.memory_space<vmem>>[vector<16xi32>], vector<16xf32>,
      tpu.vector_store_idx %arg8[%get3A_222], %gather3A_207 {add = true} : memref<10000xf32, #tpu.memory_space<vmem>>[vector<16xi32>], vector<16xf32>,
      tpu.vector_store_idx %arg8[%get3A_228], %gather3A_208 {add = true} : memref<10000xf32, #tpu.memory_space<vmem>>[vector<16xi32>], vector<16xf32>,
      tpu.vector_store_idx %arg8[%get3A_234], %gather3A_209 {add = true} : memref<10000xf32, #tpu.memory_space<vmem>>[vector<16xi32>], vector<16xf32>,
      tpu.vector_store_idx %arg8[%get3A_240], %gather3A_210 {add = true} : memref<10000xf32, #tpu.memory_space<vmem>>[vector<16xi32>], vector<16xf32>,
      %mul3A_241 = arith.constant 400 : i32
      %mul3A_242 = arith.muli %scan3A_47, %mul3A_241 : i32
      %add3A_243 = arith.constant 240 : i32
      %add3A_244 = arith.addi %mul3A_242, %add3A_243 : i32
      %get3A_245 = arith.index_cast %add3A_244 : i32 to index
      %get3A_246 = tpu.vector_load %arg6[%get3A_245] {strides = array<i32>} : memref<10000xi32, #tpu.memory_space<vmem>>, vector<16xi32>,
      %mul3A_247 = arith.constant 400 : i32
      %mul3A_248 = arith.muli %scan3A_47, %mul3A_247 : i32
      %add3A_249 = arith.constant 256 : i32
      %add3A_250 = arith.addi %mul3A_248, %add3A_249 : i32
      %get3A_251 = arith.index_cast %add3A_250 : i32 to index
      %get3A_252 = tpu.vector_load %arg6[%get3A_251] {strides = array<i32>} : memref<10000xi32, #tpu.memory_space<vmem>>, vector<16xi32>,
      %mul3A_253 = arith.constant 400 : i32
      %mul3A_254 = arith.muli %scan3A_47, %mul3A_253 : i32
      %add3A_255 = arith.constant 272 : i32
      %add3A_256 = arith.addi %mul3A_254, %add3A_255 : i32
      %get3A_257 = arith.index_cast %add3A_256 : i32 to index
      %get3A_258 = tpu.vector_load %arg6[%get3A_257] {strides = array<i32>} : memref<10000xi32, #tpu.memory_space<vmem>>, vector<16xi32>,
      %mul3A_259 = arith.constant 400 : i32
      %mul3A_260 = arith.muli %scan3A_47, %mul3A_259 : i32
      %add3A_261 = arith.constant 288 : i32
      %add3A_262 = arith.addi %mul3A_260, %add3A_261 : i32
      %get3A_263 = arith.index_cast %add3A_262 : i32 to index
      %get3A_264 = tpu.vector_load %arg6[%get3A_263] {strides = array<i32>} : memref<10000xi32, #tpu.memory_space<vmem>>, vector<16xi32>,
      %mul3A_265 = arith.constant 400 : i32
      %mul3A_266 = arith.muli %scan3A_47, %mul3A_265 : i32
      %add3A_267 = arith.constant 304 : i32
      %add3A_268 = arith.addi %mul3A_266, %add3A_267 : i32
      %get3A_269 = arith.index_cast %add3A_268 : i32 to index
      %get3A_270 = tpu.vector_load %arg6[%get3A_269] {strides = array<i32>} : memref<10000xi32, #tpu.memory_space<vmem>>, vector<16xi32>,
      %gather3A_271 = tpu.vector_load_idx %arg5[%get3A_246] : memref<10000xf32, #tpu.memory_space<vmem>>[vector<16xi32>], vector<16xf32>,
      %gather3A_272 = tpu.vector_load_idx %arg5[%get3A_252] : memref<10000xf32, #tpu.memory_space<vmem>>[vector<16xi32>], vector<16xf32>,
      %gather3A_273 = tpu.vector_load_idx %arg5[%get3A_258] : memref<10000xf32, #tpu.memory_space<vmem>>[vector<16xi32>], vector<16xf32>,
      %gather3A_274 = tpu.vector_load_idx %arg5[%get3A_264] : memref<10000xf32, #tpu.memory_space<vmem>>[vector<16xi32>], vector<16xf32>,
      %gather3A_275 = tpu.vector_load_idx %arg5[%get3A_270] : memref<10000xf32, #tpu.memory_space<vmem>>[vector<16xi32>], vector<16xf32>,
      %mul3A_276 = arith.constant 400 : i32
      %mul3A_277 = arith.muli %scan3A_47, %mul3A_276 : i32
      %add3A_278 = arith.constant 240 : i32
      %add3A_279 = arith.addi %mul3A_277, %add3A_278 : i32
      %get3A_280 = arith.index_cast %add3A_279 : i32 to index
      %get3A_281 = tpu.vector_load %arg7[%get3A_280] {strides = array<i32>} : memref<10000xi32, #tpu.memory_space<vmem>>, vector<16xi32>,
      %mul3A_282 = arith.constant 400 : i32
      %mul3A_283 = arith.muli %scan3A_47, %mul3A_282 : i32
      %add3A_284 = arith.constant 256 : i32
      %add3A_285 = arith.addi %mul3A_283, %add3A_284 : i32
      %get3A_286 = arith.index_cast %add3A_285 : i32 to index
      %get3A_287 = tpu.vector_load %arg7[%get3A_286] {strides = array<i32>} : memref<10000xi32, #tpu.memory_space<vmem>>, vector<16xi32>,
      %mul3A_288 = arith.constant 400 : i32
      %mul3A_289 = arith.muli %scan3A_47, %mul3A_288 : i32
      %add3A_290 = arith.constant 272 : i32
      %add3A_291 = arith.addi %mul3A_289, %add3A_290 : i32
      %get3A_292 = arith.index_cast %add3A_291 : i32 to index
      %get3A_293 = tpu.vector_load %arg7[%get3A_292] {strides = array<i32>} : memref<10000xi32, #tpu.memory_space<vmem>>, vector<16xi32>,
      %mul3A_294 = arith.constant 400 : i32
      %mul3A_295 = arith.muli %scan3A_47, %mul3A_294 : i32
      %add3A_296 = arith.constant 288 : i32
      %add3A_297 = arith.addi %mul3A_295, %add3A_296 : i32
      %get3A_298 = arith.index_cast %add3A_297 : i32 to index
      %get3A_299 = tpu.vector_load %arg7[%get3A_298] {strides = array<i32>} : memref<10000xi32, #tpu.memory_space<vmem>>, vector<16xi32>,
      %mul3A_300 = arith.constant 400 : i32
      %mul3A_301 = arith.muli %scan3A_47, %mul3A_300 : i32
      %add3A_302 = arith.constant 304 : i32
      %add3A_303 = arith.addi %mul3A_301, %add3A_302 : i32
      %get3A_304 = arith.index_cast %add3A_303 : i32 to index
      %get3A_305 = tpu.vector_load %arg7[%get3A_304] {strides = array<i32>} : memref<10000xi32, #tpu.memory_space<vmem>>, vector<16xi32>,
      tpu.vector_store_idx %arg8[%get3A_281], %gather3A_271 {add = true} : memref<10000xf32, #tpu.memory_space<vmem>>[vector<16xi32>], vector<16xf32>,
      tpu.vector_store_idx %arg8[%get3A_287], %gather3A_272 {add = true} : memref<10000xf32, #tpu.memory_space<vmem>>[vector<16xi32>], vector<16xf32>,
      tpu.vector_store_idx %arg8[%get3A_293], %gather3A_273 {add = true} : memref<10000xf32, #tpu.memory_space<vmem>>[vector<16xi32>], vector<16xf32>,
      tpu.vector_store_idx %arg8[%get3A_299], %gather3A_274 {add = true} : memref<10000xf32, #tpu.memory_space<vmem>>[vector<16xi32>], vector<16xf32>,
      tpu.vector_store_idx %arg8[%get3A_305], %gather3A_275 {add = true} : memref<10000xf32, #tpu.memory_space<vmem>>[vector<16xi32>], vector<16xf32>,
      %mul3A_306 = arith.constant 400 : i32
      %mul3A_307 = arith.muli %scan3A_47, %mul3A_306 : i32
      %add3A_308 = arith.constant 320 : i32
      %add3A_309 = arith.addi %mul3A_307, %add3A_308 : i32
      %get3A_310 = arith.index_cast %add3A_309 : i32 to index
      %get3A_311 = tpu.vector_load %arg6[%get3A_310] {strides = array<i32>} : memref<10000xi32, #tpu.memory_space<vmem>>, vector<16xi32>,
      %mul3A_312 = arith.constant 400 : i32
      %mul3A_313 = arith.muli %scan3A_47, %mul3A_312 : i32
      %add3A_314 = arith.constant 336 : i32
      %add3A_315 = arith.addi %mul3A_313, %add3A_314 : i32
      %get3A_316 = arith.index_cast %add3A_315 : i32 to index
      %get3A_317 = tpu.vector_load %arg6[%get3A_316] {strides = array<i32>} : memref<10000xi32, #tpu.memory_space<vmem>>, vector<16xi32>,
      %mul3A_318 = arith.constant 400 : i32
      %mul3A_319 = arith.muli %scan3A_47, %mul3A_318 : i32
      %add3A_320 = arith.constant 352 : i32
      %add3A_321 = arith.addi %mul3A_319, %add3A_320 : i32
      %get3A_322 = arith.index_cast %add3A_321 : i32 to index
      %get3A_323 = tpu.vector_load %arg6[%get3A_322] {strides = array<i32>} : memref<10000xi32, #tpu.memory_space<vmem>>, vector<16xi32>,
      %mul3A_324 = arith.constant 400 : i32
      %mul3A_325 = arith.muli %scan3A_47, %mul3A_324 : i32
      %add3A_326 = arith.constant 368 : i32
      %add3A_327 = arith.addi %mul3A_325, %add3A_326 : i32
      %get3A_328 = arith.index_cast %add3A_327 : i32 to index
      %get3A_329 = tpu.vector_load %arg6[%get3A_328] {strides = array<i32>} : memref<10000xi32, #tpu.memory_space<vmem>>, vector<16xi32>,
      %mul3A_330 = arith.constant 400 : i32
      %mul3A_331 = arith.muli %scan3A_47, %mul3A_330 : i32
      %add3A_332 = arith.constant 384 : i32
      %add3A_333 = arith.addi %mul3A_331, %add3A_332 : i32
      %get3A_334 = arith.index_cast %add3A_333 : i32 to index
      %get3A_335 = tpu.vector_load %arg6[%get3A_334] {strides = array<i32>} : memref<10000xi32, #tpu.memory_space<vmem>>, vector<16xi32>,
      %gather3A_336 = tpu.vector_load_idx %arg5[%get3A_311] : memref<10000xf32, #tpu.memory_space<vmem>>[vector<16xi32>], vector<16xf32>,
      %gather3A_337 = tpu.vector_load_idx %arg5[%get3A_317] : memref<10000xf32, #tpu.memory_space<vmem>>[vector<16xi32>], vector<16xf32>,
      %gather3A_338 = tpu.vector_load_idx %arg5[%get3A_323] : memref<10000xf32, #tpu.memory_space<vmem>>[vector<16xi32>], vector<16xf32>,
      %gather3A_339 = tpu.vector_load_idx %arg5[%get3A_329] : memref<10000xf32, #tpu.memory_space<vmem>>[vector<16xi32>], vector<16xf32>,
      %gather3A_340 = tpu.vector_load_idx %arg5[%get3A_335] : memref<10000xf32, #tpu.memory_space<vmem>>[vector<16xi32>], vector<16xf32>,
      %mul3A_341 = arith.constant 400 : i32
      %mul3A_342 = arith.muli %scan3A_47, %mul3A_341 : i32
      %add3A_343 = arith.constant 320 : i32
      %add3A_344 = arith.addi %mul3A_342, %add3A_343 : i32
      %get3A_345 = arith.index_cast %add3A_344 : i32 to index
      %get3A_346 = tpu.vector_load %arg7[%get3A_345] {strides = array<i32>} : memref<10000xi32, #tpu.memory_space<vmem>>, vector<16xi32>,
      %mul3A_347 = arith.constant 400 : i32
      %mul3A_348 = arith.muli %scan3A_47, %mul3A_347 : i32
      %add3A_349 = arith.constant 336 : i32
      %add3A_350 = arith.addi %mul3A_348, %add3A_349 : i32
      %get3A_351 = arith.index_cast %add3A_350 : i32 to index
      %get3A_352 = tpu.vector_load %arg7[%get3A_351] {strides = array<i32>} : memref<10000xi32, #tpu.memory_space<vmem>>, vector<16xi32>,
      %mul3A_353 = arith.constant 400 : i32
      %mul3A_354 = arith.muli %scan3A_47, %mul3A_353 : i32
      %add3A_355 = arith.constant 352 : i32
      %add3A_356 = arith.addi %mul3A_354, %add3A_355 : i32
      %get3A_357 = arith.index_cast %add3A_356 : i32 to index
      %get3A_358 = tpu.vector_load %arg7[%get3A_357] {strides = array<i32>} : memref<10000xi32, #tpu.memory_space<vmem>>, vector<16xi32>,
      %mul3A_359 = arith.constant 400 : i32
      %mul3A_360 = arith.muli %scan3A_47, %mul3A_359 : i32
      %add3A_361 = arith.constant 368 : i32
      %add3A_362 = arith.addi %mul3A_360, %add3A_361 : i32
      %get3A_363 = arith.index_cast %add3A_362 : i32 to index
      %get3A_364 = tpu.vector_load %arg7[%get3A_363] {strides = array<i32>} : memref<10000xi32, #tpu.memory_space<vmem>>, vector<16xi32>,
      %mul3A_365 = arith.constant 400 : i32
      %mul3A_366 = arith.muli %scan3A_47, %mul3A_365 : i32
      %add3A_367 = arith.constant 384 : i32
      %add3A_368 = arith.addi %mul3A_366, %add3A_367 : i32
      %get3A_369 = arith.index_cast %add3A_368 : i32 to index
      %get3A_370 = tpu.vector_load %arg7[%get3A_369] {strides = array<i32>} : memref<10000xi32, #tpu.memory_space<vmem>>, vector<16xi32>,
      tpu.vector_store_idx %arg8[%get3A_346], %gather3A_336 {add = true} : memref<10000xf32, #tpu.memory_space<vmem>>[vector<16xi32>], vector<16xf32>,
      tpu.vector_store_idx %arg8[%get3A_352], %gather3A_337 {add = true} : memref<10000xf32, #tpu.memory_space<vmem>>[vector<16xi32>], vector<16xf32>,
      tpu.vector_store_idx %arg8[%get3A_358], %gather3A_338 {add = true} : memref<10000xf32, #tpu.memory_space<vmem>>[vector<16xi32>], vector<16xf32>,
      tpu.vector_store_idx %arg8[%get3A_364], %gather3A_339 {add = true} : memref<10000xf32, #tpu.memory_space<vmem>>[vector<16xi32>], vector<16xf32>,
      tpu.vector_store_idx %arg8[%get3A_370], %gather3A_340 {add = true} : memref<10000xf32, #tpu.memory_space<vmem>>[vector<16xi32>], vector<16xf32>,
    }
    %scan3A_46 = arith.constant 25 : i32
    "tpu.region"() ({
      %run_scoped3A = tpu.sem_alloc : memref<!tpu.dma_semaphore, #tpu.memory_space<semaphore_mem>>
      %dma_start3A_47 = arith.constant 0 : i32
      %dma_start3A_48 = tpu.memref_slice %arg4[%add3A, %dma_start3A_47] : memref<32x10000xf32, #tpu.memory_space<hbm>> -> memref<1x10000xf32, #tpu.memory_space<hbm>>
      %dma_start3A_49 = tpu.memref_squeeze %dma_start3A_48 : memref<1x10000xf32, #tpu.memory_space<hbm>> -> memref<10000xf32, #tpu.memory_space<hbm>>
      %dma_start3A_50 = arith.constant 0 : i32
      %dma_start3A_51 = tpu.memref_slice %arg4[%add3A, %dma_start3A_50] : memref<32x10000xf32, #tpu.memory_space<hbm>> -> memref<1x10000xf32, #tpu.memory_space<hbm>>
      %dma_start3A_52 = tpu.memref_squeeze %dma_start3A_51 : memref<1x10000xf32, #tpu.memory_space<hbm>> -> memref<10000xf32, #tpu.memory_space<hbm>>
      tpu.enqueue_dma source(%arg8 : memref<10000xf32, #tpu.memory_space<vmem>>) target(%dma_start3A_52 : memref<10000xf32, #tpu.memory_space<hbm>>) target_semaphore(%run_scoped3A : memref<!tpu.dma_semaphore, #tpu.memory_space<semaphore_mem>>)
      %dma_wait3A_53 = arith.constant 0 : i32
      %dma_wait3A_54 = tpu.memref_slice %arg4[%add3A, %dma_wait3A_53] : memref<32x10000xf32, #tpu.memory_space<hbm>> -> memref<1x10000xf32, #tpu.memory_space<hbm>>
      %dma_wait3A_55 = tpu.memref_squeeze %dma_wait3A_54 : memref<1x10000xf32, #tpu.memory_space<hbm>> -> memref<10000xf32, #tpu.memory_space<hbm>>
      %dma_wait3A_56 = arith.constant 0 : i32
      %dma_wait3A_57 = tpu.memref_slice %arg4[%add3A, %dma_wait3A_56] : memref<32x10000xf32, #tpu.memory_space<hbm>> -> memref<1x10000xf32, #tpu.memory_space<hbm>>
      %dma_wait3A_58 = tpu.memref_squeeze %dma_wait3A_57 : memref<1x10000xf32, #tpu.memory_space<hbm>> -> memref<10000xf32, #tpu.memory_space<hbm>>
      tpu.wait_dma2 semaphore(%run_scoped3A : memref<!tpu.dma_semaphore, #tpu.memory_space<semaphore_mem>>) src(%arg8 : memref<10000xf32, #tpu.memory_space<vmem>>) dst(%dma_wait3A_58 : memref<10000xf32, #tpu.memory_space<hbm>>)
      tpu.yield
    }) : () -> ()
    return
  }
}

module attributes {stable_mosaic.version = 14 : i64} {
  func.func @_tc_prep0_body(%arg0: memref<32x10000xf32, #tpu.memory_space<vmem>>, %arg1: memref<1x10000xf32, #tpu.memory_space<vmem>>, %arg2: memref<1x10000xf32, #tpu.memory_space<vmem>>, %arg3: memref<1x10000xf32, #tpu.memory_space<vmem>>) attributes {dimension_semantics = [], scalar_prefetch = 0 : i64, scratch_operands = 0 : i64, tpu.core_type = #tpu.core_type<tc>} {
    %get3A = arith.constant 0 : index
    %get3A_0 = arith.constant 0 : index
    %get3A_1 = vector.load %arg0[%get3A, %get3A_0] : memref<32x10000xf32, #tpu.memory_space<vmem>>, vector<32x10000xf32>
    %reduce_sum3A = arith.constant dense<0.000000e+00> : vector<10000xf32>
    %reduce_sum3A_2 = vector.multi_reduction <add>, %get3A_1, %reduce_sum3A [0] : vector<32x10000xf32> to vector<10000xf32>
    %broadcast_in_dim3A = vector.shape_cast %reduce_sum3A_2 : vector<10000xf32> to vector<1x10000xf32>
    %add3A = arith.constant 1.000000e+00 : f32
    %add3A_3 = vector.broadcast %add3A : f32 to vector<1x10000xf32>
    %add3A_4 = arith.addf %broadcast_in_dim3A, %add3A_3 : vector<1x10000xf32>
    %rsqrt3A = math.rsqrt %add3A_4 : vector<1x10000xf32>
    %mul3A = arith.constant 5.000000e-01 : f32
    %mul3A_5 = vector.broadcast %mul3A : f32 to vector<1x10000xf32>
    %mul3A_6 = arith.mulf %mul3A_5, %add3A_4 : vector<1x10000xf32>
    %mul3A_7 = arith.mulf %mul3A_6, %rsqrt3A : vector<1x10000xf32>
    %mul3A_8 = arith.mulf %mul3A_7, %rsqrt3A : vector<1x10000xf32>
    %sub3A = arith.constant 1.500000e+00 : f32
    %sub3A_9 = vector.broadcast %sub3A : f32 to vector<1x10000xf32>
    %sub3A_10 = arith.subf %sub3A_9, %mul3A_8 : vector<1x10000xf32>
    %mul3A_11 = arith.mulf %rsqrt3A, %sub3A_10 : vector<1x10000xf32>
    %mul3A_12 = arith.constant 5.000000e-01 : f32
    %mul3A_13 = vector.broadcast %mul3A_12 : f32 to vector<1x10000xf32>
    %mul3A_14 = arith.mulf %mul3A_13, %add3A_4 : vector<1x10000xf32>
    %mul3A_15 = arith.mulf %mul3A_14, %mul3A_11 : vector<1x10000xf32>
    %mul3A_16 = arith.mulf %mul3A_15, %mul3A_11 : vector<1x10000xf32>
    %sub3A_17 = arith.constant 1.500000e+00 : f32
    %sub3A_18 = vector.broadcast %sub3A_17 : f32 to vector<1x10000xf32>
    %sub3A_19 = arith.subf %sub3A_18, %mul3A_16 : vector<1x10000xf32>
    %mul3A_20 = arith.mulf %mul3A_11, %sub3A_19 : vector<1x10000xf32>
    %swap3A = arith.constant 0 : index
    %swap3A_21 = arith.constant 0 : index
    %swap3A_22 = vector.load %arg2[%swap3A, %swap3A_21] : memref<1x10000xf32, #tpu.memory_space<vmem>>, vector<1x10000xf32>
    tpu.vector_store %arg2[%swap3A, %swap3A_21], %mul3A_20 {strides = array<i32>} : memref<1x10000xf32, #tpu.memory_space<vmem>>, vector<1x10000xf32>,
    %get3A_23 = arith.constant 0 : index
    %get3A_24 = arith.constant 0 : index
    %get3A_25 = vector.load %arg1[%get3A_23, %get3A_24] : memref<1x10000xf32, #tpu.memory_space<vmem>>, vector<1x10000xf32>
    %mul3A_26 = arith.mulf %mul3A_20, %get3A_25 : vector<1x10000xf32>
    %swap3A_27 = arith.constant 0 : index
    %swap3A_28 = arith.constant 0 : index
    %swap3A_29 = vector.load %arg3[%swap3A_27, %swap3A_28] : memref<1x10000xf32, #tpu.memory_space<vmem>>, vector<1x10000xf32>
    tpu.vector_store %arg3[%swap3A_27, %swap3A_28], %mul3A_26 {strides = array<i32>} : memref<1x10000xf32, #tpu.memory_space<vmem>>, vector<1x10000xf32>,
    return
  }
}

module attributes {stable_mosaic.version = 14 : i64} {
  func.func @_tc_matvec_body(%arg0: memref<10000x128xf32, #tpu.memory_space<vmem>>, %arg1: memref<128x128xf32, #tpu.memory_space<vmem>>, %arg2: memref<128x128xf32, #tpu.memory_space<vmem>>, %arg3: memref<128x1xf32, #tpu.memory_space<vmem>>, %arg4: memref<1x128xf32, #tpu.memory_space<vmem>>, %arg5: memref<1x128xf32, #tpu.memory_space<vmem>>, %arg6: memref<1x1xf32, #tpu.memory_space<vmem>>, %arg7: memref<1x10000xf32, #tpu.memory_space<vmem>>, %arg8: memref<1x2xf32, #tpu.memory_space<vmem>>) attributes {dimension_semantics = [], scalar_prefetch = 0 : i64, scratch_operands = 0 : i64, tpu.core_type = #tpu.core_type<tc>} {
    %get3A = arith.constant 0 : index
    %get3A_0 = arith.constant 0 : index
    %get3A_1 = vector.load %arg2[%get3A, %get3A_0] : memref<128x128xf32, #tpu.memory_space<vmem>>, vector<128x128xf32>
    %get3A_2 = arith.constant 0 : index
    %get3A_3 = arith.constant 0 : index
    %get3A_4 = vector.load %arg3[%get3A_2, %get3A_3] : memref<128x1xf32, #tpu.memory_space<vmem>>, vector<128x1xf32>
    %dot_general3A = arith.constant dense<0.000000e+00> : vector<128x1xf32>
    %dot_general3A_5 = tpu.matmul %get3A_1, %get3A_4, %dot_general3A {dimension_numbers = #tpu.dot_dimension_numbers<[1], [0], [0], [1], [0, 0, 1, 1], [], []>, transpose_lhs_hint = false} : vector<128x128xf32>, vector<128x1xf32>, vector<128x1xf32> -> vector<128x1xf32>
    %get3A_6 = arith.constant 0 : index
    %get3A_7 = arith.constant 0 : index
    %get3A_8 = vector.load %arg1[%get3A_6, %get3A_7] : memref<128x128xf32, #tpu.memory_space<vmem>>, vector<128x128xf32>
    %dot_general3A_9 = arith.constant dense<0.000000e+00> : vector<128x1xf32>
    %dot_general3A_10 = tpu.matmul %get3A_8, %dot_general3A_5, %dot_general3A_9 {dimension_numbers = #tpu.dot_dimension_numbers<[1], [0], [0], [1], [0, 0, 1, 1], [], []>, transpose_lhs_hint = false} : vector<128x128xf32>, vector<128x1xf32>, vector<128x1xf32> -> vector<128x1xf32>
    %get3A_11 = arith.constant 0 : index
    %get3A_12 = arith.constant 0 : index
    %get3A_13 = vector.load %arg0[%get3A_11, %get3A_12] : memref<10000x128xf32, #tpu.memory_space<vmem>>, vector<10000x128xf32>
    %dot_general3A_14 = arith.constant dense<0.000000e+00> : vector<10000x1xf32>
    %dot_general3A_15 = tpu.matmul %get3A_13, %dot_general3A_10, %dot_general3A_14 {dimension_numbers = #tpu.dot_dimension_numbers<[1], [0], [0], [1], [0, 0, 1, 1], [], []>, transpose_lhs_hint = false} : vector<10000x128xf32>, vector<128x1xf32>, vector<10000x1xf32> -> vector<10000x1xf32>
    %transpose3A = tpu.transpose %dot_general3A_15, [1, 0] : vector<10000x1xf32> -> vector<1x10000xf32>
    %swap3A = arith.constant 0 : index
    %swap3A_16 = arith.constant 0 : index
    %swap3A_17 = vector.load %arg7[%swap3A, %swap3A_16] : memref<1x10000xf32, #tpu.memory_space<vmem>>, vector<1x10000xf32>
    tpu.vector_store %arg7[%swap3A, %swap3A_16], %transpose3A {strides = array<i32>} : memref<1x10000xf32, #tpu.memory_space<vmem>>, vector<1x10000xf32>,
    %get3A_18 = arith.constant 0 : index
    %get3A_19 = arith.constant 0 : index
    %get3A_20 = vector.load %arg4[%get3A_18, %get3A_19] : memref<1x128xf32, #tpu.memory_space<vmem>>, vector<1x128xf32>
    %dot_general3A_21 = arith.constant dense<0.000000e+00> : vector<1x1xf32>
    %dot_general3A_22 = tpu.matmul %get3A_20, %dot_general3A_5, %dot_general3A_21 {dimension_numbers = #tpu.dot_dimension_numbers<[1], [0], [0], [1], [0, 0, 1, 1], [], []>, transpose_lhs_hint = false} : vector<1x128xf32>, vector<128x1xf32>, vector<1x1xf32> -> vector<1x1xf32>
    %get3A_23 = arith.constant 0 : index
    %get3A_24 = arith.constant 0 : index
    %get3A_25 = vector.load %arg5[%get3A_23, %get3A_24] : memref<1x128xf32, #tpu.memory_space<vmem>>, vector<1x128xf32>
    %get3A_26 = arith.constant 0 : index
    %get3A_27 = arith.constant 0 : index
    %get3A_28 = vector.load %arg3[%get3A_26, %get3A_27] : memref<128x1xf32, #tpu.memory_space<vmem>>, vector<128x1xf32>
    %dot_general3A_29 = arith.constant dense<0.000000e+00> : vector<1x1xf32>
    %dot_general3A_30 = tpu.matmul %get3A_25, %get3A_28, %dot_general3A_29 {dimension_numbers = #tpu.dot_dimension_numbers<[1], [0], [0], [1], [0, 0, 1, 1], [], []>, transpose_lhs_hint = false} : vector<1x128xf32>, vector<128x1xf32>, vector<1x1xf32> -> vector<1x1xf32>
    %get3A_31 = arith.constant 0 : index
    %get3A_32 = arith.constant 0 : index
    %get3A_33 = vector.load %arg6[%get3A_31, %get3A_32] : memref<1x1xf32, #tpu.memory_space<vmem>>, vector<1x1xf32>
    %add3A = arith.addf %dot_general3A_30, %get3A_33 : vector<1x1xf32>
    %concatenate3A = tpu.concatenate %dot_general3A_22, %add3A in 1 : vector<1x1xf32>, vector<1x1xf32> -> vector<1x2xf32>
    %swap3A_34 = arith.constant 0 : index
    %swap3A_35 = arith.constant 0 : index
    %swap3A_36 = vector.load %arg8[%swap3A_34, %swap3A_35] : memref<1x2xf32, #tpu.memory_space<vmem>>, vector<1x2xf32>
    tpu.vector_store %arg8[%swap3A_34, %swap3A_35], %concatenate3A {strides = array<i32>} : memref<1x2xf32, #tpu.memory_space<vmem>>, vector<1x2xf32>,
    return
  }
}

module attributes {stable_mosaic.version = 14 : i64} {
  func.func @_tc_step_body(%arg0: memref<32x10000xf32, #tpu.memory_space<vmem>>, %arg1: memref<1x10000xf32, #tpu.memory_space<vmem>>, %arg2: memref<1x10000xf32, #tpu.memory_space<vmem>>, %arg3: memref<1x2xf32, #tpu.memory_space<vmem>>, %arg4: memref<1x10000xf32, #tpu.memory_space<vmem>>) attributes {dimension_semantics = [], scalar_prefetch = 0 : i64, scratch_operands = 0 : i64, tpu.core_type = #tpu.core_type<tc>} {
    %get3A = arith.constant 0 : index
    %get3A_0 = arith.constant 0 : index
    %get3A_1 = vector.load %arg0[%get3A, %get3A_0] : memref<32x10000xf32, #tpu.memory_space<vmem>>, vector<32x10000xf32>
    %reduce_sum3A = arith.constant dense<0.000000e+00> : vector<10000xf32>
    %reduce_sum3A_2 = vector.multi_reduction <add>, %get3A_1, %reduce_sum3A [0] : vector<32x10000xf32> to vector<10000xf32>
    %broadcast_in_dim3A = vector.shape_cast %reduce_sum3A_2 : vector<10000xf32> to vector<1x10000xf32>
    %get3A_3 = arith.constant 0 : index
    %get3A_4 = arith.constant 0 : index
    %get3A_5 = vector.load %arg2[%get3A_3, %get3A_4] : memref<1x10000xf32, #tpu.memory_space<vmem>>, vector<1x10000xf32>
    %get3A_6 = arith.constant 0 : index
    %get3A_7 = arith.constant 0 : index
    %get3A_8 = vector.load %arg1[%get3A_6, %get3A_7] : memref<1x10000xf32, #tpu.memory_space<vmem>>, vector<1x10000xf32>
    %add3A = arith.addf %broadcast_in_dim3A, %get3A_8 : vector<1x10000xf32>
    %mul3A = arith.mulf %get3A_5, %add3A : vector<1x10000xf32>
    %get3A_9 = arith.constant 0 : index
    %get3A_10 = arith.constant 0 : index
    %get3A_11 = vector.load %arg3[%get3A_9, %get3A_10] : memref<1x2xf32, #tpu.memory_space<vmem>>, vector<1x1xf32>
    %get3A_12 = vector.extract %get3A_11[0, 0] : f32 from vector<1x1xf32>
    %add3A_13 = vector.broadcast %get3A_12 : f32 to vector<1x10000xf32>
    %add3A_14 = arith.addf %mul3A, %add3A_13 : vector<1x10000xf32>
    %get3A_15 = arith.constant 0 : index
    %get3A_16 = arith.constant 0 : index
    %get3A_17 = vector.load %arg2[%get3A_15, %get3A_16] : memref<1x10000xf32, #tpu.memory_space<vmem>>, vector<1x10000xf32>
    %mul3A_18 = arith.mulf %get3A_17, %add3A_14 : vector<1x10000xf32>
    %swap3A = arith.constant 0 : index
    %swap3A_19 = arith.constant 0 : index
    %swap3A_20 = vector.load %arg4[%swap3A, %swap3A_19] : memref<1x10000xf32, #tpu.memory_space<vmem>>, vector<1x10000xf32>
    tpu.vector_store %arg4[%swap3A, %swap3A_19], %mul3A_18 {strides = array<i32>} : memref<1x10000xf32, #tpu.memory_space<vmem>>, vector<1x10000xf32>,
    return
  }
}

module attributes {stable_mosaic.version = 14 : i64} {
  func.func @_tc_final_body(%arg0: memref<32x10000xf32, #tpu.memory_space<vmem>>, %arg1: memref<1x10000xf32, #tpu.memory_space<vmem>>, %arg2: memref<1x10000xf32, #tpu.memory_space<vmem>>, %arg3: memref<1x2xf32, #tpu.memory_space<vmem>>, %arg4: memref<1x10000xf32, #tpu.memory_space<vmem>>) attributes {dimension_semantics = [], scalar_prefetch = 0 : i64, scratch_operands = 0 : i64, tpu.core_type = #tpu.core_type<tc>} {
    %get3A = arith.constant 0 : index
    %get3A_0 = arith.constant 0 : index
    %get3A_1 = vector.load %arg0[%get3A, %get3A_0] : memref<32x10000xf32, #tpu.memory_space<vmem>>, vector<32x10000xf32>
    %reduce_sum3A = arith.constant dense<0.000000e+00> : vector<10000xf32>
    %reduce_sum3A_2 = vector.multi_reduction <add>, %get3A_1, %reduce_sum3A [0] : vector<32x10000xf32> to vector<10000xf32>
    %broadcast_in_dim3A = vector.shape_cast %reduce_sum3A_2 : vector<10000xf32> to vector<1x10000xf32>
    %get3A_3 = arith.constant 0 : index
    %get3A_4 = arith.constant 0 : index
    %get3A_5 = vector.load %arg2[%get3A_3, %get3A_4] : memref<1x10000xf32, #tpu.memory_space<vmem>>, vector<1x10000xf32>
    %get3A_6 = arith.constant 0 : index
    %get3A_7 = arith.constant 0 : index
    %get3A_8 = vector.load %arg1[%get3A_6, %get3A_7] : memref<1x10000xf32, #tpu.memory_space<vmem>>, vector<1x10000xf32>
    %add3A = arith.addf %broadcast_in_dim3A, %get3A_8 : vector<1x10000xf32>
    %mul3A = arith.mulf %get3A_5, %add3A : vector<1x10000xf32>
    %get3A_9 = arith.constant 0 : index
    %get3A_10 = arith.constant 1 : index
    %get3A_11 = vector.load %arg3[%get3A_9, %get3A_10] : memref<1x2xf32, #tpu.memory_space<vmem>>, vector<1x1xf32>
    %get3A_12 = vector.extract %get3A_11[0, 0] : f32 from vector<1x1xf32>
    %add3A_13 = vector.broadcast %get3A_12 : f32 to vector<1x10000xf32>
    %add3A_14 = arith.addf %mul3A, %add3A_13 : vector<1x10000xf32>
    %jit3A = arith.constant -4.000000e+00 : f32
    %jit3A_15 = arith.constant 4.000000e+00 : f32
    %max3A = vector.broadcast %jit3A : f32 to vector<1x10000xf32>
    %max3A_16 = arith.maximumf %max3A, %add3A_14 : vector<1x10000xf32>
    %min3A = vector.broadcast %jit3A_15 : f32 to vector<1x10000xf32>
    %min3A_17 = arith.minimumf %min3A, %max3A_16 : vector<1x10000xf32>
    %swap3A = arith.constant 0 : index
    %swap3A_18 = arith.constant 0 : index
    %swap3A_19 = vector.load %arg4[%swap3A, %swap3A_18] : memref<1x10000xf32, #tpu.memory_space<vmem>>, vector<1x10000xf32>
    tpu.vector_store %arg4[%swap3A, %swap3A_18], %min3A_17 {strides = array<i32>} : memref<1x10000xf32, #tpu.memory_space<vmem>>, vector<1x10000xf32>,
    return
  }
}

</mosaic_0001>

<sc_bundles>
// kernel: kernel.12.cloned.1.call-start
scs
__scs_entry_jumppad:
0x0: {  	(pc) =	sbr.rel $0x88, $3  }
0x1: {  	(tag) =	ssettag $0x0;
	lr =	simm.s32 $0x1  }
0x2: {  	[smem:$0x3F99] =	sst lr;
	_ =	strace $0xD0000000  }
0x3: {  	_ = 	snop  }
0x4: {  	_ = 	snop  }
0x5: {  	_ = 	snop  }
0x6: {  	_ = 	snop  }
0x7: {  	_ = 	snop  }
__scs_overlays_trampoline_lowered:
0x8: {  	[smem:$0x3FA8] =	sst s0  }
0x9: {  	[smem:$0x3FA9] =	sst s1  }
0xa: {  	[smem:$0x3FAA] =	sst s2  }
0xb: {  	[smem:$0x3FAB] =	sst s3  }
0xc: {  	[smem:$0x3FAC] =	sst s4  }
0xd: {  	[smem:$0x3FAD] =	sst s5  }
0xe: {  	[smem:$0x3FAE] =	sst s6  }
0xf: {  	[smem:$0x3FAF] =	sst s7  }
0x10: {  	[smem:$0x3FB0] =	sst s8  }
0x11: {  	[smem:$0x3FB1] =	sst s9;
	s0 =	simm.s32 @!p0 $0x0  }
0x12: {  	s1 =	sld [smem:$0x3F97];
	s0 =	simm.s32 @p0 $0x1  }
0x13: {  	[smem:$0x3FB2] =	sst s0;
	s0 =	simm.s32 @!p1 $0x0  }
0x14: {  	s2 =	sld [smem:$0x3F96];
	s0 =	simm.s32 @p1 $0x1  }
0x15: {  	[smem:$0x3FB3] =	sst s0;
	s0 =	simm.s32 @!p2 $0x0  }
0x16: {  	s3 =	sld [smem:$0x3FDB];
	s0 =	simm.s32 @p2 $0x1  }
0x17: {  	s4 =	simm.s32 $0x1BF5;
	[smem:$0x3FB5] =	sst s0  }
0x18: {  	s0 =	sld [smem:$0x3F98];
	_ =	swait.ge [sflag:s4], $0x0  }
0x19: {  	s7 =	sld [smem:$0x3F99]  }
0x1a: {  	s8 =	sadd.s32 $0xFFFFE003, lr  }
0x1b: {  	s9 =	sadd.s32 $0xFFFFFEF7, lr;
	s5 =	simm.s32 $0xFFFFFFFF;
	p2 =	slt.u32 s8, $0xFFFFF086  }
0x1c: {  	p1 =	slt.u32 s9, $0xF7A;
	s5 =	simm.s32 @!p2 $0x0  }
0x1d: {  	s5 =	simm.s32 @p1 $0x1;
	p0 =	seq.s32 s7, s2  }
0x1e: {  	s7 =	smul.u32 @!p0 $0xF7A, s2;
	p2 =	seq.s32 @!p0 s5, $0x0  }
0x1f: {  	s9 =	smul.u32 $0xF7A, s1;
	s8 =	simm.s32 @!p0 $0x1BF5;
	p2 =	por !p2, p0  }
0x20: {  	[sflag:s8] =	ssyncset.s32 @!p0 $0xFFFFF086;
	s6 =	sadd.s32 @!p0 s3, s7;
	s7 =	simm.s32 @!p0 $0x108  }
0x21: {  	s3 =	sadd.s32 s3, s9;
	s6 =	sadd.s32 @!p0 $0x88, s6;
	s7 =	simm.s32 @p2 $0x1082  }
0x22: {  	[simem:s7], [sflag:s8] =	dma.local @!p0 [hbm:s6], $0xF7A  }
0x23: {  	s9 =	sor.u32 $0xD0000000, s2;
	s6 =	simm.s32 $0x108;
	_ =	swait.ge @!p0 [sflag:s8], $0x0  }
0x24: {  	s3 =	sadd.s32 $0x88, s3;
	s6 =	simm.s32 @!p1 $0x1082;
	[sflag:s4] =	ssyncset.s32 $0xFFFFF086  }
0x25: {  	[simem:s6], [sflag:s4] =	dma.local [hbm:s3], $0xF7A  }
0x26: {  	[smem:$0x3F99] =	sst s1;
	(tag) =	ssettag s2;
	_ =	strace s9  }
0x27: {  	s1 =	sld [smem:$0x3FA9]  }
0x28: {  	s2 =	sld [smem:$0x3FAA]  }
0x29: {  	s4 =	sld [smem:$0x3FAC]  }
0x2a: {  	p0 =	seq.s32 s5, $0x0;
	s5 =	sld [smem:$0x3FAD]  }
0x2b: {  	s6 =	sld [smem:$0x3FAE]  }
0x2c: {  	s7 =	sld [smem:$0x3FAF]  }
0x2d: {  	s3 =	simm.s32 $0x108;
	s8 =	sld [smem:$0x3FB0]  }
0x2e: {  	s3 =	simm.s32 @!p0 $0x1082;
	s9 =	sld [smem:$0x3FB1]  }
0x2f: {  	lr =	sadd.s32 s0, s3;
	s0 =	sld [smem:$0x3FA8]  }
0x30: {  	s3 =	sld [smem:$0x3FAB]  }
0x31: {  	[smem:$0x3FB4] =	sst s10  }
0x32: {  	s10 =	sld [smem:$0x3FB2];
	_ =	sdelay $0x3  }
0x33: {  	p0 =	seq.s32 s10, $0x1;
	s10 =	sld [smem:$0x3FB4];
	_ =	sdelay $0x3  }
0x34: {  	[smem:$0x3FB4] =	sst s10  }
0x35: {  	s10 =	sld [smem:$0x3FB3];
	_ =	sdelay $0x3  }
0x36: {  	p1 =	seq.s32 s10, $0x1;
	s10 =	sld [smem:$0x3FB4];
	_ =	sdelay $0x3  }
0x37: {  	[smem:$0x3FB4] =	sst s10  }
0x38: {  	s10 =	sld [smem:$0x3FB5]  }
0x39: {  	_ = 	snop;
	(pc) =	sbr.ind lr, $3  }
0x3a: {  	_ = 	snop  }
0x3b: {  	_ = 	snop  }
0x3c: {  	p2 =	seq.s32 s10, $0x1;
	s10 =	sld [smem:$0x3FB4]  }
0x3d: {  	_ =	shalt  }
0x3e: {  	_ =	shalt  }
0x3f: {  	_ =	shalt  }
0x40: {  	_ =	shalt  }
0x41: {  	_ =	shalt  }
0x42: {  	_ =	shalt  }
0x43: {  	_ =	shalt  }
0x44: {  	_ =	shalt  }
0x45: {  	_ =	shalt  }
0x46: {  	_ =	shalt  }
0x47: {  	_ =	shalt  }
0x48: {  	_ =	shalt  }
0x49: {  	_ =	shalt  }
0x4a: {  	_ =	shalt  }
0x4b: {  	_ =	shalt  }
0x4c: {  	_ =	shalt  }
0x4d: {  	_ =	shalt  }
0x4e: {  	_ =	shalt  }
0x4f: {  	_ =	shalt  }
0x50: {  	_ =	shalt  }
0x51: {  	_ =	shalt  }
0x52: {  	_ =	shalt  }
0x53: {  	_ =	shalt  }
0x54: {  	_ =	shalt  }
0x55: {  	_ =	shalt  }
0x56: {  	_ =	shalt  }
0x57: {  	_ =	shalt  }
0x58: {  	_ =	shalt  }
0x59: {  	_ =	shalt  }
0x5a: {  	_ =	shalt  }
0x5b: {  	_ =	shalt  }
0x5c: {  	_ =	shalt  }
0x5d: {  	_ =	shalt  }
0x5e: {  	_ =	shalt  }
0x5f: {  	_ =	shalt  }
0x60: {  	_ =	shalt  }
0x61: {  	_ =	shalt  }
0x62: {  	_ =	shalt  }
0x63: {  	_ =	shalt  }
0x64: {  	_ =	shalt  }
0x65: {  	_ =	shalt  }
0x66: {  	_ =	shalt  }
0x67: {  	_ =	shalt  }
0x68: {  	_ =	shalt  }
0x69: {  	_ =	shalt  }
0x6a: {  	_ =	shalt  }
0x6b: {  	_ =	shalt  }
0x6c: {  	_ =	shalt  }
0x6d: {  	_ =	shalt  }
0x6e: {  	_ =	shalt  }
0x6f: {  	_ =	shalt  }
0x70: {  	_ =	shalt  }
0x71: {  	_ =	shalt  }
0x72: {  	_ =	shalt  }
0x73: {  	_ =	shalt  }
0x74: {  	_ =	shalt  }
0x75: {  	_ =	shalt  }
0x76: {  	_ =	shalt  }
0x77: {  	_ =	shalt  }
0x78: {  	_ =	shalt  }
0x79: {  	_ =	shalt  }
0x7a: {  	_ =	shalt  }
0x7b: {  	_ =	shalt  }
0x7c: {  	_ =	shalt  }
0x7d: {  	_ =	shalt  }
0x7e: {  	_ =	shalt  }
0x7f: {  	_ =	shalt  }
0x80: {  	_ =	shalt  }
0x81: {  	_ =	shalt  }
0x82: {  	_ =	shalt  }
0x83: {  	_ =	shalt  }
0x84: {  	_ =	shalt  }
0x85: {  	_ =	shalt  }
0x86: {  	_ =	shalt  }
0x87: {  	_ =	shalt  }
.Lfunc_end0:
.L_simem_size_0:
called_computation.1_lowered:
.L_overlay_start_0:
0x88: {  	s2 =	sld [smem:$0x3FD9]  }
0x89: {  	s3 =	sld [smem:$0x3FFE];
	_ =	sdelay $0x1  }
0x8a: {  	s1 =	srdreg.scid  }
0x8b: {  	s0 =	sand.u32 $0x1, s1  }
0x8c: {  	s16 =	sshll.u32 s0, $0xA;
	s2 =	sadd.s32 s3, s2  }
0x8d: {  	s2 =	sadd.s32 s2, s16  }
0x8e: {  	[smem:$0x3FC0] =	sst s2  }
0x8f: {  	_ = 	snop  }
0x90: {  	(tm) =	ssettm $0x1  }
0x91: {  	s17 =	sld [smem:$0x3FFB];
	_ =	sdelay $0x3  }
0x92: {  	_ =	strace s17  }
0x93: {  	s2 =	sld [smem:$0x3FFC];
	_ =	sdelay $0x3  }
0x94: {  	_ =	strace s2  }
0x95: {  	s2 =	sld [smem:$0x3FFD];
	_ =	sdelay $0x3  }
0x96: {  	_ =	strace s2  }
0x97: {  	_ =	strace $0x8FFFFFFF  }
0x98: {  	s18 =	sld [smem:$0x3FDB];
	_ =	sdelay $0x1  }
0x99: {  	s19 =	simm.s32 $_scs_section_size  }
0x9a: {  	s4 =	simm.s32 $_size__tile_overlayer_lowered;
	s5 =	simm.s32 $_tile_overlayer_lowered  }
0x9b: {  	s22 =	simm.s32 $0x1BFF;
	s21 =	sshll.u32 s5, $0x1;
	s2 =	sadd.s32 s19, s18  }
0x9c: {  	s6 =	simm.s32 $0x0;
	s20 =	sshll.u32 s4, $0x1;
	s4 =	sadd.s32 s21, s2  }
0x9d: {  	[timem:s6], [sflag:s22] =	dma.local [hbm:s4], s20  }
0x9e: {  	_ =	swait.ge [sflag:s22], s20  }
0x9f: {  	s3 =	ssub.s32 $0x0, s20;
	[sflag:s22] =	ssyncset.done $0x0  }
0xa0: {  	[sflag:s22] =	ssyncadd.s32 s3;
	_ =	sdelay $0x1  }
0xa1: {  	s23 =	simm.s32 $0x1B8B  }
0xa2: {  	_ =	swait.ge [sflag:s23], $0x1  }
0xa3: {  	[sflag:s23] =	ssyncset.done $0x0  }
0xa4: {  	s25 =	simm.s32 $0x1B8E;
	s24 =	sld [smem:$0x3FFE];
	[sflag:s23] =	ssyncadd.s32 $0xFFFFFFFF  }
0xa5: {  	s26 =	simm.s32 $execute0_lowered;
	[smem:$0x3FD2] =	sst s25  }
0xa6: {  	s4 =	sshll.u32 s26, $0x1;
	_ =	strace $0x80000049;
	[dreg:$0x1] =	wrdreg $0xFFFFFFFF  }
0xa7: {  	s28 =	simm.s32 $_size_execute0_lowered;
	s2 =	sadd.s32 s2, s4;
	[dreg:$0x0] =	wrdreg $0x0  }
0xa8: {  	s4 =	sshll.u32 s28, $0x1;
	[dreg:$0x2] =	wrdreg s2  }
0xa9: {  	[dreg:$0x3] =	wrdreg s4  }
0xaa: {  	[dreg:$0x4] =	wrdreg $0xC0  }
0xab: {  	_ =	task [dreg:s6], $0x5FFFF  }
0xac: {  	[dreg:$0x1] =	wrdreg $0xFFFFFFFF  }
0xad: {  	[dreg:$0x0] =	wrdreg $0x60  }
0xae: {  	[dreg:$0x2] =	wrdreg s24  }
0xaf: {  	[dreg:$0x3] =	wrdreg $0x9  }
0xb0: {  	_ =	task.clear_ibuf [dreg:s6], $0x4FFFF;
	_ =	strace $0x90000049  }
0xb1: {  	s29 =	simm.s32 $0x9;
	_ =	strace $0x8000004B  }
0xb2: {  	_ =	swait.ge [sflag:s29], $0x1  }
0xb3: {  	[sflag:s29] =	ssyncadd.s32 $0xFFFFFFFF  }
0xb4: {  	_ =	strace $0x9000004B  }
0xb5: {  	_ =	sfence  }
0xb6: {  	s30 =	sld [smem:$0x0];
	_ =	sdelay $0x2  }
0xb7: {  	s31 =	sshll.u32 s1, $0xD;
	s1 =	sshrl.u32 s1, $0x2  }
0xb8: {  	s3 =	sand.u32 $0x4000, s31;
	s1 =	sadd.s32 s1, s30  }
0xb9: {  	s0 =	sor.u32 s3, s0;
	s1 =	sshll.u32 s1, $0x11  }
0xba: {  	s0 =	sor.u32 s1, s0  }
0xbb: {  	s0 =	sadd.s32 $0x8F2B, s0  }
0xbc: {  	[sflag:s0] =	ssyncadd.remote.s32 $0x1  }
0xbd: {  	_ =	sfence.sel $0xFFFF  }
0xbe: {  	[dreg:$0x0] =	wrdreg $0xFFFFFFFF;
	(pc) =	sbr.abs _section_cstart, $3  }
0xbf: {  	[dreg:$0x1] =	wrdreg $0xFFFFFFFF  }
0xc0: {  	_ =	task.clear_ibuf [dreg:s6], $0x2FFFF;
	_ =	strace $0x9FFFFFFF  }
0xc1: {  	(tm) =	ssettm $0x7FFFFFFF  }
tec
execute0_lowered:
.L_overlay_start_1:
0x0: {  	(tag) =	ssettag $0x1  }
0x1: {  	s1 =	srdreg.scid;
	s0 =	stileid.u32  }
0x2: {  	s4 =	rddreg [dreg:$0x0];
	s2 =	simm.s32 $0x0;
	s9 =	simm.s32 $0x4E20  }
0x3: {  	s10 =	simm.s32 $0x1;
	s3 =	sand.u32 $0x1, s1;
	s31 =	sshll.u32 s0, $0x1  }
0x4: {  	s11 =	simm.s32 $0x2;
	s12 =	simm.s32 $0x3;
	s5 =	sor.u32 s3, s31  }
0x5: {  	s13 =	simm.s32 $0x7530;
	s14 =	simm.s32 $0x4;
	s5 =	smul.u32 $0x2710, s5  }
0x6: {  	s15 =	simm.s32 $0x0;
	s1 =	rddreg [dreg:$0x1];
	s6 =	ssub.s32 $0x2, s3  }
0x7: {  	[smem:$0x7FF] =	sst s2;
	s7 =	sshrl.u32 s6, $0x1;
	s5 =	sshrl.u32 s5, $0x3  }
0x8: {  	_ =	strace $0x8000004A;
	s7 =	ssub.s32 s6, s7;
	s8 =	sadd.s32 s5, s4  }
0x9: {  	s3 =	sadd.s32 $0x15200, s4;
	s7 =	smax.u32 s7, $0x1;
	s4 =	sadd.s32 $0x1800, s8  }
0xa: {  	v0 =	vimm.f32 $0.0e+00;
	s5 =	sadd.s32 $0xB440, s8;
	s6 =	sadd.s32 $0x15800, s8;
	s8 =	simm.s32 $0x2710  }
.LBB2_1:
0xb: {  	[tilespmem:s2], [sflag:$0x1] =	stream.linear.gather [hbm4b:s3+s2], $0x2710, $0x38;
	[tilespmem:$0x9C40] =	vst v63  }
0xc: {  	_ = 	snop  }
0xd: {  	[tilespmem:s8], [sflag:$0x2] =	stream.linear.gather [hbm4b:s4+s2], $0x2710, $0x38;
	[tilespmem:$0x9C40] =	vst v63  }
0xe: {  	s16 =	simm.s32 $0x0;
	s17 =	simm.s32 $0x640  }
0xf: {  	[tilespmem:s9], [sflag:$0x3] =	stream.linear.gather [hbm4b:s5+s2], $0x2710, $0x38;
	[tilespmem:$0x9C40] =	vst v63  }
.LBB2_2:
0x10: {  	p0 =	sne.s32 s17, $0x9600;
	[tilespmem:s16+$0x76B0] =	vst v0  }
0x11: {  	[tilespmem:s16+$0x7530] =	vst v0  }
0x12: {  	[tilespmem:s16+$0x7540] =	vst v0  }
0x13: {  	[tilespmem:s16+$0x7550] =	vst v0  }
0x14: {  	[tilespmem:s16+$0x7560] =	vst v0  }
0x15: {  	[tilespmem:s16+$0x7570] =	vst v0  }
0x16: {  	[tilespmem:s16+$0x7580] =	vst v0  }
0x17: {  	[tilespmem:s16+$0x7590] =	vst v0  }
0x18: {  	[tilespmem:s16+$0x75A0] =	vst v0  }
0x19: {  	[tilespmem:s16+$0x75B0] =	vst v0  }
0x1a: {  	[tilespmem:s16+$0x75C0] =	vst v0  }
0x1b: {  	[tilespmem:s16+$0x75D0] =	vst v0  }
0x1c: {  	[tilespmem:s16+$0x75E0] =	vst v0  }
0x1d: {  	[tilespmem:s16+$0x75F0] =	vst v0  }
0x1e: {  	[tilespmem:s16+$0x7600] =	vst v0  }
0x1f: {  	[tilespmem:s16+$0x7610] =	vst v0  }
0x20: {  	[tilespmem:s16+$0x7620] =	vst v0  }
0x21: {  	[tilespmem:s16+$0x7630] =	vst v0  }
0x22: {  	[tilespmem:s16+$0x7640] =	vst v0  }
0x23: {  	[tilespmem:s16+$0x7650] =	vst v0  }
.Ltmp0:
0x24: {  	[tilespmem:s16+$0x7660] =	vst v0;
	(pc) =	sbr.rel @p0 .LBB2_2-.Ltmp0, $4  }
0x25: {  	[tilespmem:s16+$0x7670] =	vst v0  }
0x26: {  	[tilespmem:s16+$0x7680] =	vst v0  }
0x27: {  	[tilespmem:s16+$0x7690] =	vst v0  }
0x28: {  	[tilespmem:s16+$0x76A0] =	vst v0;
	s16 =	sshra.s32 s17, $0x2;
	s17 =	sadd.s32 $0x640, s17  }
0x29: {  	[tilespmem:s16+$0x76B0] =	vst v0  }
0x2a: {  	[tilespmem:s16+$0x7530] =	vst v0  }
0x2b: {  	[tilespmem:s16+$0x7540] =	vst v0  }
0x2c: {  	[tilespmem:s16+$0x7550] =	vst v0  }
0x2d: {  	[tilespmem:s16+$0x7560] =	vst v0  }
0x2e: {  	[tilespmem:s16+$0x7570] =	vst v0  }
0x2f: {  	[tilespmem:s16+$0x7580] =	vst v0  }
0x30: {  	[tilespmem:s16+$0x7590] =	vst v0  }
0x31: {  	[tilespmem:s16+$0x75A0] =	vst v0  }
0x32: {  	[tilespmem:s16+$0x75B0] =	vst v0  }
0x33: {  	[tilespmem:s16+$0x75C0] =	vst v0  }
0x34: {  	[tilespmem:s16+$0x75D0] =	vst v0  }
0x35: {  	[tilespmem:s16+$0x75E0] =	vst v0  }
0x36: {  	[tilespmem:s16+$0x75F0] =	vst v0  }
0x37: {  	[tilespmem:s16+$0x7600] =	vst v0  }
0x38: {  	[tilespmem:s16+$0x7610] =	vst v0  }
0x39: {  	[tilespmem:s16+$0x7620] =	vst v0  }
0x3a: {  	[tilespmem:s16+$0x7630] =	vst v0  }
0x3b: {  	[tilespmem:s16+$0x7640] =	vst v0  }
0x3c: {  	[tilespmem:s16+$0x7650] =	vst v0  }
0x3d: {  	[tilespmem:s16+$0x7660] =	vst v0  }
0x3e: {  	[tilespmem:s16+$0x7670] =	vst v0  }
0x3f: {  	[tilespmem:s16+$0x7680] =	vst v0  }
0x40: {  	[tilespmem:s16+$0x7690] =	vst v0  }
0x41: {  	[tilespmem:s16+$0x76A0] =	vst v0  }
0x42: {  	_ =	swait.ge [sflag:s10], $0x2710  }
0x43: {  	[sflag:s10] =	ssyncset.done $0x0  }
0x44: {  	[sflag:s10] =	ssyncadd.s32 $0xFFFFD8F0  }
0x45: {  	_ =	swait.ge [sflag:s11], $0x2710  }
0x46: {  	[sflag:s11] =	ssyncset.done $0x0  }
0x47: {  	[sflag:s11] =	ssyncadd.s32 $0xFFFFD8F0  }
0x48: {  	_ =	swait.ge [sflag:s12], $0x2710  }
0x49: {  	[sflag:s12] =	ssyncset.done $0x0  }
0x4a: {  	s16 =	simm.s32 $0x0;
	[sflag:s12] =	ssyncadd.s32 $0xFFFFD8F0  }
.LBB2_4:
0x4b: {  	s17 =	sshra.s32 s16, $0x2  }
0x4c: {  	v1 =	vld [tilespmem:s17+$0x2710]  }
0x4d: {  	v2 =	vld [tilespmem:s17+$0x2720]  }
0x4e: {  	v3 =	vld [tilespmem:s17+$0x2730]  }
0x4f: {  	v4 =	vld [tilespmem:s17+$0x2740]  }
0x50: {  	v5 =	vld [tilespmem:s17+$0x2750]  }
0x51: {  	v6 =	vld [tilespmem:s17+$0x4E20]  }
0x52: {  	v7 =	vld [tilespmem:s17+$0x4E30]  }
0x53: {  	v8 =	vld [tilespmem:s17+$0x4E40]  }
0x54: {  	v9 =	vld [tilespmem:s17+$0x4E50]  }
0x55: {  	v10 =	vld [tilespmem:s17+$0x4E60]  }
0x56: {  	v1 =	vld.idx.msk [tilespmem:v1+s2+$0x0], $0xffff  }
0x57: {  	v2 =	vld.idx.msk [tilespmem:v2+s2+$0x0], $0xffff  }
0x58: {  	v3 =	vld.idx.msk [tilespmem:v3+s2+$0x0], $0xffff  }
0x59: {  	v4 =	vld.idx.msk [tilespmem:v4+s2+$0x0], $0xffff  }
0x5a: {  	v5 =	vld.idx.msk [tilespmem:v5+s2+$0x0], $0xffff  }
0x5b: {  	[tilespmem:v6+s13+$0x0] =	vst.idx.add.f32.msk $0xffff, v1  }
0x5c: {  	[tilespmem:v7+s13+$0x0] =	vst.idx.add.f32.msk $0xffff, v2  }
0x5d: {  	[tilespmem:v8+s13+$0x0] =	vst.idx.add.f32.msk $0xffff, v3  }
0x5e: {  	[tilespmem:v9+s13+$0x0] =	vst.idx.add.f32.msk $0xffff, v4  }
0x5f: {  	[tilespmem:v10+s13+$0x0] =	vst.idx.add.f32.msk $0xffff, v5  }
0x60: {  	v1 =	vld [tilespmem:s17+$0x2760]  }
0x61: {  	v2 =	vld [tilespmem:s17+$0x2770]  }
0x62: {  	v3 =	vld [tilespmem:s17+$0x2780]  }
0x63: {  	v4 =	vld [tilespmem:s17+$0x2790]  }
0x64: {  	v5 =	vld [tilespmem:s17+$0x27A0]  }
0x65: {  	v6 =	vld [tilespmem:s17+$0x4E70]  }
0x66: {  	v7 =	vld [tilespmem:s17+$0x4E80]  }
0x67: {  	v8 =	vld [tilespmem:s17+$0x4E90]  }
0x68: {  	v9 =	vld [tilespmem:s17+$0x4EA0]  }
0x69: {  	v10 =	vld [tilespmem:s17+$0x4EB0]  }
0x6a: {  	v1 =	vld.idx.msk [tilespmem:v1+s2+$0x0], $0xffff  }
0x6b: {  	v2 =	vld.idx.msk [tilespmem:v2+s2+$0x0], $0xffff  }
0x6c: {  	v3 =	vld.idx.msk [tilespmem:v3+s2+$0x0], $0xffff  }
0x6d: {  	v4 =	vld.idx.msk [tilespmem:v4+s2+$0x0], $0xffff  }
0x6e: {  	v5 =	vld.idx.msk [tilespmem:v5+s2+$0x0], $0xffff  }
0x6f: {  	[tilespmem:v6+s13+$0x0] =	vst.idx.add.f32.msk $0xffff, v1  }
0x70: {  	[tilespmem:v7+s13+$0x0] =	vst.idx.add.f32.msk $0xffff, v2  }
0x71: {  	[tilespmem:v8+s13+$0x0] =	vst.idx.add.f32.msk $0xffff, v3  }
0x72: {  	[tilespmem:v9+s13+$0x0] =	vst.idx.add.f32.msk $0xffff, v4  }
0x73: {  	[tilespmem:v10+s13+$0x0] =	vst.idx.add.f32.msk $0xffff, v5  }
0x74: {  	v1 =	vld [tilespmem:s17+$0x27B0]  }
0x75: {  	v2 =	vld [tilespmem:s17+$0x27C0]  }
0x76: {  	v3 =	vld [tilespmem:s17+$0x27D0]  }
0x77: {  	v4 =	vld [tilespmem:s17+$0x27E0]  }
0x78: {  	v5 =	vld [tilespmem:s17+$0x27F0]  }
0x79: {  	v6 =	vld [tilespmem:s17+$0x4EC0]  }
0x7a: {  	v7 =	vld [tilespmem:s17+$0x4ED0]  }
0x7b: {  	v8 =	vld [tilespmem:s17+$0x4EE0]  }
0x7c: {  	v9 =	vld [tilespmem:s17+$0x4EF0]  }
0x7d: {  	v10 =	vld [tilespmem:s17+$0x4F00]  }
0x7e: {  	v1 =	vld.idx.msk [tilespmem:v1+s2+$0x0], $0xffff  }
0x7f: {  	v2 =	vld.idx.msk [tilespmem:v2+s2+$0x0], $0xffff  }
0x80: {  	v3 =	vld.idx.msk [tilespmem:v3+s2+$0x0], $0xffff  }
0x81: {  	v4 =	vld.idx.msk [tilespmem:v4+s2+$0x0], $0xffff  }
0x82: {  	v5 =	vld.idx.msk [tilespmem:v5+s2+$0x0], $0xffff  }
0x83: {  	[tilespmem:v6+s13+$0x0] =	vst.idx.add.f32.msk $0xffff, v1  }
0x84: {  	[tilespmem:v7+s13+$0x0] =	vst.idx.add.f32.msk $0xffff, v2  }
0x85: {  	[tilespmem:v8+s13+$0x0] =	vst.idx.add.f32.msk $0xffff, v3  }
0x86: {  	[tilespmem:v9+s13+$0x0] =	vst.idx.add.f32.msk $0xffff, v4  }
0x87: {  	[tilespmem:v10+s13+$0x0] =	vst.idx.add.f32.msk $0xffff, v5  }
0x88: {  	v1 =	vld [tilespmem:s17+$0x2800]  }
0x89: {  	v2 =	vld [tilespmem:s17+$0x2810]  }
0x8a: {  	v3 =	vld [tilespmem:s17+$0x2820]  }
0x8b: {  	v4 =	vld [tilespmem:s17+$0x2830]  }
0x8c: {  	v5 =	vld [tilespmem:s17+$0x2840]  }
0x8d: {  	v6 =	vld [tilespmem:s17+$0x4F10]  }
0x8e: {  	v7 =	vld [tilespmem:s17+$0x4F20]  }
0x8f: {  	v8 =	vld [tilespmem:s17+$0x4F30]  }
0x90: {  	v9 =	vld [tilespmem:s17+$0x4F40]  }
0x91: {  	v10 =	vld [tilespmem:s17+$0x4F50]  }
0x92: {  	v1 =	vld.idx.msk [tilespmem:v1+s2+$0x0], $0xffff  }
0x93: {  	v2 =	vld.idx.msk [tilespmem:v2+s2+$0x0], $0xffff  }
0x94: {  	v3 =	vld.idx.msk [tilespmem:v3+s2+$0x0], $0xffff  }
0x95: {  	v4 =	vld.idx.msk [tilespmem:v4+s2+$0x0], $0xffff  }
0x96: {  	v5 =	vld.idx.msk [tilespmem:v5+s2+$0x0], $0xffff  }
0x97: {  	[tilespmem:v6+s13+$0x0] =	vst.idx.add.f32.msk $0xffff, v1  }
0x98: {  	[tilespmem:v7+s13+$0x0] =	vst.idx.add.f32.msk $0xffff, v2  }
0x99: {  	[tilespmem:v8+s13+$0x0] =	vst.idx.add.f32.msk $0xffff, v3  }
0x9a: {  	[tilespmem:v9+s13+$0x0] =	vst.idx.add.f32.msk $0xffff, v4  }
0x9b: {  	[tilespmem:v10+s13+$0x0] =	vst.idx.add.f32.msk $0xffff, v5  }
0x9c: {  	v1 =	vld [tilespmem:s17+$0x2850]  }
0x9d: {  	v2 =	vld [tilespmem:s17+$0x2860]  }
0x9e: {  	v3 =	vld [tilespmem:s17+$0x2870]  }
0x9f: {  	v4 =	vld [tilespmem:s17+$0x2880]  }
0xa0: {  	v5 =	vld [tilespmem:s17+$0x2890]  }
0xa1: {  	v6 =	vld [tilespmem:s17+$0x4F60]  }
0xa2: {  	v7 =	vld [tilespmem:s17+$0x4F70]  }
0xa3: {  	v8 =	vld [tilespmem:s17+$0x4F80]  }
0xa4: {  	v9 =	vld [tilespmem:s17+$0x4F90]  }
0xa5: {  	v10 =	vld [tilespmem:s17+$0x4FA0]  }
0xa6: {  	v1 =	vld.idx.msk [tilespmem:v1+s2+$0x0], $0xffff  }
0xa7: {  	v2 =	vld.idx.msk [tilespmem:v2+s2+$0x0], $0xffff  }
0xa8: {  	v3 =	vld.idx.msk [tilespmem:v3+s2+$0x0], $0xffff  }
0xa9: {  	v4 =	vld.idx.msk [tilespmem:v4+s2+$0x0], $0xffff  }
0xaa: {  	p0 =	sne.s32 s16, $0x9600;
	v5 =	vld.idx.msk [tilespmem:v5+s2+$0x0], $0xffff  }
.Ltmp1:
0xab: {  	[tilespmem:v6+s13+$0x0] =	vst.idx.add.f32.msk $0xffff, v1;
	(pc) =	sbr.rel @p0 .LBB2_4-.Ltmp1, $4  }
0xac: {  	[tilespmem:v7+s13+$0x0] =	vst.idx.add.f32.msk $0xffff, v2  }
0xad: {  	[tilespmem:v8+s13+$0x0] =	vst.idx.add.f32.msk $0xffff, v3  }
0xae: {  	[tilespmem:v9+s13+$0x0] =	vst.idx.add.f32.msk $0xffff, v4  }
0xaf: {  	s16 =	sadd.s32 $0x640, s16;
	[tilespmem:v10+s13+$0x0] =	vst.idx.add.f32.msk $0xffff, v5  }
0xb0: {  	s15 =	sadd.s32 $0x1, s15  }
0xb1: {  	p0 =	sne.s32 s15, s7  }
.Ltmp2:
0xb2: {  	_ = 	snop;
	(pc) =	sbr.rel @p0 .LBB2_1-.Ltmp2, $4  }
0xb3: {  	[hbm4b:s6+s2] =	stream.linear.scatter [tilespmem:s13], [sflag:$0x4], $0x2710, $0x38;
	[tilespmem:$0x9C40] =	vst v63  }
0xb4: {  	_ =	swait.ge [sflag:s14], $0x2710  }
0xb5: {  	[sflag:s14] =	ssyncset.done $0x0  }
0xb6: {  	[sflag:s14] =	ssyncadd.s32 $0xFFFFD8F0  }
0xb7: {  	_ =	sfence.sel $0x180000  }
0xb8: {  	[bflag:$0x0] =	sbarrier.arrive $0xFFFF  }
0xb9: {  	p0 =	sne.s32 s0, $0x0;
	_ =	strace $0x9000004A  }
0xba: {  	s0 =	sadd.s32 @!p0 $0x100000, s1;
	[bflag:$0x2] =	sbarrier.arrive $0xFFFF  }
0xbb: {  	[sflag:s0] =	ssyncadd.tile.s32 @!p0 $0x1;
	_ =	shalt  }
.Lfunc_end2:
_tile_overlayer_lowered:
.L_overlay_start_2:
0xbc: {  	(tag) =	ssettag $0x2  }
0xbd: {  	s0 =	rddreg [dreg:$0x0];
	s2 =	stileid.u32  }
0xbe: {  	s1 =	rddreg [dreg:$0x1];
	p0 =	sne.s32 s2, $0x0  }
0xbf: {  	s3 =	rddreg [dreg:$0x2];
	[bflag:$0x3] =	sbarrier.arrive $0xFFFF;
	s2 =	simm.s32 @!p0 $0x1C04  }
0xc0: {  	[timem:s3], [sflag:s2] =	dma.local @!p0 [hbm:s0], s1  }
0xc1: {  	s0 =	simm.s32 @!p0 $0x4  }
0xc2: {  	_ =	swait.ge @!p0 [sflag:s0], s1  }
0xc3: {  	s1 =	ssub.s32 @!p0 $0x0, s1;
	[sflag:s0] =	ssyncset.done @!p0 $0x0  }
0xc4: {  	[sflag:s0] =	ssyncadd.s32 @!p0 s1  }
0xc5: {  	[bflag:$0x3] =	sbarrier.arrive $0xFFFF  }
0xc6: {  	_ =	shalt  }

// kernel: kernel.15.cloned.1.call-start
scs
__scs_entry_jumppad:
0x0: {  	(pc) =	sbr.rel $0x88, $3  }
0x1: {  	(tag) =	ssettag $0x0;
	lr =	simm.s32 $0x1  }
0x2: {  	[smem:$0x3F99] =	sst lr;
	_ =	strace $0xD0000000  }
0x3: {  	_ = 	snop  }
0x4: {  	_ = 	snop  }
0x5: {  	_ = 	snop  }
0x6: {  	_ = 	snop  }
0x7: {  	_ = 	snop  }
__scs_overlays_trampoline_lowered:
0x8: {  	[smem:$0x3FA8] =	sst s0  }
0x9: {  	[smem:$0x3FA9] =	sst s1  }
0xa: {  	[smem:$0x3FAA] =	sst s2  }
0xb: {  	[smem:$0x3FAB] =	sst s3  }
0xc: {  	[smem:$0x3FAC] =	sst s4  }
0xd: {  	[smem:$0x3FAD] =	sst s5  }
0xe: {  	[smem:$0x3FAE] =	sst s6  }
0xf: {  	[smem:$0x3FAF] =	sst s7  }
0x10: {  	[smem:$0x3FB0] =	sst s8  }
0x11: {  	[smem:$0x3FB1] =	sst s9;
	s0 =	simm.s32 @!p0 $0x0  }
0x12: {  	s1 =	sld [smem:$0x3F97];
	s0 =	simm.s32 @p0 $0x1  }
0x13: {  	[smem:$0x3FB2] =	sst s0;
	s0 =	simm.s32 @!p1 $0x0  }
0x14: {  	s2 =	sld [smem:$0x3F96];
	s0 =	simm.s32 @p1 $0x1  }
0x15: {  	[smem:$0x3FB3] =	sst s0;
	s0 =	simm.s32 @!p2 $0x0  }
0x16: {  	s3 =	sld [smem:$0x3FDB];
	s0 =	simm.s32 @p2 $0x1  }
0x17: {  	s4 =	simm.s32 $0x1BF5;
	[smem:$0x3FB5] =	sst s0  }
0x18: {  	s0 =	sld [smem:$0x3F98];
	_ =	swait.ge [sflag:s4], $0x0  }
0x19: {  	s7 =	sld [smem:$0x3F99]  }
0x1a: {  	s8 =	sadd.s32 $0xFFFFE003, lr  }
0x1b: {  	s9 =	sadd.s32 $0xFFFFFEF7, lr;
	s5 =	simm.s32 $0xFFFFFFFF;
	p2 =	slt.u32 s8, $0xFFFFF086  }
0x1c: {  	p1 =	slt.u32 s9, $0xF7A;
	s5 =	simm.s32 @!p2 $0x0  }
0x1d: {  	s5 =	simm.s32 @p1 $0x1;
	p0 =	seq.s32 s7, s2  }
0x1e: {  	s7 =	smul.u32 @!p0 $0xF7A, s2;
	p2 =	seq.s32 @!p0 s5, $0x0  }
0x1f: {  	s9 =	smul.u32 $0xF7A, s1;
	s8 =	simm.s32 @!p0 $0x1BF5;
	p2 =	por !p2, p0  }
0x20: {  	[sflag:s8] =	ssyncset.s32 @!p0 $0xFFFFF086;
	s6 =	sadd.s32 @!p0 s3, s7;
	s7 =	simm.s32 @!p0 $0x108  }
0x21: {  	s3 =	sadd.s32 s3, s9;
	s6 =	sadd.s32 @!p0 $0x88, s6;
	s7 =	simm.s32 @p2 $0x1082  }
0x22: {  	[simem:s7], [sflag:s8] =	dma.local @!p0 [hbm:s6], $0xF7A  }
0x23: {  	s9 =	sor.u32 $0xD0000000, s2;
	s6 =	simm.s32 $0x108;
	_ =	swait.ge @!p0 [sflag:s8], $0x0  }
0x24: {  	s3 =	sadd.s32 $0x88, s3;
	s6 =	simm.s32 @!p1 $0x1082;
	[sflag:s4] =	ssyncset.s32 $0xFFFFF086  }
0x25: {  	[simem:s6], [sflag:s4] =	dma.local [hbm:s3], $0xF7A  }
0x26: {  	[smem:$0x3F99] =	sst s1;
	(tag) =	ssettag s2;
	_ =	strace s9  }
0x27: {  	s1 =	sld [smem:$0x3FA9]  }
0x28: {  	s2 =	sld [smem:$0x3FAA]  }
0x29: {  	s4 =	sld [smem:$0x3FAC]  }
0x2a: {  	p0 =	seq.s32 s5, $0x0;
	s5 =	sld [smem:$0x3FAD]  }
0x2b: {  	s6 =	sld [smem:$0x3FAE]  }
0x2c: {  	s7 =	sld [smem:$0x3FAF]  }
0x2d: {  	s3 =	simm.s32 $0x108;
	s8 =	sld [smem:$0x3FB0]  }
0x2e: {  	s3 =	simm.s32 @!p0 $0x1082;
	s9 =	sld [smem:$0x3FB1]  }
0x2f: {  	lr =	sadd.s32 s0, s3;
	s0 =	sld [smem:$0x3FA8]  }
0x30: {  	s3 =	sld [smem:$0x3FAB]  }
0x31: {  	[smem:$0x3FB4] =	sst s10  }
0x32: {  	s10 =	sld [smem:$0x3FB2];
	_ =	sdelay $0x3  }
0x33: {  	p0 =	seq.s32 s10, $0x1;
	s10 =	sld [smem:$0x3FB4];
	_ =	sdelay $0x3  }
0x34: {  	[smem:$0x3FB4] =	sst s10  }
0x35: {  	s10 =	sld [smem:$0x3FB3];
	_ =	sdelay $0x3  }
0x36: {  	p1 =	seq.s32 s10, $0x1;
	s10 =	sld [smem:$0x3FB4];
	_ =	sdelay $0x3  }
0x37: {  	[smem:$0x3FB4] =	sst s10  }
0x38: {  	s10 =	sld [smem:$0x3FB5]  }
0x39: {  	_ = 	snop;
	(pc) =	sbr.ind lr, $3  }
0x3a: {  	_ = 	snop  }
0x3b: {  	_ = 	snop  }
0x3c: {  	p2 =	seq.s32 s10, $0x1;
	s10 =	sld [smem:$0x3FB4]  }
0x3d: {  	_ =	shalt  }
0x3e: {  	_ =	shalt  }
0x3f: {  	_ =	shalt  }
0x40: {  	_ =	shalt  }
0x41: {  	_ =	shalt  }
0x42: {  	_ =	shalt  }
0x43: {  	_ =	shalt  }
0x44: {  	_ =	shalt  }
0x45: {  	_ =	shalt  }
0x46: {  	_ =	shalt  }
0x47: {  	_ =	shalt  }
0x48: {  	_ =	shalt  }
0x49: {  	_ =	shalt  }
0x4a: {  	_ =	shalt  }
0x4b: {  	_ =	shalt  }
0x4c: {  	_ =	shalt  }
0x4d: {  	_ =	shalt  }
0x4e: {  	_ =	shalt  }
0x4f: {  	_ =	shalt  }
0x50: {  	_ =	shalt  }
0x51: {  	_ =	shalt  }
0x52: {  	_ =	shalt  }
0x53: {  	_ =	shalt  }
0x54: {  	_ =	shalt  }
0x55: {  	_ =	shalt  }
0x56: {  	_ =	shalt  }
0x57: {  	_ =	shalt  }
0x58: {  	_ =	shalt  }
0x59: {  	_ =	shalt  }
0x5a: {  	_ =	shalt  }
0x5b: {  	_ =	shalt  }
0x5c: {  	_ =	shalt  }
0x5d: {  	_ =	shalt  }
0x5e: {  	_ =	shalt  }
0x5f: {  	_ =	shalt  }
0x60: {  	_ =	shalt  }
0x61: {  	_ =	shalt  }
0x62: {  	_ =	shalt  }
0x63: {  	_ =	shalt  }
0x64: {  	_ =	shalt  }
0x65: {  	_ =	shalt  }
0x66: {  	_ =	shalt  }
0x67: {  	_ =	shalt  }
0x68: {  	_ =	shalt  }
0x69: {  	_ =	shalt  }
0x6a: {  	_ =	shalt  }
0x6b: {  	_ =	shalt  }
0x6c: {  	_ =	shalt  }
0x6d: {  	_ =	shalt  }
0x6e: {  	_ =	shalt  }
0x6f: {  	_ =	shalt  }
0x70: {  	_ =	shalt  }
0x71: {  	_ =	shalt  }
0x72: {  	_ =	shalt  }
0x73: {  	_ =	shalt  }
0x74: {  	_ =	shalt  }
0x75: {  	_ =	shalt  }
0x76: {  	_ =	shalt  }
0x77: {  	_ =	shalt  }
0x78: {  	_ =	shalt  }
0x79: {  	_ =	shalt  }
0x7a: {  	_ =	shalt  }
0x7b: {  	_ =	shalt  }
0x7c: {  	_ =	shalt  }
0x7d: {  	_ =	shalt  }
0x7e: {  	_ =	shalt  }
0x7f: {  	_ =	shalt  }
0x80: {  	_ =	shalt  }
0x81: {  	_ =	shalt  }
0x82: {  	_ =	shalt  }
0x83: {  	_ =	shalt  }
0x84: {  	_ =	shalt  }
0x85: {  	_ =	shalt  }
0x86: {  	_ =	shalt  }
0x87: {  	_ =	shalt  }
.Lfunc_end0:
.L_simem_size_0:
called_computation.2_lowered:
.L_overlay_start_0:
0x88: {  	s2 =	sld [smem:$0x3FD9]  }
0x89: {  	s3 =	sld [smem:$0x3FFE];
	_ =	sdelay $0x1  }
0x8a: {  	s1 =	srdreg.scid  }
0x8b: {  	s0 =	sand.u32 $0x1, s1  }
0x8c: {  	s16 =	sshll.u32 s0, $0xA;
	s2 =	sadd.s32 s3, s2  }
0x8d: {  	s2 =	sadd.s32 s2, s16  }
0x8e: {  	[smem:$0x3FC0] =	sst s2  }
0x8f: {  	_ = 	snop  }
0x90: {  	(tm) =	ssettm $0x1  }
0x91: {  	s17 =	sld [smem:$0x3FFB];
	_ =	sdelay $0x3  }
0x92: {  	_ =	strace s17  }
0x93: {  	s2 =	sld [smem:$0x3FFC];
	_ =	sdelay $0x3  }
0x94: {  	_ =	strace s2  }
0x95: {  	s2 =	sld [smem:$0x3FFD];
	_ =	sdelay $0x3  }
0x96: {  	_ =	strace s2  }
0x97: {  	_ =	strace $0x8FFFFFFF  }
0x98: {  	s18 =	sld [smem:$0x3FDB];
	_ =	sdelay $0x1  }
0x99: {  	s19 =	simm.s32 $_scs_section_size  }
0x9a: {  	s4 =	simm.s32 $_size__tile_overlayer_lowered;
	s5 =	simm.s32 $_tile_overlayer_lowered  }
0x9b: {  	s22 =	simm.s32 $0x1BFF;
	s21 =	sshll.u32 s5, $0x1;
	s2 =	sadd.s32 s19, s18  }
0x9c: {  	s6 =	simm.s32 $0x0;
	s20 =	sshll.u32 s4, $0x1;
	s4 =	sadd.s32 s21, s2  }
0x9d: {  	[timem:s6], [sflag:s22] =	dma.local [hbm:s4], s20  }
0x9e: {  	_ =	swait.ge [sflag:s22], s20  }
0x9f: {  	s3 =	ssub.s32 $0x0, s20;
	[sflag:s22] =	ssyncset.done $0x0  }
0xa0: {  	[sflag:s22] =	ssyncadd.s32 s3;
	_ =	sdelay $0x1  }
0xa1: {  	s23 =	simm.s32 $0x1B8B  }
0xa2: {  	_ =	swait.ge [sflag:s23], $0x1  }
0xa3: {  	[sflag:s23] =	ssyncset.done $0x0  }
0xa4: {  	s25 =	simm.s32 $0x1B8E;
	s24 =	sld [smem:$0x3FFE];
	[sflag:s23] =	ssyncadd.s32 $0xFFFFFFFF  }
0xa5: {  	s26 =	simm.s32 $execute0_lowered;
	[smem:$0x3FD2] =	sst s25  }
0xa6: {  	s4 =	sshll.u32 s26, $0x1;
	_ =	strace $0x8000004C;
	[dreg:$0x1] =	wrdreg $0xFFFFFFFF  }
0xa7: {  	s28 =	simm.s32 $_size_execute0_lowered;
	s2 =	sadd.s32 s2, s4;
	[dreg:$0x0] =	wrdreg $0x0  }
0xa8: {  	s4 =	sshll.u32 s28, $0x1;
	[dreg:$0x2] =	wrdreg s2  }
0xa9: {  	[dreg:$0x3] =	wrdreg s4  }
0xaa: {  	[dreg:$0x4] =	wrdreg $0xC0  }
0xab: {  	_ =	task [dreg:s6], $0x5FFFF  }
0xac: {  	[dreg:$0x1] =	wrdreg $0xFFFFFFFF  }
0xad: {  	[dreg:$0x0] =	wrdreg $0x60  }
0xae: {  	[dreg:$0x2] =	wrdreg s24  }
0xaf: {  	[dreg:$0x3] =	wrdreg $0x9  }
0xb0: {  	_ =	task.clear_ibuf [dreg:s6], $0x4FFFF;
	_ =	strace $0x9000004C  }
0xb1: {  	s29 =	simm.s32 $0x9;
	_ =	strace $0x8000004E  }
0xb2: {  	_ =	swait.ge [sflag:s29], $0x1  }
0xb3: {  	[sflag:s29] =	ssyncadd.s32 $0xFFFFFFFF  }
0xb4: {  	_ =	strace $0x9000004E  }
0xb5: {  	_ =	sfence  }
0xb6: {  	s30 =	sld [smem:$0x0];
	_ =	sdelay $0x2  }
0xb7: {  	s31 =	sshll.u32 s1, $0xD;
	s1 =	sshrl.u32 s1, $0x2  }
0xb8: {  	s3 =	sand.u32 $0x4000, s31;
	s1 =	sadd.s32 s1, s30  }
0xb9: {  	s0 =	sor.u32 s3, s0;
	s1 =	sshll.u32 s1, $0x11  }
0xba: {  	s0 =	sor.u32 s1, s0  }
0xbb: {  	s0 =	sadd.s32 $0x8F2B, s0  }
0xbc: {  	[sflag:s0] =	ssyncadd.remote.s32 $0x1  }
0xbd: {  	_ =	sfence.sel $0xFFFF  }
0xbe: {  	[dreg:$0x0] =	wrdreg $0xFFFFFFFF;
	(pc) =	sbr.abs _section_cstart, $3  }
0xbf: {  	[dreg:$0x1] =	wrdreg $0xFFFFFFFF  }
0xc0: {  	_ =	task.clear_ibuf [dreg:s6], $0x2FFFF;
	_ =	strace $0x9FFFFFFF  }
0xc1: {  	(tm) =	ssettm $0x7FFFFFFF  }
tec
execute0_lowered:
.L_overlay_start_1:
0x0: {  	(tag) =	ssettag $0x1  }
0x1: {  	s1 =	srdreg.scid;
	s0 =	stileid.u32  }
0x2: {  	s4 =	rddreg [dreg:$0x0];
	s2 =	simm.s32 $0x0;
	s9 =	simm.s32 $0x4E20  }
0x3: {  	s10 =	simm.s32 $0x1;
	s3 =	sand.u32 $0x1, s1;
	s31 =	sshll.u32 s0, $0x1  }
0x4: {  	s11 =	simm.s32 $0x2;
	s12 =	simm.s32 $0x3;
	s5 =	sor.u32 s3, s31  }
0x5: {  	s13 =	simm.s32 $0x7530;
	s14 =	simm.s32 $0x4;
	s5 =	smul.u32 $0x2710, s5  }
0x6: {  	s15 =	simm.s32 $0x0;
	s1 =	rddreg [dreg:$0x1];
	s6 =	ssub.s32 $0x2, s3  }
0x7: {  	[smem:$0x7FF] =	sst s2;
	s7 =	sshrl.u32 s6, $0x1;
	s5 =	sshrl.u32 s5, $0x3  }
0x8: {  	_ =	strace $0x8000004D;
	s7 =	ssub.s32 s6, s7;
	s8 =	sadd.s32 s5, s4  }
0x9: {  	s3 =	sadd.s32 $0x15200, s4;
	s7 =	smax.u32 s7, $0x1;
	s4 =	sadd.s32 $0x1800, s8  }
0xa: {  	v0 =	vimm.f32 $0.0e+00;
	s5 =	sadd.s32 $0xB440, s8;
	s6 =	sadd.s32 $0x15800, s8;
	s8 =	simm.s32 $0x2710  }
.LBB2_1:
0xb: {  	[tilespmem:s2], [sflag:$0x1] =	stream.linear.gather [hbm4b:s3+s2], $0x2710, $0x38;
	[tilespmem:$0x9C40] =	vst v63  }
0xc: {  	_ = 	snop  }
0xd: {  	[tilespmem:s8], [sflag:$0x2] =	stream.linear.gather [hbm4b:s4+s2], $0x2710, $0x38;
	[tilespmem:$0x9C40] =	vst v63  }
0xe: {  	s16 =	simm.s32 $0x0;
	s17 =	simm.s32 $0x640  }
0xf: {  	[tilespmem:s9], [sflag:$0x3] =	stream.linear.gather [hbm4b:s5+s2], $0x2710, $0x38;
	[tilespmem:$0x9C40] =	vst v63  }
.LBB2_2:
0x10: {  	p0 =	sne.s32 s17, $0x9600;
	[tilespmem:s16+$0x76B0] =	vst v0  }
0x11: {  	[tilespmem:s16+$0x7530] =	vst v0  }
0x12: {  	[tilespmem:s16+$0x7540] =	vst v0  }
0x13: {  	[tilespmem:s16+$0x7550] =	vst v0  }
0x14: {  	[tilespmem:s16+$0x7560] =	vst v0  }
0x15: {  	[tilespmem:s16+$0x7570] =	vst v0  }
0x16: {  	[tilespmem:s16+$0x7580] =	vst v0  }
0x17: {  	[tilespmem:s16+$0x7590] =	vst v0  }
0x18: {  	[tilespmem:s16+$0x75A0] =	vst v0  }
0x19: {  	[tilespmem:s16+$0x75B0] =	vst v0  }
0x1a: {  	[tilespmem:s16+$0x75C0] =	vst v0  }
0x1b: {  	[tilespmem:s16+$0x75D0] =	vst v0  }
0x1c: {  	[tilespmem:s16+$0x75E0] =	vst v0  }
0x1d: {  	[tilespmem:s16+$0x75F0] =	vst v0  }
0x1e: {  	[tilespmem:s16+$0x7600] =	vst v0  }
0x1f: {  	[tilespmem:s16+$0x7610] =	vst v0  }
0x20: {  	[tilespmem:s16+$0x7620] =	vst v0  }
0x21: {  	[tilespmem:s16+$0x7630] =	vst v0  }
0x22: {  	[tilespmem:s16+$0x7640] =	vst v0  }
0x23: {  	[tilespmem:s16+$0x7650] =	vst v0  }
.Ltmp0:
0x24: {  	[tilespmem:s16+$0x7660] =	vst v0;
	(pc) =	sbr.rel @p0 .LBB2_2-.Ltmp0, $4  }
0x25: {  	[tilespmem:s16+$0x7670] =	vst v0  }
0x26: {  	[tilespmem:s16+$0x7680] =	vst v0  }
0x27: {  	[tilespmem:s16+$0x7690] =	vst v0  }
0x28: {  	[tilespmem:s16+$0x76A0] =	vst v0;
	s16 =	sshra.s32 s17, $0x2;
	s17 =	sadd.s32 $0x640, s17  }
0x29: {  	[tilespmem:s16+$0x76B0] =	vst v0  }
0x2a: {  	[tilespmem:s16+$0x7530] =	vst v0  }
0x2b: {  	[tilespmem:s16+$0x7540] =	vst v0  }
0x2c: {  	[tilespmem:s16+$0x7550] =	vst v0  }
0x2d: {  	[tilespmem:s16+$0x7560] =	vst v0  }
0x2e: {  	[tilespmem:s16+$0x7570] =	vst v0  }
0x2f: {  	[tilespmem:s16+$0x7580] =	vst v0  }
0x30: {  	[tilespmem:s16+$0x7590] =	vst v0  }
0x31: {  	[tilespmem:s16+$0x75A0] =	vst v0  }
0x32: {  	[tilespmem:s16+$0x75B0] =	vst v0  }
0x33: {  	[tilespmem:s16+$0x75C0] =	vst v0  }
0x34: {  	[tilespmem:s16+$0x75D0] =	vst v0  }
0x35: {  	[tilespmem:s16+$0x75E0] =	vst v0  }
0x36: {  	[tilespmem:s16+$0x75F0] =	vst v0  }
0x37: {  	[tilespmem:s16+$0x7600] =	vst v0  }
0x38: {  	[tilespmem:s16+$0x7610] =	vst v0  }
0x39: {  	[tilespmem:s16+$0x7620] =	vst v0  }
0x3a: {  	[tilespmem:s16+$0x7630] =	vst v0  }
0x3b: {  	[tilespmem:s16+$0x7640] =	vst v0  }
0x3c: {  	[tilespmem:s16+$0x7650] =	vst v0  }
0x3d: {  	[tilespmem:s16+$0x7660] =	vst v0  }
0x3e: {  	[tilespmem:s16+$0x7670] =	vst v0  }
0x3f: {  	[tilespmem:s16+$0x7680] =	vst v0  }
0x40: {  	[tilespmem:s16+$0x7690] =	vst v0  }
0x41: {  	[tilespmem:s16+$0x76A0] =	vst v0  }
0x42: {  	_ =	swait.ge [sflag:s10], $0x2710  }
0x43: {  	[sflag:s10] =	ssyncset.done $0x0  }
0x44: {  	[sflag:s10] =	ssyncadd.s32 $0xFFFFD8F0  }
0x45: {  	_ =	swait.ge [sflag:s11], $0x2710  }
0x46: {  	[sflag:s11] =	ssyncset.done $0x0  }
0x47: {  	[sflag:s11] =	ssyncadd.s32 $0xFFFFD8F0  }
0x48: {  	_ =	swait.ge [sflag:s12], $0x2710  }
0x49: {  	[sflag:s12] =	ssyncset.done $0x0  }
0x4a: {  	s16 =	simm.s32 $0x0;
	[sflag:s12] =	ssyncadd.s32 $0xFFFFD8F0  }
.LBB2_4:
0x4b: {  	s17 =	sshra.s32 s16, $0x2  }
0x4c: {  	v1 =	vld [tilespmem:s17+$0x2710]  }
0x4d: {  	v2 =	vld [tilespmem:s17+$0x2720]  }
0x4e: {  	v3 =	vld [tilespmem:s17+$0x2730]  }
0x4f: {  	v4 =	vld [tilespmem:s17+$0x2740]  }
0x50: {  	v5 =	vld [tilespmem:s17+$0x2750]  }
0x51: {  	v6 =	vld [tilespmem:s17+$0x4E20]  }
0x52: {  	v7 =	vld [tilespmem:s17+$0x4E30]  }
0x53: {  	v8 =	vld [tilespmem:s17+$0x4E40]  }
0x54: {  	v9 =	vld [tilespmem:s17+$0x4E50]  }
0x55: {  	v10 =	vld [tilespmem:s17+$0x4E60]  }
0x56: {  	v1 =	vld.idx.msk [tilespmem:v1+s2+$0x0], $0xffff  }
0x57: {  	v2 =	vld.idx.msk [tilespmem:v2+s2+$0x0], $0xffff  }
0x58: {  	v3 =	vld.idx.msk [tilespmem:v3+s2+$0x0], $0xffff  }
0x59: {  	v4 =	vld.idx.msk [tilespmem:v4+s2+$0x0], $0xffff  }
0x5a: {  	v5 =	vld.idx.msk [tilespmem:v5+s2+$0x0], $0xffff  }
0x5b: {  	[tilespmem:v6+s13+$0x0] =	vst.idx.add.f32.msk $0xffff, v1  }
0x5c: {  	[tilespmem:v7+s13+$0x0] =	vst.idx.add.f32.msk $0xffff, v2  }
0x5d: {  	[tilespmem:v8+s13+$0x0] =	vst.idx.add.f32.msk $0xffff, v3  }
0x5e: {  	[tilespmem:v9+s13+$0x0] =	vst.idx.add.f32.msk $0xffff, v4  }
0x5f: {  	[tilespmem:v10+s13+$0x0] =	vst.idx.add.f32.msk $0xffff, v5  }
0x60: {  	v1 =	vld [tilespmem:s17+$0x2760]  }
0x61: {  	v2 =	vld [tilespmem:s17+$0x2770]  }
0x62: {  	v3 =	vld [tilespmem:s17+$0x2780]  }
0x63: {  	v4 =	vld [tilespmem:s17+$0x2790]  }
0x64: {  	v5 =	vld [tilespmem:s17+$0x27A0]  }
0x65: {  	v6 =	vld [tilespmem:s17+$0x4E70]  }
0x66: {  	v7 =	vld [tilespmem:s17+$0x4E80]  }
0x67: {  	v8 =	vld [tilespmem:s17+$0x4E90]  }
0x68: {  	v9 =	vld [tilespmem:s17+$0x4EA0]  }
0x69: {  	v10 =	vld [tilespmem:s17+$0x4EB0]  }
0x6a: {  	v1 =	vld.idx.msk [tilespmem:v1+s2+$0x0], $0xffff  }
0x6b: {  	v2 =	vld.idx.msk [tilespmem:v2+s2+$0x0], $0xffff  }
0x6c: {  	v3 =	vld.idx.msk [tilespmem:v3+s2+$0x0], $0xffff  }
0x6d: {  	v4 =	vld.idx.msk [tilespmem:v4+s2+$0x0], $0xffff  }
0x6e: {  	v5 =	vld.idx.msk [tilespmem:v5+s2+$0x0], $0xffff  }
0x6f: {  	[tilespmem:v6+s13+$0x0] =	vst.idx.add.f32.msk $0xffff, v1  }
0x70: {  	[tilespmem:v7+s13+$0x0] =	vst.idx.add.f32.msk $0xffff, v2  }
0x71: {  	[tilespmem:v8+s13+$0x0] =	vst.idx.add.f32.msk $0xffff, v3  }
0x72: {  	[tilespmem:v9+s13+$0x0] =	vst.idx.add.f32.msk $0xffff, v4  }
0x73: {  	[tilespmem:v10+s13+$0x0] =	vst.idx.add.f32.msk $0xffff, v5  }
0x74: {  	v1 =	vld [tilespmem:s17+$0x27B0]  }
0x75: {  	v2 =	vld [tilespmem:s17+$0x27C0]  }
0x76: {  	v3 =	vld [tilespmem:s17+$0x27D0]  }
0x77: {  	v4 =	vld [tilespmem:s17+$0x27E0]  }
0x78: {  	v5 =	vld [tilespmem:s17+$0x27F0]  }
0x79: {  	v6 =	vld [tilespmem:s17+$0x4EC0]  }
0x7a: {  	v7 =	vld [tilespmem:s17+$0x4ED0]  }
0x7b: {  	v8 =	vld [tilespmem:s17+$0x4EE0]  }
0x7c: {  	v9 =	vld [tilespmem:s17+$0x4EF0]  }
0x7d: {  	v10 =	vld [tilespmem:s17+$0x4F00]  }
0x7e: {  	v1 =	vld.idx.msk [tilespmem:v1+s2+$0x0], $0xffff  }
0x7f: {  	v2 =	vld.idx.msk [tilespmem:v2+s2+$0x0], $0xffff  }
0x80: {  	v3 =	vld.idx.msk [tilespmem:v3+s2+$0x0], $0xffff  }
0x81: {  	v4 =	vld.idx.msk [tilespmem:v4+s2+$0x0], $0xffff  }
0x82: {  	v5 =	vld.idx.msk [tilespmem:v5+s2+$0x0], $0xffff  }
0x83: {  	[tilespmem:v6+s13+$0x0] =	vst.idx.add.f32.msk $0xffff, v1  }
0x84: {  	[tilespmem:v7+s13+$0x0] =	vst.idx.add.f32.msk $0xffff, v2  }
0x85: {  	[tilespmem:v8+s13+$0x0] =	vst.idx.add.f32.msk $0xffff, v3  }
0x86: {  	[tilespmem:v9+s13+$0x0] =	vst.idx.add.f32.msk $0xffff, v4  }
0x87: {  	[tilespmem:v10+s13+$0x0] =	vst.idx.add.f32.msk $0xffff, v5  }
0x88: {  	v1 =	vld [tilespmem:s17+$0x2800]  }
0x89: {  	v2 =	vld [tilespmem:s17+$0x2810]  }
0x8a: {  	v3 =	vld [tilespmem:s17+$0x2820]  }
0x8b: {  	v4 =	vld [tilespmem:s17+$0x2830]  }
0x8c: {  	v5 =	vld [tilespmem:s17+$0x2840]  }
0x8d: {  	v6 =	vld [tilespmem:s17+$0x4F10]  }
0x8e: {  	v7 =	vld [tilespmem:s17+$0x4F20]  }
0x8f: {  	v8 =	vld [tilespmem:s17+$0x4F30]  }
0x90: {  	v9 =	vld [tilespmem:s17+$0x4F40]  }
0x91: {  	v10 =	vld [tilespmem:s17+$0x4F50]  }
0x92: {  	v1 =	vld.idx.msk [tilespmem:v1+s2+$0x0], $0xffff  }
0x93: {  	v2 =	vld.idx.msk [tilespmem:v2+s2+$0x0], $0xffff  }
0x94: {  	v3 =	vld.idx.msk [tilespmem:v3+s2+$0x0], $0xffff  }
0x95: {  	v4 =	vld.idx.msk [tilespmem:v4+s2+$0x0], $0xffff  }
0x96: {  	v5 =	vld.idx.msk [tilespmem:v5+s2+$0x0], $0xffff  }
0x97: {  	[tilespmem:v6+s13+$0x0] =	vst.idx.add.f32.msk $0xffff, v1  }
0x98: {  	[tilespmem:v7+s13+$0x0] =	vst.idx.add.f32.msk $0xffff, v2  }
0x99: {  	[tilespmem:v8+s13+$0x0] =	vst.idx.add.f32.msk $0xffff, v3  }
0x9a: {  	[tilespmem:v9+s13+$0x0] =	vst.idx.add.f32.msk $0xffff, v4  }
0x9b: {  	[tilespmem:v10+s13+$0x0] =	vst.idx.add.f32.msk $0xffff, v5  }
0x9c: {  	v1 =	vld [tilespmem:s17+$0x2850]  }
0x9d: {  	v2 =	vld [tilespmem:s17+$0x2860]  }
0x9e: {  	v3 =	vld [tilespmem:s17+$0x2870]  }
0x9f: {  	v4 =	vld [tilespmem:s17+$0x2880]  }
0xa0: {  	v5 =	vld [tilespmem:s17+$0x2890]  }
0xa1: {  	v6 =	vld [tilespmem:s17+$0x4F60]  }
0xa2: {  	v7 =	vld [tilespmem:s17+$0x4F70]  }
0xa3: {  	v8 =	vld [tilespmem:s17+$0x4F80]  }
0xa4: {  	v9 =	vld [tilespmem:s17+$0x4F90]  }
0xa5: {  	v10 =	vld [tilespmem:s17+$0x4FA0]  }
0xa6: {  	v1 =	vld.idx.msk [tilespmem:v1+s2+$0x0], $0xffff  }
0xa7: {  	v2 =	vld.idx.msk [tilespmem:v2+s2+$0x0], $0xffff  }
0xa8: {  	v3 =	vld.idx.msk [tilespmem:v3+s2+$0x0], $0xffff  }
0xa9: {  	v4 =	vld.idx.msk [tilespmem:v4+s2+$0x0], $0xffff  }
0xaa: {  	p0 =	sne.s32 s16, $0x9600;
	v5 =	vld.idx.msk [tilespmem:v5+s2+$0x0], $0xffff  }
.Ltmp1:
0xab: {  	[tilespmem:v6+s13+$0x0] =	vst.idx.add.f32.msk $0xffff, v1;
	(pc) =	sbr.rel @p0 .LBB2_4-.Ltmp1, $4  }
0xac: {  	[tilespmem:v7+s13+$0x0] =	vst.idx.add.f32.msk $0xffff, v2  }
0xad: {  	[tilespmem:v8+s13+$0x0] =	vst.idx.add.f32.msk $0xffff, v3  }
0xae: {  	[tilespmem:v9+s13+$0x0] =	vst.idx.add.f32.msk $0xffff, v4  }
0xaf: {  	s16 =	sadd.s32 $0x640, s16;
	[tilespmem:v10+s13+$0x0] =	vst.idx.add.f32.msk $0xffff, v5  }
0xb0: {  	s15 =	sadd.s32 $0x1, s15  }
0xb1: {  	p0 =	sne.s32 s15, s7  }
.Ltmp2:
0xb2: {  	_ = 	snop;
	(pc) =	sbr.rel @p0 .LBB2_1-.Ltmp2, $4  }
0xb3: {  	[hbm4b:s6+s2] =	stream.linear.scatter [tilespmem:s13], [sflag:$0x4], $0x2710, $0x38;
	[tilespmem:$0x9C40] =	vst v63  }
0xb4: {  	_ =	swait.ge [sflag:s14], $0x2710  }
0xb5: {  	[sflag:s14] =	ssyncset.done $0x0  }
0xb6: {  	[sflag:s14] =	ssyncadd.s32 $0xFFFFD8F0  }
0xb7: {  	_ =	sfence.sel $0x180000  }
0xb8: {  	[bflag:$0x0] =	sbarrier.arrive $0xFFFF  }
0xb9: {  	p0 =	sne.s32 s0, $0x0;
	_ =	strace $0x9000004D  }
0xba: {  	s0 =	sadd.s32 @!p0 $0x100000, s1;
	[bflag:$0x2] =	sbarrier.arrive $0xFFFF  }
0xbb: {  	[sflag:s0] =	ssyncadd.tile.s32 @!p0 $0x1;
	_ =	shalt  }
.Lfunc_end2:
_tile_overlayer_lowered:
.L_overlay_start_2:
0xbc: {  	(tag) =	ssettag $0x2  }
0xbd: {  	s0 =	rddreg [dreg:$0x0];
	s2 =	stileid.u32  }
0xbe: {  	s1 =	rddreg [dreg:$0x1];
	p0 =	sne.s32 s2, $0x0  }
0xbf: {  	s3 =	rddreg [dreg:$0x2];
	[bflag:$0x3] =	sbarrier.arrive $0xFFFF;
	s2 =	simm.s32 @!p0 $0x1C04  }
0xc0: {  	[timem:s3], [sflag:s2] =	dma.local @!p0 [hbm:s0], s1  }
0xc1: {  	s0 =	simm.s32 @!p0 $0x4  }
0xc2: {  	_ =	swait.ge @!p0 [sflag:s0], s1  }
0xc3: {  	s1 =	ssub.s32 @!p0 $0x0, s1;
	[sflag:s0] =	ssyncset.done @!p0 $0x0  }
0xc4: {  	[sflag:s0] =	ssyncadd.s32 @!p0 s1  }
0xc5: {  	[bflag:$0x3] =	sbarrier.arrive $0xFFFF  }
0xc6: {  	_ =	shalt  }

// kernel: kernel.9.cloned.1.call-start
scs
__scs_entry_jumppad:
0x0: {  	(pc) =	sbr.rel $0x88, $3  }
0x1: {  	(tag) =	ssettag $0x0;
	lr =	simm.s32 $0x1  }
0x2: {  	[smem:$0x3F99] =	sst lr;
	_ =	strace $0xD0000000  }
0x3: {  	_ = 	snop  }
0x4: {  	_ = 	snop  }
0x5: {  	_ = 	snop  }
0x6: {  	_ = 	snop  }
0x7: {  	_ = 	snop  }
__scs_overlays_trampoline_lowered:
0x8: {  	[smem:$0x3FA8] =	sst s0  }
0x9: {  	[smem:$0x3FA9] =	sst s1  }
0xa: {  	[smem:$0x3FAA] =	sst s2  }
0xb: {  	[smem:$0x3FAB] =	sst s3  }
0xc: {  	[smem:$0x3FAC] =	sst s4  }
0xd: {  	[smem:$0x3FAD] =	sst s5  }
0xe: {  	[smem:$0x3FAE] =	sst s6  }
0xf: {  	[smem:$0x3FAF] =	sst s7  }
0x10: {  	[smem:$0x3FB0] =	sst s8  }
0x11: {  	[smem:$0x3FB1] =	sst s9;
	s0 =	simm.s32 @!p0 $0x0  }
0x12: {  	s1 =	sld [smem:$0x3F97];
	s0 =	simm.s32 @p0 $0x1  }
0x13: {  	[smem:$0x3FB2] =	sst s0;
	s0 =	simm.s32 @!p1 $0x0  }
0x14: {  	s2 =	sld [smem:$0x3F96];
	s0 =	simm.s32 @p1 $0x1  }
0x15: {  	[smem:$0x3FB3] =	sst s0;
	s0 =	simm.s32 @!p2 $0x0  }
0x16: {  	s3 =	sld [smem:$0x3FDB];
	s0 =	simm.s32 @p2 $0x1  }
0x17: {  	s4 =	simm.s32 $0x1BF5;
	[smem:$0x3FB5] =	sst s0  }
0x18: {  	s0 =	sld [smem:$0x3F98];
	_ =	swait.ge [sflag:s4], $0x0  }
0x19: {  	s7 =	sld [smem:$0x3F99]  }
0x1a: {  	s8 =	sadd.s32 $0xFFFFE003, lr  }
0x1b: {  	s9 =	sadd.s32 $0xFFFFFEF7, lr;
	s5 =	simm.s32 $0xFFFFFFFF;
	p2 =	slt.u32 s8, $0xFFFFF086  }
0x1c: {  	p1 =	slt.u32 s9, $0xF7A;
	s5 =	simm.s32 @!p2 $0x0  }
0x1d: {  	s5 =	simm.s32 @p1 $0x1;
	p0 =	seq.s32 s7, s2  }
0x1e: {  	s7 =	smul.u32 @!p0 $0xF7A, s2;
	p2 =	seq.s32 @!p0 s5, $0x0  }
0x1f: {  	s9 =	smul.u32 $0xF7A, s1;
	s8 =	simm.s32 @!p0 $0x1BF5;
	p2 =	por !p2, p0  }
0x20: {  	[sflag:s8] =	ssyncset.s32 @!p0 $0xFFFFF086;
	s6 =	sadd.s32 @!p0 s3, s7;
	s7 =	simm.s32 @!p0 $0x108  }
0x21: {  	s3 =	sadd.s32 s3, s9;
	s6 =	sadd.s32 @!p0 $0x88, s6;
	s7 =	simm.s32 @p2 $0x1082  }
0x22: {  	[simem:s7], [sflag:s8] =	dma.local @!p0 [hbm:s6], $0xF7A  }
0x23: {  	s9 =	sor.u32 $0xD0000000, s2;
	s6 =	simm.s32 $0x108;
	_ =	swait.ge @!p0 [sflag:s8], $0x0  }
0x24: {  	s3 =	sadd.s32 $0x88, s3;
	s6 =	simm.s32 @!p1 $0x1082;
	[sflag:s4] =	ssyncset.s32 $0xFFFFF086  }
0x25: {  	[simem:s6], [sflag:s4] =	dma.local [hbm:s3], $0xF7A  }
0x26: {  	[smem:$0x3F99] =	sst s1;
	(tag) =	ssettag s2;
	_ =	strace s9  }
0x27: {  	s1 =	sld [smem:$0x3FA9]  }
0x28: {  	s2 =	sld [smem:$0x3FAA]  }
0x29: {  	s4 =	sld [smem:$0x3FAC]  }
0x2a: {  	p0 =	seq.s32 s5, $0x0;
	s5 =	sld [smem:$0x3FAD]  }
0x2b: {  	s6 =	sld [smem:$0x3FAE]  }
0x2c: {  	s7 =	sld [smem:$0x3FAF]  }
0x2d: {  	s3 =	simm.s32 $0x108;
	s8 =	sld [smem:$0x3FB0]  }
0x2e: {  	s3 =	simm.s32 @!p0 $0x1082;
	s9 =	sld [smem:$0x3FB1]  }
0x2f: {  	lr =	sadd.s32 s0, s3;
	s0 =	sld [smem:$0x3FA8]  }
0x30: {  	s3 =	sld [smem:$0x3FAB]  }
0x31: {  	[smem:$0x3FB4] =	sst s10  }
0x32: {  	s10 =	sld [smem:$0x3FB2];
	_ =	sdelay $0x3  }
0x33: {  	p0 =	seq.s32 s10, $0x1;
	s10 =	sld [smem:$0x3FB4];
	_ =	sdelay $0x3  }
0x34: {  	[smem:$0x3FB4] =	sst s10  }
0x35: {  	s10 =	sld [smem:$0x3FB3];
	_ =	sdelay $0x3  }
0x36: {  	p1 =	seq.s32 s10, $0x1;
	s10 =	sld [smem:$0x3FB4];
	_ =	sdelay $0x3  }
0x37: {  	[smem:$0x3FB4] =	sst s10  }
0x38: {  	s10 =	sld [smem:$0x3FB5]  }
0x39: {  	_ = 	snop;
	(pc) =	sbr.ind lr, $3  }
0x3a: {  	_ = 	snop  }
0x3b: {  	_ = 	snop  }
0x3c: {  	p2 =	seq.s32 s10, $0x1;
	s10 =	sld [smem:$0x3FB4]  }
0x3d: {  	_ =	shalt  }
0x3e: {  	_ =	shalt  }
0x3f: {  	_ =	shalt  }
0x40: {  	_ =	shalt  }
0x41: {  	_ =	shalt  }
0x42: {  	_ =	shalt  }
0x43: {  	_ =	shalt  }
0x44: {  	_ =	shalt  }
0x45: {  	_ =	shalt  }
0x46: {  	_ =	shalt  }
0x47: {  	_ =	shalt  }
0x48: {  	_ =	shalt  }
0x49: {  	_ =	shalt  }
0x4a: {  	_ =	shalt  }
0x4b: {  	_ =	shalt  }
0x4c: {  	_ =	shalt  }
0x4d: {  	_ =	shalt  }
0x4e: {  	_ =	shalt  }
0x4f: {  	_ =	shalt  }
0x50: {  	_ =	shalt  }
0x51: {  	_ =	shalt  }
0x52: {  	_ =	shalt  }
0x53: {  	_ =	shalt  }
0x54: {  	_ =	shalt  }
0x55: {  	_ =	shalt  }
0x56: {  	_ =	shalt  }
0x57: {  	_ =	shalt  }
0x58: {  	_ =	shalt  }
0x59: {  	_ =	shalt  }
0x5a: {  	_ =	shalt  }
0x5b: {  	_ =	shalt  }
0x5c: {  	_ =	shalt  }
0x5d: {  	_ =	shalt  }
0x5e: {  	_ =	shalt  }
0x5f: {  	_ =	shalt  }
0x60: {  	_ =	shalt  }
0x61: {  	_ =	shalt  }
0x62: {  	_ =	shalt  }
0x63: {  	_ =	shalt  }
0x64: {  	_ =	shalt  }
0x65: {  	_ =	shalt  }
0x66: {  	_ =	shalt  }
0x67: {  	_ =	shalt  }
0x68: {  	_ =	shalt  }
0x69: {  	_ =	shalt  }
0x6a: {  	_ =	shalt  }
0x6b: {  	_ =	shalt  }
0x6c: {  	_ =	shalt  }
0x6d: {  	_ =	shalt  }
0x6e: {  	_ =	shalt  }
0x6f: {  	_ =	shalt  }
0x70: {  	_ =	shalt  }
0x71: {  	_ =	shalt  }
0x72: {  	_ =	shalt  }
0x73: {  	_ =	shalt  }
0x74: {  	_ =	shalt  }
0x75: {  	_ =	shalt  }
0x76: {  	_ =	shalt  }
0x77: {  	_ =	shalt  }
0x78: {  	_ =	shalt  }
0x79: {  	_ =	shalt  }
0x7a: {  	_ =	shalt  }
0x7b: {  	_ =	shalt  }
0x7c: {  	_ =	shalt  }
0x7d: {  	_ =	shalt  }
0x7e: {  	_ =	shalt  }
0x7f: {  	_ =	shalt  }
0x80: {  	_ =	shalt  }
0x81: {  	_ =	shalt  }
0x82: {  	_ =	shalt  }
0x83: {  	_ =	shalt  }
0x84: {  	_ =	shalt  }
0x85: {  	_ =	shalt  }
0x86: {  	_ =	shalt  }
0x87: {  	_ =	shalt  }
.Lfunc_end0:
.L_simem_size_0:
called_computation_lowered:
.L_overlay_start_0:
0x88: {  	s2 =	sld [smem:$0x3FD9]  }
0x89: {  	s3 =	sld [smem:$0x3FFE];
	_ =	sdelay $0x1  }
0x8a: {  	s1 =	srdreg.scid  }
0x8b: {  	s0 =	sand.u32 $0x1, s1  }
0x8c: {  	s16 =	sshll.u32 s0, $0xA;
	s2 =	sadd.s32 s3, s2  }
0x8d: {  	s2 =	sadd.s32 s2, s16  }
0x8e: {  	[smem:$0x3FC0] =	sst s2  }
0x8f: {  	_ = 	snop  }
0x90: {  	(tm) =	ssettm $0x1  }
0x91: {  	s17 =	sld [smem:$0x3FFB];
	_ =	sdelay $0x3  }
0x92: {  	_ =	strace s17  }
0x93: {  	s2 =	sld [smem:$0x3FFC];
	_ =	sdelay $0x3  }
0x94: {  	_ =	strace s2  }
0x95: {  	s2 =	sld [smem:$0x3FFD];
	_ =	sdelay $0x3  }
0x96: {  	_ =	strace s2  }
0x97: {  	_ =	strace $0x8FFFFFFF  }
0x98: {  	s18 =	sld [smem:$0x3FDB];
	_ =	sdelay $0x1  }
0x99: {  	s19 =	simm.s32 $_scs_section_size  }
0x9a: {  	s4 =	simm.s32 $_size__tile_overlayer_lowered;
	s5 =	simm.s32 $_tile_overlayer_lowered  }
0x9b: {  	s22 =	simm.s32 $0x1BFF;
	s21 =	sshll.u32 s5, $0x1;
	s2 =	sadd.s32 s19, s18  }
0x9c: {  	s6 =	simm.s32 $0x0;
	s20 =	sshll.u32 s4, $0x1;
	s4 =	sadd.s32 s21, s2  }
0x9d: {  	[timem:s6], [sflag:s22] =	dma.local [hbm:s4], s20  }
0x9e: {  	_ =	swait.ge [sflag:s22], s20  }
0x9f: {  	s3 =	ssub.s32 $0x0, s20;
	[sflag:s22] =	ssyncset.done $0x0  }
0xa0: {  	[sflag:s22] =	ssyncadd.s32 s3;
	_ =	sdelay $0x1  }
0xa1: {  	s23 =	simm.s32 $0x1B8B  }
0xa2: {  	_ =	swait.ge [sflag:s23], $0x1  }
0xa3: {  	[sflag:s23] =	ssyncset.done $0x0  }
0xa4: {  	s25 =	simm.s32 $0x1B8E;
	s24 =	sld [smem:$0x3FFE];
	[sflag:s23] =	ssyncadd.s32 $0xFFFFFFFF  }
0xa5: {  	s26 =	simm.s32 $execute0_lowered;
	[smem:$0x3FD2] =	sst s25  }
0xa6: {  	s4 =	sshll.u32 s26, $0x1;
	_ =	strace $0x80000046;
	[dreg:$0x1] =	wrdreg $0xFFFFFFFF  }
0xa7: {  	s28 =	simm.s32 $_size_execute0_lowered;
	s2 =	sadd.s32 s2, s4;
	[dreg:$0x0] =	wrdreg $0x0  }
0xa8: {  	s4 =	sshll.u32 s28, $0x1;
	[dreg:$0x2] =	wrdreg s2  }
0xa9: {  	[dreg:$0x3] =	wrdreg s4  }
0xaa: {  	[dreg:$0x4] =	wrdreg $0xC0  }
0xab: {  	_ =	task [dreg:s6], $0x5FFFF  }
0xac: {  	[dreg:$0x1] =	wrdreg $0xFFFFFFFF  }
0xad: {  	[dreg:$0x0] =	wrdreg $0x60  }
0xae: {  	[dreg:$0x2] =	wrdreg s24  }
0xaf: {  	[dreg:$0x3] =	wrdreg $0x9  }
0xb0: {  	_ =	task.clear_ibuf [dreg:s6], $0x4FFFF;
	_ =	strace $0x90000046  }
0xb1: {  	s29 =	simm.s32 $0x9;
	_ =	strace $0x80000048  }
0xb2: {  	_ =	swait.ge [sflag:s29], $0x1  }
0xb3: {  	[sflag:s29] =	ssyncadd.s32 $0xFFFFFFFF  }
0xb4: {  	_ =	strace $0x90000048  }
0xb5: {  	_ =	sfence  }
0xb6: {  	s30 =	sld [smem:$0x0];
	_ =	sdelay $0x2  }
0xb7: {  	s31 =	sshll.u32 s1, $0xD;
	s1 =	sshrl.u32 s1, $0x2  }
0xb8: {  	s3 =	sand.u32 $0x4000, s31;
	s1 =	sadd.s32 s1, s30  }
0xb9: {  	s0 =	sor.u32 s3, s0;
	s1 =	sshll.u32 s1, $0x11  }
0xba: {  	s0 =	sor.u32 s1, s0  }
0xbb: {  	s0 =	sadd.s32 $0x8F2B, s0  }
0xbc: {  	[sflag:s0] =	ssyncadd.remote.s32 $0x1  }
0xbd: {  	_ =	sfence.sel $0xFFFF  }
0xbe: {  	[dreg:$0x0] =	wrdreg $0xFFFFFFFF;
	(pc) =	sbr.abs _section_cstart, $3  }
0xbf: {  	[dreg:$0x1] =	wrdreg $0xFFFFFFFF  }
0xc0: {  	_ =	task.clear_ibuf [dreg:s6], $0x2FFFF;
	_ =	strace $0x9FFFFFFF  }
0xc1: {  	(tm) =	ssettm $0x7FFFFFFF  }
tec
execute0_lowered:
.L_overlay_start_1:
0x0: {  	(tag) =	ssettag $0x1  }
0x1: {  	s1 =	srdreg.scid;
	s0 =	stileid.u32  }
0x2: {  	s4 =	rddreg [dreg:$0x0];
	s3 =	sand.u32 $0x1, s1;
	s30 =	sshll.u32 s0, $0x1  }
0x3: {  	s2 =	simm.s32 $0x0;
	s6 =	simm.s32 $0x1;
	s1 =	sor.u32 s3, s30  }
0x4: {  	s7 =	simm.s32 $0x2710;
	s8 =	simm.s32 $0x2;
	s5 =	smul.u32 $0x2710, s1  }
0x5: {  	s9 =	simm.s32 $0x0;
	[smem:$0x7FF] =	sst s2;
	s3 =	ssub.s32 $0x2, s3  }
0x6: {  	s1 =	rddreg [dreg:$0x1];
	s31 =	sshrl.u32 s3, $0x1;
	s5 =	sshrl.u32 s5, $0x3  }
0x7: {  	_ =	strace $0x80000047;
	s4 =	sadd.s32 s5, s4;
	s5 =	ssub.s32 s3, s31  }
0x8: {  	v0 =	vimm.f32 $0.0e+00;
	v1 =	vimm.f32 $1.000000000e+00;
	s3 =	sadd.s32 $0xB440, s4;
	s4 =	sadd.s32 $0x15200, s4;
	s5 =	smax.u32 s5, $0x1  }
.LBB2_1:
0x9: {  	[tilespmem:s2], [sflag:$0x1] =	stream.linear.gather [hbm4b:s3+s2], $0x2710, $0x38;
	[tilespmem:$0x4E20] =	vst v63  }
0xa: {  	s10 =	simm.s32 $0x0;
	s11 =	simm.s32 $0x640  }
.LBB2_2:
0xb: {  	p0 =	sne.s32 s11, $0x9600;
	[tilespmem:s10+$0x2890] =	vst v0  }
0xc: {  	[tilespmem:s10+$0x2710] =	vst v0  }
0xd: {  	[tilespmem:s10+$0x2720] =	vst v0  }
0xe: {  	[tilespmem:s10+$0x2730] =	vst v0  }
0xf: {  	[tilespmem:s10+$0x2740] =	vst v0  }
0x10: {  	[tilespmem:s10+$0x2750] =	vst v0  }
0x11: {  	[tilespmem:s10+$0x2760] =	vst v0  }
0x12: {  	[tilespmem:s10+$0x2770] =	vst v0  }
0x13: {  	[tilespmem:s10+$0x2780] =	vst v0  }
0x14: {  	[tilespmem:s10+$0x2790] =	vst v0  }
0x15: {  	[tilespmem:s10+$0x27A0] =	vst v0  }
0x16: {  	[tilespmem:s10+$0x27B0] =	vst v0  }
0x17: {  	[tilespmem:s10+$0x27C0] =	vst v0  }
0x18: {  	[tilespmem:s10+$0x27D0] =	vst v0  }
0x19: {  	[tilespmem:s10+$0x27E0] =	vst v0  }
0x1a: {  	[tilespmem:s10+$0x27F0] =	vst v0  }
0x1b: {  	[tilespmem:s10+$0x2800] =	vst v0  }
0x1c: {  	[tilespmem:s10+$0x2810] =	vst v0  }
0x1d: {  	[tilespmem:s10+$0x2820] =	vst v0  }
0x1e: {  	[tilespmem:s10+$0x2830] =	vst v0  }
.Ltmp0:
0x1f: {  	[tilespmem:s10+$0x2840] =	vst v0;
	(pc) =	sbr.rel @p0 .LBB2_2-.Ltmp0, $4  }
0x20: {  	[tilespmem:s10+$0x2850] =	vst v0  }
0x21: {  	[tilespmem:s10+$0x2860] =	vst v0  }
0x22: {  	[tilespmem:s10+$0x2870] =	vst v0  }
0x23: {  	[tilespmem:s10+$0x2880] =	vst v0;
	s10 =	sshra.s32 s11, $0x2;
	s11 =	sadd.s32 $0x640, s11  }
0x24: {  	[tilespmem:s10+$0x2890] =	vst v0  }
0x25: {  	[tilespmem:s10+$0x2710] =	vst v0  }
0x26: {  	[tilespmem:s10+$0x2720] =	vst v0  }
0x27: {  	[tilespmem:s10+$0x2730] =	vst v0  }
0x28: {  	[tilespmem:s10+$0x2740] =	vst v0  }
0x29: {  	[tilespmem:s10+$0x2750] =	vst v0  }
0x2a: {  	[tilespmem:s10+$0x2760] =	vst v0  }
0x2b: {  	[tilespmem:s10+$0x2770] =	vst v0  }
0x2c: {  	[tilespmem:s10+$0x2780] =	vst v0  }
0x2d: {  	[tilespmem:s10+$0x2790] =	vst v0  }
0x2e: {  	[tilespmem:s10+$0x27A0] =	vst v0  }
0x2f: {  	[tilespmem:s10+$0x27B0] =	vst v0  }
0x30: {  	[tilespmem:s10+$0x27C0] =	vst v0  }
0x31: {  	[tilespmem:s10+$0x27D0] =	vst v0  }
0x32: {  	[tilespmem:s10+$0x27E0] =	vst v0  }
0x33: {  	[tilespmem:s10+$0x27F0] =	vst v0  }
0x34: {  	[tilespmem:s10+$0x2800] =	vst v0  }
0x35: {  	[tilespmem:s10+$0x2810] =	vst v0  }
0x36: {  	[tilespmem:s10+$0x2820] =	vst v0  }
0x37: {  	[tilespmem:s10+$0x2830] =	vst v0  }
0x38: {  	[tilespmem:s10+$0x2840] =	vst v0  }
0x39: {  	[tilespmem:s10+$0x2850] =	vst v0  }
0x3a: {  	[tilespmem:s10+$0x2860] =	vst v0  }
0x3b: {  	[tilespmem:s10+$0x2870] =	vst v0  }
0x3c: {  	[tilespmem:s10+$0x2880] =	vst v0  }
0x3d: {  	_ =	swait.ge [sflag:s6], $0x2710  }
0x3e: {  	[sflag:s6] =	ssyncset.done $0x0  }
0x3f: {  	s10 =	simm.s32 $0x0;
	[sflag:s6] =	ssyncadd.s32 $0xFFFFD8F0  }
.LBB2_4:
0x40: {  	s11 =	sshra.s32 s10, $0x2  }
0x41: {  	v2 =	vld [tilespmem:s11+$0x0]  }
0x42: {  	v3 =	vld [tilespmem:s11+$0x10]  }
0x43: {  	v4 =	vld [tilespmem:s11+$0x20]  }
0x44: {  	v5 =	vld [tilespmem:s11+$0x30]  }
0x45: {  	v6 =	vld [tilespmem:s11+$0x40];
	_ =	sdelay $0x3  }
0x46: {  	[tilespmem:v2+s7+$0x0] =	vst.idx.add.f32.msk $0xffff, v1  }
0x47: {  	[tilespmem:v3+s7+$0x0] =	vst.idx.add.f32.msk $0xffff, v1  }
0x48: {  	[tilespmem:v4+s7+$0x0] =	vst.idx.add.f32.msk $0xffff, v1  }
0x49: {  	[tilespmem:v5+s7+$0x0] =	vst.idx.add.f32.msk $0xffff, v1  }
0x4a: {  	[tilespmem:v6+s7+$0x0] =	vst.idx.add.f32.msk $0xffff, v1  }
0x4b: {  	v2 =	vld [tilespmem:s11+$0x50]  }
0x4c: {  	v3 =	vld [tilespmem:s11+$0x60]  }
0x4d: {  	v4 =	vld [tilespmem:s11+$0x70]  }
0x4e: {  	v5 =	vld [tilespmem:s11+$0x80]  }
0x4f: {  	v6 =	vld [tilespmem:s11+$0x90];
	_ =	sdelay $0x3  }
0x50: {  	[tilespmem:v2+s7+$0x0] =	vst.idx.add.f32.msk $0xffff, v1  }
0x51: {  	[tilespmem:v3+s7+$0x0] =	vst.idx.add.f32.msk $0xffff, v1  }
0x52: {  	[tilespmem:v4+s7+$0x0] =	vst.idx.add.f32.msk $0xffff, v1  }
0x53: {  	[tilespmem:v5+s7+$0x0] =	vst.idx.add.f32.msk $0xffff, v1  }
0x54: {  	[tilespmem:v6+s7+$0x0] =	vst.idx.add.f32.msk $0xffff, v1  }
0x55: {  	v2 =	vld [tilespmem:s11+$0xA0]  }
0x56: {  	v3 =	vld [tilespmem:s11+$0xB0]  }
0x57: {  	v4 =	vld [tilespmem:s11+$0xC0]  }
0x58: {  	v5 =	vld [tilespmem:s11+$0xD0]  }
0x59: {  	v6 =	vld [tilespmem:s11+$0xE0];
	_ =	sdelay $0x3  }
0x5a: {  	[tilespmem:v2+s7+$0x0] =	vst.idx.add.f32.msk $0xffff, v1  }
0x5b: {  	[tilespmem:v3+s7+$0x0] =	vst.idx.add.f32.msk $0xffff, v1  }
0x5c: {  	[tilespmem:v4+s7+$0x0] =	vst.idx.add.f32.msk $0xffff, v1  }
0x5d: {  	[tilespmem:v5+s7+$0x0] =	vst.idx.add.f32.msk $0xffff, v1  }
0x5e: {  	[tilespmem:v6+s7+$0x0] =	vst.idx.add.f32.msk $0xffff, v1  }
0x5f: {  	v2 =	vld [tilespmem:s11+$0xF0]  }
0x60: {  	v3 =	vld [tilespmem:s11+$0x100]  }
0x61: {  	v4 =	vld [tilespmem:s11+$0x110]  }
0x62: {  	v5 =	vld [tilespmem:s11+$0x120]  }
0x63: {  	v6 =	vld [tilespmem:s11+$0x130];
	_ =	sdelay $0x3  }
0x64: {  	[tilespmem:v2+s7+$0x0] =	vst.idx.add.f32.msk $0xffff, v1  }
0x65: {  	[tilespmem:v3+s7+$0x0] =	vst.idx.add.f32.msk $0xffff, v1  }
0x66: {  	[tilespmem:v4+s7+$0x0] =	vst.idx.add.f32.msk $0xffff, v1  }
0x67: {  	[tilespmem:v5+s7+$0x0] =	vst.idx.add.f32.msk $0xffff, v1  }
0x68: {  	[tilespmem:v6+s7+$0x0] =	vst.idx.add.f32.msk $0xffff, v1  }
0x69: {  	v2 =	vld [tilespmem:s11+$0x140]  }
0x6a: {  	v3 =	vld [tilespmem:s11+$0x150]  }
0x6b: {  	v4 =	vld [tilespmem:s11+$0x160]  }
0x6c: {  	v5 =	vld [tilespmem:s11+$0x170]  }
0x6d: {  	v6 =	vld [tilespmem:s11+$0x180];
	_ =	sdelay $0x2  }
0x6e: {  	p0 =	sne.s32 s10, $0x9600  }
.Ltmp1:
0x6f: {  	[tilespmem:v2+s7+$0x0] =	vst.idx.add.f32.msk $0xffff, v1;
	(pc) =	sbr.rel @p0 .LBB2_4-.Ltmp1, $4  }
0x70: {  	[tilespmem:v3+s7+$0x0] =	vst.idx.add.f32.msk $0xffff, v1  }
0x71: {  	[tilespmem:v4+s7+$0x0] =	vst.idx.add.f32.msk $0xffff, v1  }
0x72: {  	[tilespmem:v5+s7+$0x0] =	vst.idx.add.f32.msk $0xffff, v1  }
0x73: {  	s10 =	sadd.s32 $0x640, s10;
	[tilespmem:v6+s7+$0x0] =	vst.idx.add.f32.msk $0xffff, v1  }
0x74: {  	s9 =	sadd.s32 $0x1, s9  }
0x75: {  	p0 =	sne.s32 s9, s5  }
.Ltmp2:
0x76: {  	_ = 	snop;
	(pc) =	sbr.rel @p0 .LBB2_1-.Ltmp2, $4  }
0x77: {  	[hbm4b:s4+s2] =	stream.linear.scatter [tilespmem:s7], [sflag:$0x2], $0x2710, $0x38;
	[tilespmem:$0x4E20] =	vst v63  }
0x78: {  	_ =	swait.ge [sflag:s8], $0x2710  }
0x79: {  	[sflag:s8] =	ssyncset.done $0x0  }
0x7a: {  	[sflag:s8] =	ssyncadd.s32 $0xFFFFD8F0  }
0x7b: {  	_ =	sfence.sel $0x180000  }
0x7c: {  	[bflag:$0x0] =	sbarrier.arrive $0xFFFF  }
0x7d: {  	p0 =	sne.s32 s0, $0x0;
	_ =	strace $0x90000047  }
0x7e: {  	s0 =	sadd.s32 @!p0 $0x100000, s1;
	[bflag:$0x2] =	sbarrier.arrive $0xFFFF  }
0x7f: {  	[sflag:s0] =	ssyncadd.tile.s32 @!p0 $0x1;
	_ =	shalt  }
.Lfunc_end2:
_tile_overlayer_lowered:
.L_overlay_start_2:
0x80: {  	(tag) =	ssettag $0x2  }
0x81: {  	s0 =	rddreg [dreg:$0x0];
	s2 =	stileid.u32  }
0x82: {  	s1 =	rddreg [dreg:$0x1];
	p0 =	sne.s32 s2, $0x0  }
0x83: {  	s3 =	rddreg [dreg:$0x2];
	[bflag:$0x3] =	sbarrier.arrive $0xFFFF;
	s2 =	simm.s32 @!p0 $0x1C02  }
0x84: {  	[timem:s3], [sflag:s2] =	dma.local @!p0 [hbm:s0], s1  }
0x85: {  	s0 =	simm.s32 @!p0 $0x2  }
0x86: {  	_ =	swait.ge @!p0 [sflag:s0], s1  }
0x87: {  	s1 =	ssub.s32 @!p0 $0x0, s1;
	[sflag:s0] =	ssyncset.done @!p0 $0x0  }
0x88: {  	[sflag:s0] =	ssyncadd.s32 @!p0 s1  }
0x89: {  	[bflag:$0x3] =	sbarrier.arrive $0xFFFF  }
0x8a: {  	_ =	shalt  }

</sc_bundles>
